<compile_context>
chip_gen: v7x
topology: tpu7x:2x2x1
jax: 0.10.2.dev20260603
libtpu: 0.0.44.dev20260713+nightly
codegen_flags: <defaults>
</compile_context>

<pallas_src>
import jax
import jax.numpy as jnp
from jax import lax
from jax.experimental import pallas as pl
from jax.experimental.pallas import tpu as pltpu
from jax.experimental.pallas import tpu_sc as plsc

_N = 10000
_F = 128
_E = 320000
_NP = 10240
_W = 128
_LANES = 16
_NTILES = 16
_NSC = 2
_EPAD = 327680
_NWIN = _EPAD // (_NSC * _NTILES * _W)
_HR = _NP // _F


def _sc_pass(with_deg):
    mesh = plsc.VectorSubcoreMesh(core_axis_name="c", subcore_axis_name="s")
    out_type = [jax.ShapeDtypeStruct((_NSC, _NP, _F), jnp.float32)]
    scratch = [
        pltpu.VMEM((2, _W), jnp.int32),
        pltpu.VMEM((2, _W), jnp.int32),
        pltpu.VMEM((_W,), jnp.int32),
        pltpu.VMEM((_W,), jnp.int32),
        pltpu.VMEM((_W, _F), jnp.float32),
        pltpu.VMEM((_W, _F), jnp.float32),
        pltpu.VMEM_SHARED((_NP, _F), jnp.float32),
        pltpu.SemaphoreType.DMA,
        pltpu.SemaphoreType.DMA,
        pltpu.SemaphoreType.DMA,
        pltpu.SemaphoreType.DMA,
        pltpu.SemaphoreType.DMA,
        pltpu.SemaphoreType.DMA,
    ]
    if with_deg:
        out_type.append(
            jax.ShapeDtypeStruct((_NSC * _NTILES, _HR, _F), jnp.int32))
        scratch.append(pltpu.VMEM((_HR, _F), jnp.int32))

    def body(*args):
        if with_deg:
            (v_hbm, idx_hbm, zf_hbm, zh_hbm, s_out, d_out,
             idx0, idx1, colp0, colp1, xb0, xb1, agg,
             isem0, isem1, gsem0, gsem1, ssem0, ssem1, hist_v) = args
        else:
            (v_hbm, idx_hbm, zf_hbm, s_out,
             idx0, idx1, colp0, colp1, xb0, xb1, agg,
             isem0, isem1, gsem0, gsem1, ssem0, ssem1) = args
        idx = (idx0, idx1)
        colp = (colp0, colp1)
        xb = (xb0, xb1)
        isem = (isem0, isem1)
        gsem = (gsem0, gsem1)
        ssem = (ssem0, ssem1)
        c = lax.axis_index("c")
        s = lax.axis_index("s")
        zrows = _NP // _NTILES
        pltpu.sync_copy(zf_hbm, agg.at[pl.ds(s * zrows, zrows)])
        if with_deg:
            pltpu.sync_copy(zh_hbm, hist_v)
        plsc.subcore_barrier()

        lane = lax.iota(jnp.int32, 16)
        wbase = (c * _NTILES + s) * _NWIN

        def compute_colp(b):
            rv, cv = idx[b].at[0], idx[b].at[1]
            for i in range(_W // 16):
                r = rv[pl.ds(i * 16, 16)]
                cc = cv[pl.ds(i * 16, 16)]
                colp[b][pl.ds(i * 16, 16)] = jnp.where(r == cc, _N + lane, cc)

        def deg_update(b):
            rv, cv = idx[b].at[0], idx[b].at[1]
            for i in range(_W // 16):
                r = rv[pl.ds(i * 16, 16)]
                cc = cv[pl.ds(i * 16, 16)]
                cnt, last = plsc.scan_count(cc, r != cc)
                plsc.addupdate_scatter(
                    hist_v, [cc >> 7, cc & 127], cnt, mask=last)

        def start_gather(b):
            pltpu.async_copy(v_hbm.at[idx[b].at[0]], xb[b], gsem[b])

        def wait_gather(b):
            pltpu.make_async_copy(v_hbm.at[idx[b].at[0]], xb[b],
                                  gsem[b]).wait()

        def start_scatter(b):
            pltpu.async_copy(xb[b], agg.at[colp[b]], ssem[b], add=True)

        def wait_scatter(b):
            pltpu.make_async_copy(xb[b], agg.at[colp[b]], ssem[b]).wait()

        pltpu.sync_copy(idx_hbm.at[wbase], idx0)
        compute_colp(0)
        start_gather(0)
        pltpu.async_copy(idx_hbm.at[wbase + 1], idx1, isem1)

        def pair(k, carry):
            for b in (0, 1):
                g = 2 * k + b
                o = 1 - b
                if with_deg:
                    deg_update(b)
                wait_gather(b)
                start_scatter(b)
                if b == 0:

                    @pl.when(k > 0)
                    def _():
                        wait_scatter(o)
                else:
                    wait_scatter(o)
                pltpu.make_async_copy(idx_hbm.at[wbase + g + 1], idx[o],
                                      isem[o]).wait()
                compute_colp(o)
                start_gather(o)
                pltpu.async_copy(idx_hbm.at[wbase + g + 2], idx[b], isem[b])
            return carry

        lax.fori_loop(0, _NWIN // 2, pair, 0)
        wait_scatter(1)
        wait_gather(0)
        pltpu.make_async_copy(idx_hbm.at[wbase + _NWIN + 1], idx[1],
                              isem[1]).wait()
        plsc.subcore_barrier()
        orows = _NP // _NTILES
        pltpu.sync_copy(agg.at[pl.ds(s * orows, orows)],
                        s_out.at[c, pl.ds(s * orows, orows)])
        if with_deg:
            pltpu.sync_copy(hist_v, d_out.at[c * _NTILES + s])

    params = (pltpu.CompilerParams(needs_layout_passes=False)
              if with_deg else None)
    cost = pl.CostEstimate(flops=0, transcendentals=0,
                           bytes_accessed=340_000_000)
    return pl.kernel(body, out_type=out_type, mesh=mesh,
                     scratch_types=scratch, compiler_params=params,
                     cost_estimate=cost)


_RP = 1024


def _lrelu(h):
    return jnp.where(h >= 0, h, 0.01 * h)


def _dv_block(d_ref):
    deg = jnp.sum(d_ref[...], axis=0).astype(jnp.float32) + 1.0
    dinv = 1.0 / deg
    ey = (lax.broadcasted_iota(jnp.int32, (_F, _F), 0)
          == lax.broadcasted_iota(jnp.int32, (_F, _F), 1)).astype(jnp.float32)
    ones = jnp.ones((_F, _F), jnp.float32)
    rows = [jnp.dot(ey * dinv[r:r + 1, :], ones,
                    preferred_element_type=jnp.float32)
            for r in range(_RP // _F)]
    return jnp.concatenate(rows, axis=0)


def _tc1_body(x_ref, s_ref, d_ref, wo_ref, b_ref, wr_ref, w2_ref,
              h1_ref, y2_ref):
    xb = x_ref[...]
    agg = (s_ref[0] + s_ref[1] + xb) * _dv_block(d_ref)
    h = (jnp.dot(agg, wo_ref[...], preferred_element_type=jnp.float32)
         + b_ref[...]
         + jnp.dot(xb, wr_ref[...], preferred_element_type=jnp.float32))
    h1 = _lrelu(h)
    h1_ref[...] = h1
    y2_ref[...] = jnp.dot(h1, w2_ref[...], preferred_element_type=jnp.float32)


def _tc2_body(y_ref, s_ref, d_ref, h1_ref, wr_ref, b2_ref, w3_ref, b3_ref,
              w4_ref, b4_ref, w5_ref, b5_ref, o_ref):
    yb = y_ref[...]
    h2 = _lrelu((s_ref[0] + s_ref[1] + yb) * _dv_block(d_ref) + b2_ref[...]
                + jnp.dot(h1_ref[...], wr_ref[...],
                          preferred_element_type=jnp.float32))
    h3 = _lrelu(jnp.dot(h2, w3_ref[...],
                        preferred_element_type=jnp.float32) + b3_ref[...])
    h4 = _lrelu(jnp.dot(h3, w4_ref[...],
                        preferred_element_type=jnp.float32) + b4_ref[...])
    o_ref[...] = jnp.dot(h4, w5_ref[...],
                         preferred_element_type=jnp.float32) + b5_ref[...]


def _full(shape):
    return pl.BlockSpec(shape, lambda i: tuple(0 for _ in shape))


def _tc1(xp, s1, dp, w1_out, b1, w1_root, w2_out):
    return pl.pallas_call(
        _tc1_body,
        grid=(_NP // _RP,),
        in_specs=[
            pl.BlockSpec((_RP, _F), lambda i: (i, 0)),
            pl.BlockSpec((_NSC, _RP, _F), lambda i: (0, i, 0)),
            pl.BlockSpec((_NSC * _NTILES, _RP // _F, _F),
                         lambda i: (0, i, 0)),
            _full((_F, 256)),
            _full((1, 256)),
            _full((_F, 256)),
            _full((256, _F)),
        ],
        out_specs=[
            pl.BlockSpec((_RP, 256), lambda i: (i, 0)),
            pl.BlockSpec((_RP, _F), lambda i: (i, 0)),
        ],
        out_shape=[
            jax.ShapeDtypeStruct((_NP, 256), jnp.float32),
            jax.ShapeDtypeStruct((_NP, _F), jnp.float32),
        ],
    )(xp, s1, dp, w1_out, b1, w1_root, w2_out)


def _tc2(y2, s2, dp, h1, w2_root, b2, w3, b3, w4, b4, w5, b5):
    return pl.pallas_call(
        _tc2_body,
        grid=(_NP // _RP,),
        in_specs=[
            pl.BlockSpec((_RP, _F), lambda i: (i, 0)),
            pl.BlockSpec((_NSC, _RP, _F), lambda i: (0, i, 0)),
            pl.BlockSpec((_NSC * _NTILES, _RP // _F, _F),
                         lambda i: (0, i, 0)),
            pl.BlockSpec((_RP, 256), lambda i: (i, 0)),
            _full((256, _F)),
            _full((1, _F)),
            _full((_F, 256)),
            _full((1, 256)),
            _full((256, _F)),
            _full((1, _F)),
            _full((_F, 64)),
            _full((1, 64)),
        ],
        out_specs=pl.BlockSpec((_RP, 64), lambda i: (i, 0)),
        out_shape=jax.ShapeDtypeStruct((_NP, 64), jnp.float32),
    )(y2, s2, dp, h1, w2_root, b2, w3, b3, w4, b4, w5, b5)


def kernel(x, edge_index, w1_out, b1_out, w1_root, w2_out, b2_out, w2_root,
           w3, b3, w4, b4, w5, b5):
    nwin_total = _EPAD // _W + 2
    pad = (jnp.arange(_E, _EPAD + 2 * _W, dtype=jnp.int32) % _N)
    rowp = jnp.concatenate([edge_index[0], pad]).reshape(nwin_total, 1, _W)
    colp = jnp.concatenate([edge_index[1], pad]).reshape(nwin_total, 1, _W)
    idxarr = jnp.concatenate([rowp, colp], axis=1)
    zf = jnp.zeros((_NP // _NTILES, _F), jnp.float32)
    zh = jnp.zeros((_HR, _F), jnp.int32)

    s1, dp = _sc_pass(True)(x, idxarr, zf, zh)
    h1, y2 = _tc1(x, s1, dp, w1_out, b1_out.reshape(1, -1), w1_root, w2_out)
    (s2,) = _sc_pass(False)(y2, idxarr, zf)
    out = _tc2(y2, s2, dp, h1, w2_root, b2_out.reshape(1, -1),
               w3, b3.reshape(1, -1), w4, b4.reshape(1, -1),
               w5, b5.reshape(1, -1))
    return out[:_N]

# --- scband reference (transcript-rebuilt; emitter-appended) ---
"""Pipeline reference for scband-cluster-gcndnnmodel-68685116998383 (READ-ONLY COPY).

The authoritative reference and input builder live on the scoring server;
editing this copy changes nothing except your own understanding.
"""

import jax, jax.numpy as jnp
import numpy as np


def _cluster_gcn_conv(x, edge_index, w_out, b_out, w_root, diag_lambda=0.0):
    # Faithful to torch_geometric.nn.ClusterGCNConv (add_self_loops=True, diag_lambda=0):
    #   remove existing self-loops, add fresh self-loops,
    #   deg computed over col (dst) including self-loops,
    #   edge_weight = deg_inv[col]; self-loop weight += diag_lambda * deg_inv,
    #   out = lin_out(aggregate) + lin_root(x)
    N = x.shape[0]
    row, col = edge_index[0], edge_index[1]
    mask = (row != col).astype(x.dtype)  # removed self-loops contribute 0
    deg = jax.ops.segment_sum(mask, col, num_segments=N) + 1.0  # +1 for added self-loop
    deg_inv = 1.0 / jnp.maximum(deg, 1.0)
    ew = deg_inv[col] * mask
    msg = x[row] * ew[:, None]
    agg = jax.ops.segment_sum(msg, col, num_segments=N)
    self_w = deg_inv * (1.0 + diag_lambda)
    agg = agg + x * self_w[:, None]
    return agg @ w_out + b_out + x @ w_root


def setup_inputs(seed: int = 0):
    key = jax.random.key(seed)
    ks = jax.random.split(key, 10)
    N, F, E = 10000, 128, 320000

    def lin(k, fan_in, fan_out, bias=True):
        kw, kb = jax.random.split(k)
        bound = 1.0 / np.sqrt(fan_in)
        w = jax.random.uniform(kw, (fan_in, fan_out), minval=-bound, maxval=bound, dtype=jnp.float32)
        if bias:
            b = jax.random.uniform(kb, (fan_out,), minval=-bound, maxval=bound, dtype=jnp.float32)
            return w, b
        return w

    x = jax.random.normal(ks[0], (N, F), dtype=jnp.float32)
    edge_index = jax.random.randint(ks[1], (2, E), 0, N, dtype=jnp.int32)
    w1_out, b1_out = lin(ks[2], 128, 256)
    w1_root = lin(ks[3], 128, 256, bias=False)
    w2_out, b2_out = lin(ks[4], 256, 128)
    w2_root = lin(ks[5], 256, 128, bias=False)
    w3, b3 = lin(ks[6], 128, 256)
    w4, b4 = lin(ks[7], 256, 128)
    w5, b5 = lin(ks[8], 128, 64)
    return {"x": x, "edge_index": edge_index,
            "w1_out": w1_out, "b1_out": b1_out, "w1_root": w1_root,
            "w2_out": w2_out, "b2_out": b2_out, "w2_root": w2_root,
            "w3": w3, "b3": b3, "w4": w4, "b4": b4, "w5": w5, "b5": b5}


def reference(x, edge_index, w1_out, b1_out, w1_root, w2_out, b2_out, w2_root, w3, b3, w4, b4, w5, b5):
    h = _cluster_gcn_conv(x, edge_index, w1_out, b1_out, w1_root)
    h = jax.nn.leaky_relu(h, 0.01)
    h = _cluster_gcn_conv(h, edge_index, w2_out, b2_out, w2_root)
    h = jax.nn.leaky_relu(h, 0.01)
    h = jax.nn.leaky_relu(h @ w3 + b3, 0.01)
    h = jax.nn.leaky_relu(h @ w4 + b4, 0.01)
    return h @ w5 + b5

if __name__ == "__main__":
    import jax
    _d = setup_inputs()
    print(jax.jit(kernel)(*tuple(_d.values())))

</pallas_src>

<mosaic_0001>
#map = affine_map<(d0, d1) -> (0, 0)>
#map1 = affine_map<(d0, d1) -> (0, 0, 0)>
module attributes {stable_mosaic.version = 14 : i64} {
  func.func @body(%arg0: i32, %arg1: i32, %arg2: memref<10240x128xf32, #tpu.memory_space<hbm>>, %arg3: memref<2562x2x128xi32, #tpu.memory_space<hbm>>, %arg4: memref<640x128xf32, #tpu.memory_space<hbm>>, %arg5: memref<2x10240x128xf32, #tpu.memory_space<hbm>>, %arg6: memref<2x128xi32, #tpu.memory_space<vmem>>, %arg7: memref<2x128xi32, #tpu.memory_space<vmem>>, %arg8: memref<128xi32, #tpu.memory_space<vmem>>, %arg9: memref<128xi32, #tpu.memory_space<vmem>>, %arg10: memref<128x128xf32, #tpu.memory_space<vmem>>, %arg11: memref<128x128xf32, #tpu.memory_space<vmem>>, %arg12: memref<10240x128xf32, #tpu.memory_space<vmem_shared>>, %arg13: memref<!tpu.dma_semaphore, #tpu.memory_space<semaphore_mem>>, %arg14: memref<!tpu.dma_semaphore, #tpu.memory_space<semaphore_mem>>, %arg15: memref<!tpu.dma_semaphore, #tpu.memory_space<semaphore_mem>>, %arg16: memref<!tpu.dma_semaphore, #tpu.memory_space<semaphore_mem>>, %arg17: memref<!tpu.dma_semaphore, #tpu.memory_space<semaphore_mem>>, %arg18: memref<!tpu.dma_semaphore, #tpu.memory_space<semaphore_mem>>) attributes {dimension_semantics = [#tpu.dimension_semantics<core_parallel>, #tpu.dimension_semantics<subcore_parallel>], iteration_bounds = array<i64: 2, 16>, scalar_prefetch = 0 : i64, scratch_operands = 13 : i64, tpu.core_type = #tpu.core_type<sc_vector_subcore>, window_params = [{transform_indices = #map}, {transform_indices = #map1}, {transform_indices = #map}, {transform_indices = #map1}]} {
    %mul3A = arith.constant 640 : i32
    %mul3A_0 = arith.muli %arg1, %mul3A : i32
    "tpu.region"() ({
      %run_scoped3A = tpu.sem_alloc : memref<!tpu.dma_semaphore, #tpu.memory_space<semaphore_mem>>
      %dma_start3A_200 = arith.constant 0 : i32
      %dma_start3A_201 = tpu.memref_slice %arg12[%mul3A_0, %dma_start3A_200] : memref<10240x128xf32, #tpu.memory_space<vmem_shared>> -> memref<640x128xf32, #tpu.memory_space<vmem_shared>>
      tpu.enqueue_dma source(%arg4 : memref<640x128xf32, #tpu.memory_space<hbm>>) target(%dma_start3A_201 : memref<640x128xf32, #tpu.memory_space<vmem_shared>>) target_semaphore(%run_scoped3A : memref<!tpu.dma_semaphore, #tpu.memory_space<semaphore_mem>>)
      %dma_wait3A_202 = arith.constant 0 : i32
      %dma_wait3A_203 = tpu.memref_slice %arg12[%mul3A_0, %dma_wait3A_202] : memref<10240x128xf32, #tpu.memory_space<vmem_shared>> -> memref<640x128xf32, #tpu.memory_space<vmem_shared>>
      tpu.wait_dma2 semaphore(%run_scoped3A : memref<!tpu.dma_semaphore, #tpu.memory_space<semaphore_mem>>) src(%arg4 : memref<640x128xf32, #tpu.memory_space<hbm>>) dst(%dma_wait3A_203 : memref<640x128xf32, #tpu.memory_space<vmem_shared>>)
      tpu.yield
    }) : () -> ()
    %barrier3A = arith.constant 0 : index
    tpu.barrier barrier_id(%barrier3A)
    %iota3A = tpu.iota {dimensions = array<i32: 0>} : vector<16xi32>
    %mul3A_1 = arith.constant 16 : i32
    %mul3A_2 = arith.muli %arg0, %mul3A_1 : i32
    %add3A = arith.addi %mul3A_2, %arg1 : i32
    %mul3A_3 = arith.constant 80 : i32
    %mul3A_4 = arith.muli %add3A, %mul3A_3 : i32
    "tpu.region"() ({
      %run_scoped3A = tpu.sem_alloc : memref<!tpu.dma_semaphore, #tpu.memory_space<semaphore_mem>>
      %dma_start3A_200 = arith.constant 0 : i32
      %dma_start3A_201 = arith.constant 0 : i32
      %dma_start3A_202 = tpu.memref_slice %arg3[%mul3A_4, %dma_start3A_200, %dma_start3A_201] : memref<2562x2x128xi32, #tpu.memory_space<hbm>> -> memref<1x2x128xi32, #tpu.memory_space<hbm>>
      %dma_start3A_203 = tpu.memref_squeeze %dma_start3A_202 : memref<1x2x128xi32, #tpu.memory_space<hbm>> -> memref<2x128xi32, #tpu.memory_space<hbm>>
      %dma_start3A_204 = arith.constant 0 : i32
      %dma_start3A_205 = arith.constant 0 : i32
      %dma_start3A_206 = tpu.memref_slice %arg3[%mul3A_4, %dma_start3A_204, %dma_start3A_205] : memref<2562x2x128xi32, #tpu.memory_space<hbm>> -> memref<1x2x128xi32, #tpu.memory_space<hbm>>
      %dma_start3A_207 = tpu.memref_squeeze %dma_start3A_206 : memref<1x2x128xi32, #tpu.memory_space<hbm>> -> memref<2x128xi32, #tpu.memory_space<hbm>>
      tpu.enqueue_dma source(%dma_start3A_207 : memref<2x128xi32, #tpu.memory_space<hbm>>) target(%arg6 : memref<2x128xi32, #tpu.memory_space<vmem>>) target_semaphore(%run_scoped3A : memref<!tpu.dma_semaphore, #tpu.memory_space<semaphore_mem>>)
      %dma_wait3A_208 = arith.constant 0 : i32
      %dma_wait3A_209 = arith.constant 0 : i32
      %dma_wait3A_210 = tpu.memref_slice %arg3[%mul3A_4, %dma_wait3A_208, %dma_wait3A_209] : memref<2562x2x128xi32, #tpu.memory_space<hbm>> -> memref<1x2x128xi32, #tpu.memory_space<hbm>>
      %dma_wait3A_211 = tpu.memref_squeeze %dma_wait3A_210 : memref<1x2x128xi32, #tpu.memory_space<hbm>> -> memref<2x128xi32, #tpu.memory_space<hbm>>
      %dma_wait3A_212 = arith.constant 0 : i32
      %dma_wait3A_213 = arith.constant 0 : i32
      %dma_wait3A_214 = tpu.memref_slice %arg3[%mul3A_4, %dma_wait3A_212, %dma_wait3A_213] : memref<2562x2x128xi32, #tpu.memory_space<hbm>> -> memref<1x2x128xi32, #tpu.memory_space<hbm>>
      %dma_wait3A_215 = tpu.memref_squeeze %dma_wait3A_214 : memref<1x2x128xi32, #tpu.memory_space<hbm>> -> memref<2x128xi32, #tpu.memory_space<hbm>>
      tpu.wait_dma2 semaphore(%run_scoped3A : memref<!tpu.dma_semaphore, #tpu.memory_space<semaphore_mem>>) src(%dma_wait3A_215 : memref<2x128xi32, #tpu.memory_space<hbm>>) dst(%arg6 : memref<2x128xi32, #tpu.memory_space<vmem>>)
      tpu.yield
    }) : () -> ()
    %get3A = arith.constant 0 : i32
    %get3A_5 = arith.constant 0 : i32
    %get3A_6 = tpu.memref_slice %arg6[%get3A, %get3A_5] : memref<2x128xi32, #tpu.memory_space<vmem>> -> memref<1x128xi32, #tpu.memory_space<vmem>>
    %get3A_7 = tpu.memref_squeeze %get3A_6 : memref<1x128xi32, #tpu.memory_space<vmem>> -> memref<128xi32, #tpu.memory_space<vmem>>
    %get3A_8 = arith.constant 0 : index
    %get3A_9 = tpu.vector_load %get3A_7[%get3A_8] {strides = array<i32>} : memref<128xi32, #tpu.memory_space<vmem>>, vector<16xi32>,
    %get3A_10 = arith.constant 1 : i32
    %get3A_11 = arith.constant 0 : i32
    %get3A_12 = tpu.memref_slice %arg6[%get3A_10, %get3A_11] : memref<2x128xi32, #tpu.memory_space<vmem>> -> memref<1x128xi32, #tpu.memory_space<vmem>>
    %get3A_13 = tpu.memref_squeeze %get3A_12 : memref<1x128xi32, #tpu.memory_space<vmem>> -> memref<128xi32, #tpu.memory_space<vmem>>
    %get3A_14 = arith.constant 0 : index
    %get3A_15 = tpu.vector_load %get3A_13[%get3A_14] {strides = array<i32>} : memref<128xi32, #tpu.memory_space<vmem>>, vector<16xi32>,
    %eq3A = arith.cmpi eq, %get3A_9, %get3A_15 : vector<16xi32>
    %add3A_16 = arith.constant 10000 : i32
    %add3A_17 = vector.broadcast %add3A_16 : i32 to vector<16xi32>
    %add3A_18 = arith.addi %add3A_17, %iota3A : vector<16xi32>
    %select_n3A = arith.select %eq3A, %add3A_18, %get3A_15 : vector<16xi1>, vector<16xi32>
    %swap3A = arith.constant 0 : index
    %swap3A_19 = tpu.vector_load %arg8[%swap3A] {strides = array<i32>} : memref<128xi32, #tpu.memory_space<vmem>>, vector<16xi32>,
    tpu.vector_store %arg8[%swap3A], %select_n3A {strides = array<i32>} : memref<128xi32, #tpu.memory_space<vmem>>, vector<16xi32>,
    %get3A_20 = arith.constant 0 : i32
    %get3A_21 = arith.constant 0 : i32
    %get3A_22 = tpu.memref_slice %arg6[%get3A_20, %get3A_21] : memref<2x128xi32, #tpu.memory_space<vmem>> -> memref<1x128xi32, #tpu.memory_space<vmem>>
    %get3A_23 = tpu.memref_squeeze %get3A_22 : memref<1x128xi32, #tpu.memory_space<vmem>> -> memref<128xi32, #tpu.memory_space<vmem>>
    %get3A_24 = arith.constant 16 : index
    %get3A_25 = tpu.vector_load %get3A_23[%get3A_24] {strides = array<i32>} : memref<128xi32, #tpu.memory_space<vmem>>, vector<16xi32>,
    %get3A_26 = arith.constant 1 : i32
    %get3A_27 = arith.constant 0 : i32
    %get3A_28 = tpu.memref_slice %arg6[%get3A_26, %get3A_27] : memref<2x128xi32, #tpu.memory_space<vmem>> -> memref<1x128xi32, #tpu.memory_space<vmem>>
    %get3A_29 = tpu.memref_squeeze %get3A_28 : memref<1x128xi32, #tpu.memory_space<vmem>> -> memref<128xi32, #tpu.memory_space<vmem>>
    %get3A_30 = arith.constant 16 : index
    %get3A_31 = tpu.vector_load %get3A_29[%get3A_30] {strides = array<i32>} : memref<128xi32, #tpu.memory_space<vmem>>, vector<16xi32>,
    %eq3A_32 = arith.cmpi eq, %get3A_25, %get3A_31 : vector<16xi32>
    %add3A_33 = arith.constant 10000 : i32
    %add3A_34 = vector.broadcast %add3A_33 : i32 to vector<16xi32>
    %add3A_35 = arith.addi %add3A_34, %iota3A : vector<16xi32>
    %select_n3A_36 = arith.select %eq3A_32, %add3A_35, %get3A_31 : vector<16xi1>, vector<16xi32>
    %swap3A_37 = arith.constant 16 : index
    %swap3A_38 = tpu.vector_load %arg8[%swap3A_37] {strides = array<i32>} : memref<128xi32, #tpu.memory_space<vmem>>, vector<16xi32>,
    tpu.vector_store %arg8[%swap3A_37], %select_n3A_36 {strides = array<i32>} : memref<128xi32, #tpu.memory_space<vmem>>, vector<16xi32>,
    %get3A_39 = arith.constant 0 : i32
    %get3A_40 = arith.constant 0 : i32
    %get3A_41 = tpu.memref_slice %arg6[%get3A_39, %get3A_40] : memref<2x128xi32, #tpu.memory_space<vmem>> -> memref<1x128xi32, #tpu.memory_space<vmem>>
    %get3A_42 = tpu.memref_squeeze %get3A_41 : memref<1x128xi32, #tpu.memory_space<vmem>> -> memref<128xi32, #tpu.memory_space<vmem>>
    %get3A_43 = arith.constant 32 : index
    %get3A_44 = tpu.vector_load %get3A_42[%get3A_43] {strides = array<i32>} : memref<128xi32, #tpu.memory_space<vmem>>, vector<16xi32>,
    %get3A_45 = arith.constant 1 : i32
    %get3A_46 = arith.constant 0 : i32
    %get3A_47 = tpu.memref_slice %arg6[%get3A_45, %get3A_46] : memref<2x128xi32, #tpu.memory_space<vmem>> -> memref<1x128xi32, #tpu.memory_space<vmem>>
    %get3A_48 = tpu.memref_squeeze %get3A_47 : memref<1x128xi32, #tpu.memory_space<vmem>> -> memref<128xi32, #tpu.memory_space<vmem>>
    %get3A_49 = arith.constant 32 : index
    %get3A_50 = tpu.vector_load %get3A_48[%get3A_49] {strides = array<i32>} : memref<128xi32, #tpu.memory_space<vmem>>, vector<16xi32>,
    %eq3A_51 = arith.cmpi eq, %get3A_44, %get3A_50 : vector<16xi32>
    %add3A_52 = arith.constant 10000 : i32
    %add3A_53 = vector.broadcast %add3A_52 : i32 to vector<16xi32>
    %add3A_54 = arith.addi %add3A_53, %iota3A : vector<16xi32>
    %select_n3A_55 = arith.select %eq3A_51, %add3A_54, %get3A_50 : vector<16xi1>, vector<16xi32>
    %swap3A_56 = arith.constant 32 : index
    %swap3A_57 = tpu.vector_load %arg8[%swap3A_56] {strides = array<i32>} : memref<128xi32, #tpu.memory_space<vmem>>, vector<16xi32>,
    tpu.vector_store %arg8[%swap3A_56], %select_n3A_55 {strides = array<i32>} : memref<128xi32, #tpu.memory_space<vmem>>, vector<16xi32>,
    %get3A_58 = arith.constant 0 : i32
    %get3A_59 = arith.constant 0 : i32
    %get3A_60 = tpu.memref_slice %arg6[%get3A_58, %get3A_59] : memref<2x128xi32, #tpu.memory_space<vmem>> -> memref<1x128xi32, #tpu.memory_space<vmem>>
    %get3A_61 = tpu.memref_squeeze %get3A_60 : memref<1x128xi32, #tpu.memory_space<vmem>> -> memref<128xi32, #tpu.memory_space<vmem>>
    %get3A_62 = arith.constant 48 : index
    %get3A_63 = tpu.vector_load %get3A_61[%get3A_62] {strides = array<i32>} : memref<128xi32, #tpu.memory_space<vmem>>, vector<16xi32>,
    %get3A_64 = arith.constant 1 : i32
    %get3A_65 = arith.constant 0 : i32
    %get3A_66 = tpu.memref_slice %arg6[%get3A_64, %get3A_65] : memref<2x128xi32, #tpu.memory_space<vmem>> -> memref<1x128xi32, #tpu.memory_space<vmem>>
    %get3A_67 = tpu.memref_squeeze %get3A_66 : memref<1x128xi32, #tpu.memory_space<vmem>> -> memref<128xi32, #tpu.memory_space<vmem>>
    %get3A_68 = arith.constant 48 : index
    %get3A_69 = tpu.vector_load %get3A_67[%get3A_68] {strides = array<i32>} : memref<128xi32, #tpu.memory_space<vmem>>, vector<16xi32>,
    %eq3A_70 = arith.cmpi eq, %get3A_63, %get3A_69 : vector<16xi32>
    %add3A_71 = arith.constant 10000 : i32
    %add3A_72 = vector.broadcast %add3A_71 : i32 to vector<16xi32>
    %add3A_73 = arith.addi %add3A_72, %iota3A : vector<16xi32>
    %select_n3A_74 = arith.select %eq3A_70, %add3A_73, %get3A_69 : vector<16xi1>, vector<16xi32>
    %swap3A_75 = arith.constant 48 : index
    %swap3A_76 = tpu.vector_load %arg8[%swap3A_75] {strides = array<i32>} : memref<128xi32, #tpu.memory_space<vmem>>, vector<16xi32>,
    tpu.vector_store %arg8[%swap3A_75], %select_n3A_74 {strides = array<i32>} : memref<128xi32, #tpu.memory_space<vmem>>, vector<16xi32>,
    %get3A_77 = arith.constant 0 : i32
    %get3A_78 = arith.constant 0 : i32
    %get3A_79 = tpu.memref_slice %arg6[%get3A_77, %get3A_78] : memref<2x128xi32, #tpu.memory_space<vmem>> -> memref<1x128xi32, #tpu.memory_space<vmem>>
    %get3A_80 = tpu.memref_squeeze %get3A_79 : memref<1x128xi32, #tpu.memory_space<vmem>> -> memref<128xi32, #tpu.memory_space<vmem>>
    %get3A_81 = arith.constant 64 : index
    %get3A_82 = tpu.vector_load %get3A_80[%get3A_81] {strides = array<i32>} : memref<128xi32, #tpu.memory_space<vmem>>, vector<16xi32>,
    %get3A_83 = arith.constant 1 : i32
    %get3A_84 = arith.constant 0 : i32
    %get3A_85 = tpu.memref_slice %arg6[%get3A_83, %get3A_84] : memref<2x128xi32, #tpu.memory_space<vmem>> -> memref<1x128xi32, #tpu.memory_space<vmem>>
    %get3A_86 = tpu.memref_squeeze %get3A_85 : memref<1x128xi32, #tpu.memory_space<vmem>> -> memref<128xi32, #tpu.memory_space<vmem>>
    %get3A_87 = arith.constant 64 : index
    %get3A_88 = tpu.vector_load %get3A_86[%get3A_87] {strides = array<i32>} : memref<128xi32, #tpu.memory_space<vmem>>, vector<16xi32>,
    %eq3A_89 = arith.cmpi eq, %get3A_82, %get3A_88 : vector<16xi32>
    %add3A_90 = arith.constant 10000 : i32
    %add3A_91 = vector.broadcast %add3A_90 : i32 to vector<16xi32>
    %add3A_92 = arith.addi %add3A_91, %iota3A : vector<16xi32>
    %select_n3A_93 = arith.select %eq3A_89, %add3A_92, %get3A_88 : vector<16xi1>, vector<16xi32>
    %swap3A_94 = arith.constant 64 : index
    %swap3A_95 = tpu.vector_load %arg8[%swap3A_94] {strides = array<i32>} : memref<128xi32, #tpu.memory_space<vmem>>, vector<16xi32>,
    tpu.vector_store %arg8[%swap3A_94], %select_n3A_93 {strides = array<i32>} : memref<128xi32, #tpu.memory_space<vmem>>, vector<16xi32>,
    %get3A_96 = arith.constant 0 : i32
    %get3A_97 = arith.constant 0 : i32
    %get3A_98 = tpu.memref_slice %arg6[%get3A_96, %get3A_97] : memref<2x128xi32, #tpu.memory_space<vmem>> -> memref<1x128xi32, #tpu.memory_space<vmem>>
    %get3A_99 = tpu.memref_squeeze %get3A_98 : memref<1x128xi32, #tpu.memory_space<vmem>> -> memref<128xi32, #tpu.memory_space<vmem>>
    %get3A_100 = arith.constant 80 : index
    %get3A_101 = tpu.vector_load %get3A_99[%get3A_100] {strides = array<i32>} : memref<128xi32, #tpu.memory_space<vmem>>, vector<16xi32>,
    %get3A_102 = arith.constant 1 : i32
    %get3A_103 = arith.constant 0 : i32
    %get3A_104 = tpu.memref_slice %arg6[%get3A_102, %get3A_103] : memref<2x128xi32, #tpu.memory_space<vmem>> -> memref<1x128xi32, #tpu.memory_space<vmem>>
    %get3A_105 = tpu.memref_squeeze %get3A_104 : memref<1x128xi32, #tpu.memory_space<vmem>> -> memref<128xi32, #tpu.memory_space<vmem>>
    %get3A_106 = arith.constant 80 : index
    %get3A_107 = tpu.vector_load %get3A_105[%get3A_106] {strides = array<i32>} : memref<128xi32, #tpu.memory_space<vmem>>, vector<16xi32>,
    %eq3A_108 = arith.cmpi eq, %get3A_101, %get3A_107 : vector<16xi32>
    %add3A_109 = arith.constant 10000 : i32
    %add3A_110 = vector.broadcast %add3A_109 : i32 to vector<16xi32>
    %add3A_111 = arith.addi %add3A_110, %iota3A : vector<16xi32>
    %select_n3A_112 = arith.select %eq3A_108, %add3A_111, %get3A_107 : vector<16xi1>, vector<16xi32>
    %swap3A_113 = arith.constant 80 : index
    %swap3A_114 = tpu.vector_load %arg8[%swap3A_113] {strides = array<i32>} : memref<128xi32, #tpu.memory_space<vmem>>, vector<16xi32>,
    tpu.vector_store %arg8[%swap3A_113], %select_n3A_112 {strides = array<i32>} : memref<128xi32, #tpu.memory_space<vmem>>, vector<16xi32>,
    %get3A_115 = arith.constant 0 : i32
    %get3A_116 = arith.constant 0 : i32
    %get3A_117 = tpu.memref_slice %arg6[%get3A_115, %get3A_116] : memref<2x128xi32, #tpu.memory_space<vmem>> -> memref<1x128xi32, #tpu.memory_space<vmem>>
    %get3A_118 = tpu.memref_squeeze %get3A_117 : memref<1x128xi32, #tpu.memory_space<vmem>> -> memref<128xi32, #tpu.memory_space<vmem>>
    %get3A_119 = arith.constant 96 : index
    %get3A_120 = tpu.vector_load %get3A_118[%get3A_119] {strides = array<i32>} : memref<128xi32, #tpu.memory_space<vmem>>, vector<16xi32>,
    %get3A_121 = arith.constant 1 : i32
    %get3A_122 = arith.constant 0 : i32
    %get3A_123 = tpu.memref_slice %arg6[%get3A_121, %get3A_122] : memref<2x128xi32, #tpu.memory_space<vmem>> -> memref<1x128xi32, #tpu.memory_space<vmem>>
    %get3A_124 = tpu.memref_squeeze %get3A_123 : memref<1x128xi32, #tpu.memory_space<vmem>> -> memref<128xi32, #tpu.memory_space<vmem>>
    %get3A_125 = arith.constant 96 : index
    %get3A_126 = tpu.vector_load %get3A_124[%get3A_125] {strides = array<i32>} : memref<128xi32, #tpu.memory_space<vmem>>, vector<16xi32>,
    %eq3A_127 = arith.cmpi eq, %get3A_120, %get3A_126 : vector<16xi32>
    %add3A_128 = arith.constant 10000 : i32
    %add3A_129 = vector.broadcast %add3A_128 : i32 to vector<16xi32>
    %add3A_130 = arith.addi %add3A_129, %iota3A : vector<16xi32>
    %select_n3A_131 = arith.select %eq3A_127, %add3A_130, %get3A_126 : vector<16xi1>, vector<16xi32>
    %swap3A_132 = arith.constant 96 : index
    %swap3A_133 = tpu.vector_load %arg8[%swap3A_132] {strides = array<i32>} : memref<128xi32, #tpu.memory_space<vmem>>, vector<16xi32>,
    tpu.vector_store %arg8[%swap3A_132], %select_n3A_131 {strides = array<i32>} : memref<128xi32, #tpu.memory_space<vmem>>, vector<16xi32>,
    %get3A_134 = arith.constant 0 : i32
    %get3A_135 = arith.constant 0 : i32
    %get3A_136 = tpu.memref_slice %arg6[%get3A_134, %get3A_135] : memref<2x128xi32, #tpu.memory_space<vmem>> -> memref<1x128xi32, #tpu.memory_space<vmem>>
    %get3A_137 = tpu.memref_squeeze %get3A_136 : memref<1x128xi32, #tpu.memory_space<vmem>> -> memref<128xi32, #tpu.memory_space<vmem>>
    %get3A_138 = arith.constant 112 : index
    %get3A_139 = tpu.vector_load %get3A_137[%get3A_138] {strides = array<i32>} : memref<128xi32, #tpu.memory_space<vmem>>, vector<16xi32>,
    %get3A_140 = arith.constant 1 : i32
    %get3A_141 = arith.constant 0 : i32
    %get3A_142 = tpu.memref_slice %arg6[%get3A_140, %get3A_141] : memref<2x128xi32, #tpu.memory_space<vmem>> -> memref<1x128xi32, #tpu.memory_space<vmem>>
    %get3A_143 = tpu.memref_squeeze %get3A_142 : memref<1x128xi32, #tpu.memory_space<vmem>> -> memref<128xi32, #tpu.memory_space<vmem>>
    %get3A_144 = arith.constant 112 : index
    %get3A_145 = tpu.vector_load %get3A_143[%get3A_144] {strides = array<i32>} : memref<128xi32, #tpu.memory_space<vmem>>, vector<16xi32>,
    %eq3A_146 = arith.cmpi eq, %get3A_139, %get3A_145 : vector<16xi32>
    %add3A_147 = arith.constant 10000 : i32
    %add3A_148 = vector.broadcast %add3A_147 : i32 to vector<16xi32>
    %add3A_149 = arith.addi %add3A_148, %iota3A : vector<16xi32>
    %select_n3A_150 = arith.select %eq3A_146, %add3A_149, %get3A_145 : vector<16xi1>, vector<16xi32>
    %swap3A_151 = arith.constant 112 : index
    %swap3A_152 = tpu.vector_load %arg8[%swap3A_151] {strides = array<i32>} : memref<128xi32, #tpu.memory_space<vmem>>, vector<16xi32>,
    tpu.vector_store %arg8[%swap3A_151], %select_n3A_150 {strides = array<i32>} : memref<128xi32, #tpu.memory_space<vmem>>, vector<16xi32>,
    %dma_start3A = arith.constant 0 : i32
    %dma_start3A_153 = arith.constant 0 : i32
    %dma_start3A_154 = tpu.memref_slice %arg6[%dma_start3A, %dma_start3A_153] : memref<2x128xi32, #tpu.memory_space<vmem>> -> memref<1x128xi32, #tpu.memory_space<vmem>>
    %dma_start3A_155 = tpu.memref_squeeze %dma_start3A_154 : memref<1x128xi32, #tpu.memory_space<vmem>> -> memref<128xi32, #tpu.memory_space<vmem>>
    %dma_start3A_156 = arith.constant 0 : i32
    %dma_start3A_157 = arith.constant 0 : i32
    %dma_start3A_158 = tpu.memref_slice %arg2[%dma_start3A_156, %dma_start3A_157] : memref<10240x128xf32, #tpu.memory_space<hbm>> -> memref<10240x128xf32, #tpu.memory_space<hbm>>
    tpu.enqueue_indirect_dma source(%dma_start3A_158 : memref<10240x128xf32, #tpu.memory_space<hbm>>) target(%arg10 : memref<128x128xf32, #tpu.memory_space<vmem>>) offsets(%dma_start3A_155 : memref<128xi32, #tpu.memory_space<vmem>>) semaphore(%arg15 : memref<!tpu.dma_semaphore, #tpu.memory_space<semaphore_mem>>)
    %add3A_159 = arith.constant 1 : i32
    %add3A_160 = arith.addi %mul3A_4, %add3A_159 : i32
    %dma_start3A_161 = arith.constant 0 : i32
    %dma_start3A_162 = arith.constant 0 : i32
    %dma_start3A_163 = tpu.memref_slice %arg3[%add3A_160, %dma_start3A_161, %dma_start3A_162] : memref<2562x2x128xi32, #tpu.memory_space<hbm>> -> memref<1x2x128xi32, #tpu.memory_space<hbm>>
    %dma_start3A_164 = tpu.memref_squeeze %dma_start3A_163 : memref<1x2x128xi32, #tpu.memory_space<hbm>> -> memref<2x128xi32, #tpu.memory_space<hbm>>
    %dma_start3A_165 = arith.constant 0 : i32
    %dma_start3A_166 = arith.constant 0 : i32
    %dma_start3A_167 = tpu.memref_slice %arg3[%add3A_160, %dma_start3A_165, %dma_start3A_166] : memref<2562x2x128xi32, #tpu.memory_space<hbm>> -> memref<1x2x128xi32, #tpu.memory_space<hbm>>
    %dma_start3A_168 = tpu.memref_squeeze %dma_start3A_167 : memref<1x2x128xi32, #tpu.memory_space<hbm>> -> memref<2x128xi32, #tpu.memory_space<hbm>>
    tpu.enqueue_dma source(%dma_start3A_168 : memref<2x128xi32, #tpu.memory_space<hbm>>) target(%arg7 : memref<2x128xi32, #tpu.memory_space<vmem>>) target_semaphore(%arg14 : memref<!tpu.dma_semaphore, #tpu.memory_space<semaphore_mem>>)
    %scan3A = arith.constant 0 : i32
    %scan3A_169 = arith.constant 0 : i32
    %scan3A_170 = arith.constant 40 : i32
    %scan3A_171 = arith.addi %scan3A_169, %scan3A_170 : i32
    %scan3A_172 = arith.constant 1 : i32
    scf.for %scan3A_200 = %scan3A_169 to %scan3A_171 step %scan3A_172  : i32 {
      %mul3A_201 = arith.constant 2 : i32
      %mul3A_202 = arith.muli %mul3A_201, %scan3A_200 : i32
      %add3A_203 = arith.constant 0 : i32
      %add3A_204 = arith.addi %mul3A_202, %add3A_203 : i32
      %dma_wait3A_205 = arith.constant 0 : i32
      %dma_wait3A_206 = arith.constant 0 : i32
      %dma_wait3A_207 = tpu.memref_slice %arg6[%dma_wait3A_205, %dma_wait3A_206] : memref<2x128xi32, #tpu.memory_space<vmem>> -> memref<1x128xi32, #tpu.memory_space<vmem>>
      %dma_wait3A_208 = tpu.memref_squeeze %dma_wait3A_207 : memref<1x128xi32, #tpu.memory_space<vmem>> -> memref<128xi32, #tpu.memory_space<vmem>>
      %dma_wait3A_209 = arith.constant 0 : i32
      %dma_wait3A_210 = arith.constant 0 : i32
      %dma_wait3A_211 = tpu.memref_slice %arg2[%dma_wait3A_209, %dma_wait3A_210] : memref<10240x128xf32, #tpu.memory_space<hbm>> -> memref<10240x128xf32, #tpu.memory_space<hbm>>
      tpu.wait_indirect_dma semaphore(%arg15 : memref<!tpu.dma_semaphore, #tpu.memory_space<semaphore_mem>>) src(%dma_wait3A_211 : memref<10240x128xf32, #tpu.memory_space<hbm>>) dst(%arg10 : memref<128x128xf32, #tpu.memory_space<vmem>>)
      %dma_start3A_212 = arith.constant 0 : i32
      %dma_start3A_213 = arith.constant 0 : i32
      %dma_start3A_214 = tpu.memref_slice %arg12[%dma_start3A_212, %dma_start3A_213] : memref<10240x128xf32, #tpu.memory_space<vmem_shared>> -> memref<10240x128xf32, #tpu.memory_space<vmem_shared>>
      tpu.enqueue_indirect_dma source(%arg10 : memref<128x128xf32, #tpu.memory_space<vmem>>) target(%dma_start3A_214 : memref<10240x128xf32, #tpu.memory_space<vmem_shared>>) offsets(%arg8 : memref<128xi32, #tpu.memory_space<vmem>>) semaphore(%arg17 : memref<!tpu.dma_semaphore, #tpu.memory_space<semaphore_mem>>) {add = true}
      %gt3A = arith.constant 0 : i32
      %gt3A_215 = arith.cmpi sgt, %scan3A_200, %gt3A : i32
      %convert_element_type3A = arith.extui %gt3A_215 : i1 to i32
      %cond3A = arith.constant 0 : i32
      %cond3A_216 = arith.cmpi ne, %convert_element_type3A, %cond3A : i32
      scf.if %cond3A_216 {
        %dma_wait3A_596 = arith.constant 0 : i32
        %dma_wait3A_597 = arith.constant 0 : i32
        %dma_wait3A_598 = tpu.memref_slice %arg12[%dma_wait3A_596, %dma_wait3A_597] : memref<10240x128xf32, #tpu.memory_space<vmem_shared>> -> memref<10240x128xf32, #tpu.memory_space<vmem_shared>>
        tpu.wait_indirect_dma semaphore(%arg18 : memref<!tpu.dma_semaphore, #tpu.memory_space<semaphore_mem>>) src(%arg11 : memref<128x128xf32, #tpu.memory_space<vmem>>) dst(%dma_wait3A_598 : memref<10240x128xf32, #tpu.memory_space<vmem_shared>>)
      } else {
      }
      %add3A_217 = arith.addi %mul3A_4, %add3A_204 : i32
      %add3A_218 = arith.constant 1 : i32
      %add3A_219 = arith.addi %add3A_217, %add3A_218 : i32
      %dma_wait3A_220 = arith.constant 0 : i32
      %dma_wait3A_221 = arith.constant 0 : i32
      %dma_wait3A_222 = tpu.memref_slice %arg3[%add3A_219, %dma_wait3A_220, %dma_wait3A_221] : memref<2562x2x128xi32, #tpu.memory_space<hbm>> -> memref<1x2x128xi32, #tpu.memory_space<hbm>>
      %dma_wait3A_223 = tpu.memref_squeeze %dma_wait3A_222 : memref<1x2x128xi32, #tpu.memory_space<hbm>> -> memref<2x128xi32, #tpu.memory_space<hbm>>
      %dma_wait3A_224 = arith.constant 0 : i32
      %dma_wait3A_225 = arith.constant 0 : i32
      %dma_wait3A_226 = tpu.memref_slice %arg3[%add3A_219, %dma_wait3A_224, %dma_wait3A_225] : memref<2562x2x128xi32, #tpu.memory_space<hbm>> -> memref<1x2x128xi32, #tpu.memory_space<hbm>>
      %dma_wait3A_227 = tpu.memref_squeeze %dma_wait3A_226 : memref<1x2x128xi32, #tpu.memory_space<hbm>> -> memref<2x128xi32, #tpu.memory_space<hbm>>
      tpu.wait_dma2 semaphore(%arg14 : memref<!tpu.dma_semaphore, #tpu.memory_space<semaphore_mem>>) src(%dma_wait3A_227 : memref<2x128xi32, #tpu.memory_space<hbm>>) dst(%arg7 : memref<2x128xi32, #tpu.memory_space<vmem>>)
      %get3A_228 = arith.constant 0 : i32
      %get3A_229 = arith.constant 0 : i32
      %get3A_230 = tpu.memref_slice %arg7[%get3A_228, %get3A_229] : memref<2x128xi32, #tpu.memory_space<vmem>> -> memref<1x128xi32, #tpu.memory_space<vmem>>
      %get3A_231 = tpu.memref_squeeze %get3A_230 : memref<1x128xi32, #tpu.memory_space<vmem>> -> memref<128xi32, #tpu.memory_space<vmem>>
      %get3A_232 = arith.constant 0 : index
      %get3A_233 = tpu.vector_load %get3A_231[%get3A_232] {strides = array<i32>} : memref<128xi32, #tpu.memory_space<vmem>>, vector<16xi32>,
      %get3A_234 = arith.constant 1 : i32
      %get3A_235 = arith.constant 0 : i32
      %get3A_236 = tpu.memref_slice %arg7[%get3A_234, %get3A_235] : memref<2x128xi32, #tpu.memory_space<vmem>> -> memref<1x128xi32, #tpu.memory_space<vmem>>
      %get3A_237 = tpu.memref_squeeze %get3A_236 : memref<1x128xi32, #tpu.memory_space<vmem>> -> memref<128xi32, #tpu.memory_space<vmem>>
      %get3A_238 = arith.constant 0 : index
      %get3A_239 = tpu.vector_load %get3A_237[%get3A_238] {strides = array<i32>} : memref<128xi32, #tpu.memory_space<vmem>>, vector<16xi32>,
      %eq3A_240 = arith.cmpi eq, %get3A_233, %get3A_239 : vector<16xi32>
      %add3A_241 = arith.constant 10000 : i32
      %add3A_242 = vector.broadcast %add3A_241 : i32 to vector<16xi32>
      %add3A_243 = arith.addi %add3A_242, %iota3A : vector<16xi32>
      %select_n3A_244 = arith.select %eq3A_240, %add3A_243, %get3A_239 : vector<16xi1>, vector<16xi32>
      %swap3A_245 = arith.constant 0 : index
      %swap3A_246 = tpu.vector_load %arg9[%swap3A_245] {strides = array<i32>} : memref<128xi32, #tpu.memory_space<vmem>>, vector<16xi32>,
      tpu.vector_store %arg9[%swap3A_245], %select_n3A_244 {strides = array<i32>} : memref<128xi32, #tpu.memory_space<vmem>>, vector<16xi32>,
      %get3A_247 = arith.constant 0 : i32
      %get3A_248 = arith.constant 0 : i32
      %get3A_249 = tpu.memref_slice %arg7[%get3A_247, %get3A_248] : memref<2x128xi32, #tpu.memory_space<vmem>> -> memref<1x128xi32, #tpu.memory_space<vmem>>
      %get3A_250 = tpu.memref_squeeze %get3A_249 : memref<1x128xi32, #tpu.memory_space<vmem>> -> memref<128xi32, #tpu.memory_space<vmem>>
      %get3A_251 = arith.constant 16 : index
      %get3A_252 = tpu.vector_load %get3A_250[%get3A_251] {strides = array<i32>} : memref<128xi32, #tpu.memory_space<vmem>>, vector<16xi32>,
      %get3A_253 = arith.constant 1 : i32
      %get3A_254 = arith.constant 0 : i32
      %get3A_255 = tpu.memref_slice %arg7[%get3A_253, %get3A_254] : memref<2x128xi32, #tpu.memory_space<vmem>> -> memref<1x128xi32, #tpu.memory_space<vmem>>
      %get3A_256 = tpu.memref_squeeze %get3A_255 : memref<1x128xi32, #tpu.memory_space<vmem>> -> memref<128xi32, #tpu.memory_space<vmem>>
      %get3A_257 = arith.constant 16 : index
      %get3A_258 = tpu.vector_load %get3A_256[%get3A_257] {strides = array<i32>} : memref<128xi32, #tpu.memory_space<vmem>>, vector<16xi32>,
      %eq3A_259 = arith.cmpi eq, %get3A_252, %get3A_258 : vector<16xi32>
      %add3A_260 = arith.constant 10000 : i32
      %add3A_261 = vector.broadcast %add3A_260 : i32 to vector<16xi32>
      %add3A_262 = arith.addi %add3A_261, %iota3A : vector<16xi32>
      %select_n3A_263 = arith.select %eq3A_259, %add3A_262, %get3A_258 : vector<16xi1>, vector<16xi32>
      %swap3A_264 = arith.constant 16 : index
      %swap3A_265 = tpu.vector_load %arg9[%swap3A_264] {strides = array<i32>} : memref<128xi32, #tpu.memory_space<vmem>>, vector<16xi32>,
      tpu.vector_store %arg9[%swap3A_264], %select_n3A_263 {strides = array<i32>} : memref<128xi32, #tpu.memory_space<vmem>>, vector<16xi32>,
      %get3A_266 = arith.constant 0 : i32
      %get3A_267 = arith.constant 0 : i32
      %get3A_268 = tpu.memref_slice %arg7[%get3A_266, %get3A_267] : memref<2x128xi32, #tpu.memory_space<vmem>> -> memref<1x128xi32, #tpu.memory_space<vmem>>
      %get3A_269 = tpu.memref_squeeze %get3A_268 : memref<1x128xi32, #tpu.memory_space<vmem>> -> memref<128xi32, #tpu.memory_space<vmem>>
      %get3A_270 = arith.constant 32 : index
      %get3A_271 = tpu.vector_load %get3A_269[%get3A_270] {strides = array<i32>} : memref<128xi32, #tpu.memory_space<vmem>>, vector<16xi32>,
      %get3A_272 = arith.constant 1 : i32
      %get3A_273 = arith.constant 0 : i32
      %get3A_274 = tpu.memref_slice %arg7[%get3A_272, %get3A_273] : memref<2x128xi32, #tpu.memory_space<vmem>> -> memref<1x128xi32, #tpu.memory_space<vmem>>
      %get3A_275 = tpu.memref_squeeze %get3A_274 : memref<1x128xi32, #tpu.memory_space<vmem>> -> memref<128xi32, #tpu.memory_space<vmem>>
      %get3A_276 = arith.constant 32 : index
      %get3A_277 = tpu.vector_load %get3A_275[%get3A_276] {strides = array<i32>} : memref<128xi32, #tpu.memory_space<vmem>>, vector<16xi32>,
      %eq3A_278 = arith.cmpi eq, %get3A_271, %get3A_277 : vector<16xi32>
      %add3A_279 = arith.constant 10000 : i32
      %add3A_280 = vector.broadcast %add3A_279 : i32 to vector<16xi32>
      %add3A_281 = arith.addi %add3A_280, %iota3A : vector<16xi32>
      %select_n3A_282 = arith.select %eq3A_278, %add3A_281, %get3A_277 : vector<16xi1>, vector<16xi32>
      %swap3A_283 = arith.constant 32 : index
      %swap3A_284 = tpu.vector_load %arg9[%swap3A_283] {strides = array<i32>} : memref<128xi32, #tpu.memory_space<vmem>>, vector<16xi32>,
      tpu.vector_store %arg9[%swap3A_283], %select_n3A_282 {strides = array<i32>} : memref<128xi32, #tpu.memory_space<vmem>>, vector<16xi32>,
      %get3A_285 = arith.constant 0 : i32
      %get3A_286 = arith.constant 0 : i32
      %get3A_287 = tpu.memref_slice %arg7[%get3A_285, %get3A_286] : memref<2x128xi32, #tpu.memory_space<vmem>> -> memref<1x128xi32, #tpu.memory_space<vmem>>
      %get3A_288 = tpu.memref_squeeze %get3A_287 : memref<1x128xi32, #tpu.memory_space<vmem>> -> memref<128xi32, #tpu.memory_space<vmem>>
      %get3A_289 = arith.constant 48 : index
      %get3A_290 = tpu.vector_load %get3A_288[%get3A_289] {strides = array<i32>} : memref<128xi32, #tpu.memory_space<vmem>>, vector<16xi32>,
      %get3A_291 = arith.constant 1 : i32
      %get3A_292 = arith.constant 0 : i32
      %get3A_293 = tpu.memref_slice %arg7[%get3A_291, %get3A_292] : memref<2x128xi32, #tpu.memory_space<vmem>> -> memref<1x128xi32, #tpu.memory_space<vmem>>
      %get3A_294 = tpu.memref_squeeze %get3A_293 : memref<1x128xi32, #tpu.memory_space<vmem>> -> memref<128xi32, #tpu.memory_space<vmem>>
      %get3A_295 = arith.constant 48 : index
      %get3A_296 = tpu.vector_load %get3A_294[%get3A_295] {strides = array<i32>} : memref<128xi32, #tpu.memory_space<vmem>>, vector<16xi32>,
      %eq3A_297 = arith.cmpi eq, %get3A_290, %get3A_296 : vector<16xi32>
      %add3A_298 = arith.constant 10000 : i32
      %add3A_299 = vector.broadcast %add3A_298 : i32 to vector<16xi32>
      %add3A_300 = arith.addi %add3A_299, %iota3A : vector<16xi32>
      %select_n3A_301 = arith.select %eq3A_297, %add3A_300, %get3A_296 : vector<16xi1>, vector<16xi32>
      %swap3A_302 = arith.constant 48 : index
      %swap3A_303 = tpu.vector_load %arg9[%swap3A_302] {strides = array<i32>} : memref<128xi32, #tpu.memory_space<vmem>>, vector<16xi32>,
      tpu.vector_store %arg9[%swap3A_302], %select_n3A_301 {strides = array<i32>} : memref<128xi32, #tpu.memory_space<vmem>>, vector<16xi32>,
      %get3A_304 = arith.constant 0 : i32
      %get3A_305 = arith.constant 0 : i32
      %get3A_306 = tpu.memref_slice %arg7[%get3A_304, %get3A_305] : memref<2x128xi32, #tpu.memory_space<vmem>> -> memref<1x128xi32, #tpu.memory_space<vmem>>
      %get3A_307 = tpu.memref_squeeze %get3A_306 : memref<1x128xi32, #tpu.memory_space<vmem>> -> memref<128xi32, #tpu.memory_space<vmem>>
      %get3A_308 = arith.constant 64 : index
      %get3A_309 = tpu.vector_load %get3A_307[%get3A_308] {strides = array<i32>} : memref<128xi32, #tpu.memory_space<vmem>>, vector<16xi32>,
      %get3A_310 = arith.constant 1 : i32
      %get3A_311 = arith.constant 0 : i32
      %get3A_312 = tpu.memref_slice %arg7[%get3A_310, %get3A_311] : memref<2x128xi32, #tpu.memory_space<vmem>> -> memref<1x128xi32, #tpu.memory_space<vmem>>
      %get3A_313 = tpu.memref_squeeze %get3A_312 : memref<1x128xi32, #tpu.memory_space<vmem>> -> memref<128xi32, #tpu.memory_space<vmem>>
      %get3A_314 = arith.constant 64 : index
      %get3A_315 = tpu.vector_load %get3A_313[%get3A_314] {strides = array<i32>} : memref<128xi32, #tpu.memory_space<vmem>>, vector<16xi32>,
      %eq3A_316 = arith.cmpi eq, %get3A_309, %get3A_315 : vector<16xi32>
      %add3A_317 = arith.constant 10000 : i32
      %add3A_318 = vector.broadcast %add3A_317 : i32 to vector<16xi32>
      %add3A_319 = arith.addi %add3A_318, %iota3A : vector<16xi32>
      %select_n3A_320 = arith.select %eq3A_316, %add3A_319, %get3A_315 : vector<16xi1>, vector<16xi32>
      %swap3A_321 = arith.constant 64 : index
      %swap3A_322 = tpu.vector_load %arg9[%swap3A_321] {strides = array<i32>} : memref<128xi32, #tpu.memory_space<vmem>>, vector<16xi32>,
      tpu.vector_store %arg9[%swap3A_321], %select_n3A_320 {strides = array<i32>} : memref<128xi32, #tpu.memory_space<vmem>>, vector<16xi32>,
      %get3A_323 = arith.constant 0 : i32
      %get3A_324 = arith.constant 0 : i32
      %get3A_325 = tpu.memref_slice %arg7[%get3A_323, %get3A_324] : memref<2x128xi32, #tpu.memory_space<vmem>> -> memref<1x128xi32, #tpu.memory_space<vmem>>
      %get3A_326 = tpu.memref_squeeze %get3A_325 : memref<1x128xi32, #tpu.memory_space<vmem>> -> memref<128xi32, #tpu.memory_space<vmem>>
      %get3A_327 = arith.constant 80 : index
      %get3A_328 = tpu.vector_load %get3A_326[%get3A_327] {strides = array<i32>} : memref<128xi32, #tpu.memory_space<vmem>>, vector<16xi32>,
      %get3A_329 = arith.constant 1 : i32
      %get3A_330 = arith.constant 0 : i32
      %get3A_331 = tpu.memref_slice %arg7[%get3A_329, %get3A_330] : memref<2x128xi32, #tpu.memory_space<vmem>> -> memref<1x128xi32, #tpu.memory_space<vmem>>
      %get3A_332 = tpu.memref_squeeze %get3A_331 : memref<1x128xi32, #tpu.memory_space<vmem>> -> memref<128xi32, #tpu.memory_space<vmem>>
      %get3A_333 = arith.constant 80 : index
      %get3A_334 = tpu.vector_load %get3A_332[%get3A_333] {strides = array<i32>} : memref<128xi32, #tpu.memory_space<vmem>>, vector<16xi32>,
      %eq3A_335 = arith.cmpi eq, %get3A_328, %get3A_334 : vector<16xi32>
      %add3A_336 = arith.constant 10000 : i32
      %add3A_337 = vector.broadcast %add3A_336 : i32 to vector<16xi32>
      %add3A_338 = arith.addi %add3A_337, %iota3A : vector<16xi32>
      %select_n3A_339 = arith.select %eq3A_335, %add3A_338, %get3A_334 : vector<16xi1>, vector<16xi32>
      %swap3A_340 = arith.constant 80 : index
      %swap3A_341 = tpu.vector_load %arg9[%swap3A_340] {strides = array<i32>} : memref<128xi32, #tpu.memory_space<vmem>>, vector<16xi32>,
      tpu.vector_store %arg9[%swap3A_340], %select_n3A_339 {strides = array<i32>} : memref<128xi32, #tpu.memory_space<vmem>>, vector<16xi32>,
      %get3A_342 = arith.constant 0 : i32
      %get3A_343 = arith.constant 0 : i32
      %get3A_344 = tpu.memref_slice %arg7[%get3A_342, %get3A_343] : memref<2x128xi32, #tpu.memory_space<vmem>> -> memref<1x128xi32, #tpu.memory_space<vmem>>
      %get3A_345 = tpu.memref_squeeze %get3A_344 : memref<1x128xi32, #tpu.memory_space<vmem>> -> memref<128xi32, #tpu.memory_space<vmem>>
      %get3A_346 = arith.constant 96 : index
      %get3A_347 = tpu.vector_load %get3A_345[%get3A_346] {strides = array<i32>} : memref<128xi32, #tpu.memory_space<vmem>>, vector<16xi32>,
      %get3A_348 = arith.constant 1 : i32
      %get3A_349 = arith.constant 0 : i32
      %get3A_350 = tpu.memref_slice %arg7[%get3A_348, %get3A_349] : memref<2x128xi32, #tpu.memory_space<vmem>> -> memref<1x128xi32, #tpu.memory_space<vmem>>
      %get3A_351 = tpu.memref_squeeze %get3A_350 : memref<1x128xi32, #tpu.memory_space<vmem>> -> memref<128xi32, #tpu.memory_space<vmem>>
      %get3A_352 = arith.constant 96 : index
      %get3A_353 = tpu.vector_load %get3A_351[%get3A_352] {strides = array<i32>} : memref<128xi32, #tpu.memory_space<vmem>>, vector<16xi32>,
      %eq3A_354 = arith.cmpi eq, %get3A_347, %get3A_353 : vector<16xi32>
      %add3A_355 = arith.constant 10000 : i32
      %add3A_356 = vector.broadcast %add3A_355 : i32 to vector<16xi32>
      %add3A_357 = arith.addi %add3A_356, %iota3A : vector<16xi32>
      %select_n3A_358 = arith.select %eq3A_354, %add3A_357, %get3A_353 : vector<16xi1>, vector<16xi32>
      %swap3A_359 = arith.constant 96 : index
      %swap3A_360 = tpu.vector_load %arg9[%swap3A_359] {strides = array<i32>} : memref<128xi32, #tpu.memory_space<vmem>>, vector<16xi32>,
      tpu.vector_store %arg9[%swap3A_359], %select_n3A_358 {strides = array<i32>} : memref<128xi32, #tpu.memory_space<vmem>>, vector<16xi32>,
      %get3A_361 = arith.constant 0 : i32
      %get3A_362 = arith.constant 0 : i32
      %get3A_363 = tpu.memref_slice %arg7[%get3A_361, %get3A_362] : memref<2x128xi32, #tpu.memory_space<vmem>> -> memref<1x128xi32, #tpu.memory_space<vmem>>
      %get3A_364 = tpu.memref_squeeze %get3A_363 : memref<1x128xi32, #tpu.memory_space<vmem>> -> memref<128xi32, #tpu.memory_space<vmem>>
      %get3A_365 = arith.constant 112 : index
      %get3A_366 = tpu.vector_load %get3A_364[%get3A_365] {strides = array<i32>} : memref<128xi32, #tpu.memory_space<vmem>>, vector<16xi32>,
      %get3A_367 = arith.constant 1 : i32
      %get3A_368 = arith.constant 0 : i32
      %get3A_369 = tpu.memref_slice %arg7[%get3A_367, %get3A_368] : memref<2x128xi32, #tpu.memory_space<vmem>> -> memref<1x128xi32, #tpu.memory_space<vmem>>
      %get3A_370 = tpu.memref_squeeze %get3A_369 : memref<1x128xi32, #tpu.memory_space<vmem>> -> memref<128xi32, #tpu.memory_space<vmem>>
      %get3A_371 = arith.constant 112 : index
      %get3A_372 = tpu.vector_load %get3A_370[%get3A_371] {strides = array<i32>} : memref<128xi32, #tpu.memory_space<vmem>>, vector<16xi32>,
      %eq3A_373 = arith.cmpi eq, %get3A_366, %get3A_372 : vector<16xi32>
      %add3A_374 = arith.constant 10000 : i32
      %add3A_375 = vector.broadcast %add3A_374 : i32 to vector<16xi32>
      %add3A_376 = arith.addi %add3A_375, %iota3A : vector<16xi32>
      %select_n3A_377 = arith.select %eq3A_373, %add3A_376, %get3A_372 : vector<16xi1>, vector<16xi32>
      %swap3A_378 = arith.constant 112 : index
      %swap3A_379 = tpu.vector_load %arg9[%swap3A_378] {strides = array<i32>} : memref<128xi32, #tpu.memory_space<vmem>>, vector<16xi32>,
      tpu.vector_store %arg9[%swap3A_378], %select_n3A_377 {strides = array<i32>} : memref<128xi32, #tpu.memory_space<vmem>>, vector<16xi32>,
      %dma_start3A_380 = arith.constant 0 : i32
      %dma_start3A_381 = arith.constant 0 : i32
      %dma_start3A_382 = tpu.memref_slice %arg7[%dma_start3A_380, %dma_start3A_381] : memref<2x128xi32, #tpu.memory_space<vmem>> -> memref<1x128xi32, #tpu.memory_space<vmem>>
      %dma_start3A_383 = tpu.memref_squeeze %dma_start3A_382 : memref<1x128xi32, #tpu.memory_space<vmem>> -> memref<128xi32, #tpu.memory_space<vmem>>
      %dma_start3A_384 = arith.constant 0 : i32
      %dma_start3A_385 = arith.constant 0 : i32
      %dma_start3A_386 = tpu.memref_slice %arg2[%dma_start3A_384, %dma_start3A_385] : memref<10240x128xf32, #tpu.memory_space<hbm>> -> memref<10240x128xf32, #tpu.memory_space<hbm>>
      tpu.enqueue_indirect_dma source(%dma_start3A_386 : memref<10240x128xf32, #tpu.memory_space<hbm>>) target(%arg11 : memref<128x128xf32, #tpu.memory_space<vmem>>) offsets(%dma_start3A_383 : memref<128xi32, #tpu.memory_space<vmem>>) semaphore(%arg16 : memref<!tpu.dma_semaphore, #tpu.memory_space<semaphore_mem>>)
      %add3A_387 = arith.addi %mul3A_4, %add3A_204 : i32
      %add3A_388 = arith.constant 2 : i32
      %add3A_389 = arith.addi %add3A_387, %add3A_388 : i32
      %dma_start3A_390 = arith.constant 0 : i32
      %dma_start3A_391 = arith.constant 0 : i32
      %dma_start3A_392 = tpu.memref_slice %arg3[%add3A_389, %dma_start3A_390, %dma_start3A_391] : memref<2562x2x128xi32, #tpu.memory_space<hbm>> -> memref<1x2x128xi32, #tpu.memory_space<hbm>>
      %dma_start3A_393 = tpu.memref_squeeze %dma_start3A_392 : memref<1x2x128xi32, #tpu.memory_space<hbm>> -> memref<2x128xi32, #tpu.memory_space<hbm>>
      %dma_start3A_394 = arith.constant 0 : i32
      %dma_start3A_395 = arith.constant 0 : i32
      %dma_start3A_396 = tpu.memref_slice %arg3[%add3A_389, %dma_start3A_394, %dma_start3A_395] : memref<2562x2x128xi32, #tpu.memory_space<hbm>> -> memref<1x2x128xi32, #tpu.memory_space<hbm>>
      %dma_start3A_397 = tpu.memref_squeeze %dma_start3A_396 : memref<1x2x128xi32, #tpu.memory_space<hbm>> -> memref<2x128xi32, #tpu.memory_space<hbm>>
      tpu.enqueue_dma source(%dma_start3A_397 : memref<2x128xi32, #tpu.memory_space<hbm>>) target(%arg6 : memref<2x128xi32, #tpu.memory_space<vmem>>) target_semaphore(%arg13 : memref<!tpu.dma_semaphore, #tpu.memory_space<semaphore_mem>>)
      %mul3A_398 = arith.constant 2 : i32
      %mul3A_399 = arith.muli %mul3A_398, %scan3A_200 : i32
      %add3A_400 = arith.constant 1 : i32
      %add3A_401 = arith.addi %mul3A_399, %add3A_400 : i32
      %dma_wait3A_402 = arith.constant 0 : i32
      %dma_wait3A_403 = arith.constant 0 : i32
      %dma_wait3A_404 = tpu.memref_slice %arg7[%dma_wait3A_402, %dma_wait3A_403] : memref<2x128xi32, #tpu.memory_space<vmem>> -> memref<1x128xi32, #tpu.memory_space<vmem>>
      %dma_wait3A_405 = tpu.memref_squeeze %dma_wait3A_404 : memref<1x128xi32, #tpu.memory_space<vmem>> -> memref<128xi32, #tpu.memory_space<vmem>>
      %dma_wait3A_406 = arith.constant 0 : i32
      %dma_wait3A_407 = arith.constant 0 : i32
      %dma_wait3A_408 = tpu.memref_slice %arg2[%dma_wait3A_406, %dma_wait3A_407] : memref<10240x128xf32, #tpu.memory_space<hbm>> -> memref<10240x128xf32, #tpu.memory_space<hbm>>
      tpu.wait_indirect_dma semaphore(%arg16 : memref<!tpu.dma_semaphore, #tpu.memory_space<semaphore_mem>>) src(%dma_wait3A_408 : memref<10240x128xf32, #tpu.memory_space<hbm>>) dst(%arg11 : memref<128x128xf32, #tpu.memory_space<vmem>>)
      %dma_start3A_409 = arith.constant 0 : i32
      %dma_start3A_410 = arith.constant 0 : i32
      %dma_start3A_411 = tpu.memref_slice %arg12[%dma_start3A_409, %dma_start3A_410] : memref<10240x128xf32, #tpu.memory_space<vmem_shared>> -> memref<10240x128xf32, #tpu.memory_space<vmem_shared>>
      tpu.enqueue_indirect_dma source(%arg11 : memref<128x128xf32, #tpu.memory_space<vmem>>) target(%dma_start3A_411 : memref<10240x128xf32, #tpu.memory_space<vmem_shared>>) offsets(%arg9 : memref<128xi32, #tpu.memory_space<vmem>>) semaphore(%arg18 : memref<!tpu.dma_semaphore, #tpu.memory_space<semaphore_mem>>) {add = true}
      %dma_wait3A_412 = arith.constant 0 : i32
      %dma_wait3A_413 = arith.constant 0 : i32
      %dma_wait3A_414 = tpu.memref_slice %arg12[%dma_wait3A_412, %dma_wait3A_413] : memref<10240x128xf32, #tpu.memory_space<vmem_shared>> -> memref<10240x128xf32, #tpu.memory_space<vmem_shared>>
      tpu.wait_indirect_dma semaphore(%arg17 : memref<!tpu.dma_semaphore, #tpu.memory_space<semaphore_mem>>) src(%arg10 : memref<128x128xf32, #tpu.memory_space<vmem>>) dst(%dma_wait3A_414 : memref<10240x128xf32, #tpu.memory_space<vmem_shared>>)
      %add3A_415 = arith.addi %mul3A_4, %add3A_401 : i32
      %add3A_416 = arith.constant 1 : i32
      %add3A_417 = arith.addi %add3A_415, %add3A_416 : i32
      %dma_wait3A_418 = arith.constant 0 : i32
      %dma_wait3A_419 = arith.constant 0 : i32
      %dma_wait3A_420 = tpu.memref_slice %arg3[%add3A_417, %dma_wait3A_418, %dma_wait3A_419] : memref<2562x2x128xi32, #tpu.memory_space<hbm>> -> memref<1x2x128xi32, #tpu.memory_space<hbm>>
      %dma_wait3A_421 = tpu.memref_squeeze %dma_wait3A_420 : memref<1x2x128xi32, #tpu.memory_space<hbm>> -> memref<2x128xi32, #tpu.memory_space<hbm>>
      %dma_wait3A_422 = arith.constant 0 : i32
      %dma_wait3A_423 = arith.constant 0 : i32
      %dma_wait3A_424 = tpu.memref_slice %arg3[%add3A_417, %dma_wait3A_422, %dma_wait3A_423] : memref<2562x2x128xi32, #tpu.memory_space<hbm>> -> memref<1x2x128xi32, #tpu.memory_space<hbm>>
      %dma_wait3A_425 = tpu.memref_squeeze %dma_wait3A_424 : memref<1x2x128xi32, #tpu.memory_space<hbm>> -> memref<2x128xi32, #tpu.memory_space<hbm>>
      tpu.wait_dma2 semaphore(%arg13 : memref<!tpu.dma_semaphore, #tpu.memory_space<semaphore_mem>>) src(%dma_wait3A_425 : memref<2x128xi32, #tpu.memory_space<hbm>>) dst(%arg6 : memref<2x128xi32, #tpu.memory_space<vmem>>)
      %get3A_426 = arith.constant 0 : i32
      %get3A_427 = arith.constant 0 : i32
      %get3A_428 = tpu.memref_slice %arg6[%get3A_426, %get3A_427] : memref<2x128xi32, #tpu.memory_space<vmem>> -> memref<1x128xi32, #tpu.memory_space<vmem>>
      %get3A_429 = tpu.memref_squeeze %get3A_428 : memref<1x128xi32, #tpu.memory_space<vmem>> -> memref<128xi32, #tpu.memory_space<vmem>>
      %get3A_430 = arith.constant 0 : index
      %get3A_431 = tpu.vector_load %get3A_429[%get3A_430] {strides = array<i32>} : memref<128xi32, #tpu.memory_space<vmem>>, vector<16xi32>,
      %get3A_432 = arith.constant 1 : i32
      %get3A_433 = arith.constant 0 : i32
      %get3A_434 = tpu.memref_slice %arg6[%get3A_432, %get3A_433] : memref<2x128xi32, #tpu.memory_space<vmem>> -> memref<1x128xi32, #tpu.memory_space<vmem>>
      %get3A_435 = tpu.memref_squeeze %get3A_434 : memref<1x128xi32, #tpu.memory_space<vmem>> -> memref<128xi32, #tpu.memory_space<vmem>>
      %get3A_436 = arith.constant 0 : index
      %get3A_437 = tpu.vector_load %get3A_435[%get3A_436] {strides = array<i32>} : memref<128xi32, #tpu.memory_space<vmem>>, vector<16xi32>,
      %eq3A_438 = arith.cmpi eq, %get3A_431, %get3A_437 : vector<16xi32>
      %add3A_439 = arith.constant 10000 : i32
      %add3A_440 = vector.broadcast %add3A_439 : i32 to vector<16xi32>
      %add3A_441 = arith.addi %add3A_440, %iota3A : vector<16xi32>
      %select_n3A_442 = arith.select %eq3A_438, %add3A_441, %get3A_437 : vector<16xi1>, vector<16xi32>
      %swap3A_443 = arith.constant 0 : index
      %swap3A_444 = tpu.vector_load %arg8[%swap3A_443] {strides = array<i32>} : memref<128xi32, #tpu.memory_space<vmem>>, vector<16xi32>,
      tpu.vector_store %arg8[%swap3A_443], %select_n3A_442 {strides = array<i32>} : memref<128xi32, #tpu.memory_space<vmem>>, vector<16xi32>,
      %get3A_445 = arith.constant 0 : i32
      %get3A_446 = arith.constant 0 : i32
      %get3A_447 = tpu.memref_slice %arg6[%get3A_445, %get3A_446] : memref<2x128xi32, #tpu.memory_space<vmem>> -> memref<1x128xi32, #tpu.memory_space<vmem>>
      %get3A_448 = tpu.memref_squeeze %get3A_447 : memref<1x128xi32, #tpu.memory_space<vmem>> -> memref<128xi32, #tpu.memory_space<vmem>>
      %get3A_449 = arith.constant 16 : index
      %get3A_450 = tpu.vector_load %get3A_448[%get3A_449] {strides = array<i32>} : memref<128xi32, #tpu.memory_space<vmem>>, vector<16xi32>,
      %get3A_451 = arith.constant 1 : i32
      %get3A_452 = arith.constant 0 : i32
      %get3A_453 = tpu.memref_slice %arg6[%get3A_451, %get3A_452] : memref<2x128xi32, #tpu.memory_space<vmem>> -> memref<1x128xi32, #tpu.memory_space<vmem>>
      %get3A_454 = tpu.memref_squeeze %get3A_453 : memref<1x128xi32, #tpu.memory_space<vmem>> -> memref<128xi32, #tpu.memory_space<vmem>>
      %get3A_455 = arith.constant 16 : index
      %get3A_456 = tpu.vector_load %get3A_454[%get3A_455] {strides = array<i32>} : memref<128xi32, #tpu.memory_space<vmem>>, vector<16xi32>,
      %eq3A_457 = arith.cmpi eq, %get3A_450, %get3A_456 : vector<16xi32>
      %add3A_458 = arith.constant 10000 : i32
      %add3A_459 = vector.broadcast %add3A_458 : i32 to vector<16xi32>
      %add3A_460 = arith.addi %add3A_459, %iota3A : vector<16xi32>
      %select_n3A_461 = arith.select %eq3A_457, %add3A_460, %get3A_456 : vector<16xi1>, vector<16xi32>
      %swap3A_462 = arith.constant 16 : index
      %swap3A_463 = tpu.vector_load %arg8[%swap3A_462] {strides = array<i32>} : memref<128xi32, #tpu.memory_space<vmem>>, vector<16xi32>,
      tpu.vector_store %arg8[%swap3A_462], %select_n3A_461 {strides = array<i32>} : memref<128xi32, #tpu.memory_space<vmem>>, vector<16xi32>,
      %get3A_464 = arith.constant 0 : i32
      %get3A_465 = arith.constant 0 : i32
      %get3A_466 = tpu.memref_slice %arg6[%get3A_464, %get3A_465] : memref<2x128xi32, #tpu.memory_space<vmem>> -> memref<1x128xi32, #tpu.memory_space<vmem>>
      %get3A_467 = tpu.memref_squeeze %get3A_466 : memref<1x128xi32, #tpu.memory_space<vmem>> -> memref<128xi32, #tpu.memory_space<vmem>>
      %get3A_468 = arith.constant 32 : index
      %get3A_469 = tpu.vector_load %get3A_467[%get3A_468] {strides = array<i32>} : memref<128xi32, #tpu.memory_space<vmem>>, vector<16xi32>,
      %get3A_470 = arith.constant 1 : i32
      %get3A_471 = arith.constant 0 : i32
      %get3A_472 = tpu.memref_slice %arg6[%get3A_470, %get3A_471] : memref<2x128xi32, #tpu.memory_space<vmem>> -> memref<1x128xi32, #tpu.memory_space<vmem>>
      %get3A_473 = tpu.memref_squeeze %get3A_472 : memref<1x128xi32, #tpu.memory_space<vmem>> -> memref<128xi32, #tpu.memory_space<vmem>>
      %get3A_474 = arith.constant 32 : index
      %get3A_475 = tpu.vector_load %get3A_473[%get3A_474] {strides = array<i32>} : memref<128xi32, #tpu.memory_space<vmem>>, vector<16xi32>,
      %eq3A_476 = arith.cmpi eq, %get3A_469, %get3A_475 : vector<16xi32>
      %add3A_477 = arith.constant 10000 : i32
      %add3A_478 = vector.broadcast %add3A_477 : i32 to vector<16xi32>
      %add3A_479 = arith.addi %add3A_478, %iota3A : vector<16xi32>
      %select_n3A_480 = arith.select %eq3A_476, %add3A_479, %get3A_475 : vector<16xi1>, vector<16xi32>
      %swap3A_481 = arith.constant 32 : index
      %swap3A_482 = tpu.vector_load %arg8[%swap3A_481] {strides = array<i32>} : memref<128xi32, #tpu.memory_space<vmem>>, vector<16xi32>,
      tpu.vector_store %arg8[%swap3A_481], %select_n3A_480 {strides = array<i32>} : memref<128xi32, #tpu.memory_space<vmem>>, vector<16xi32>,
      %get3A_483 = arith.constant 0 : i32
      %get3A_484 = arith.constant 0 : i32
      %get3A_485 = tpu.memref_slice %arg6[%get3A_483, %get3A_484] : memref<2x128xi32, #tpu.memory_space<vmem>> -> memref<1x128xi32, #tpu.memory_space<vmem>>
      %get3A_486 = tpu.memref_squeeze %get3A_485 : memref<1x128xi32, #tpu.memory_space<vmem>> -> memref<128xi32, #tpu.memory_space<vmem>>
      %get3A_487 = arith.constant 48 : index
      %get3A_488 = tpu.vector_load %get3A_486[%get3A_487] {strides = array<i32>} : memref<128xi32, #tpu.memory_space<vmem>>, vector<16xi32>,
      %get3A_489 = arith.constant 1 : i32
      %get3A_490 = arith.constant 0 : i32
      %get3A_491 = tpu.memref_slice %arg6[%get3A_489, %get3A_490] : memref<2x128xi32, #tpu.memory_space<vmem>> -> memref<1x128xi32, #tpu.memory_space<vmem>>
      %get3A_492 = tpu.memref_squeeze %get3A_491 : memref<1x128xi32, #tpu.memory_space<vmem>> -> memref<128xi32, #tpu.memory_space<vmem>>
      %get3A_493 = arith.constant 48 : index
      %get3A_494 = tpu.vector_load %get3A_492[%get3A_493] {strides = array<i32>} : memref<128xi32, #tpu.memory_space<vmem>>, vector<16xi32>,
      %eq3A_495 = arith.cmpi eq, %get3A_488, %get3A_494 : vector<16xi32>
      %add3A_496 = arith.constant 10000 : i32
      %add3A_497 = vector.broadcast %add3A_496 : i32 to vector<16xi32>
      %add3A_498 = arith.addi %add3A_497, %iota3A : vector<16xi32>
      %select_n3A_499 = arith.select %eq3A_495, %add3A_498, %get3A_494 : vector<16xi1>, vector<16xi32>
      %swap3A_500 = arith.constant 48 : index
      %swap3A_501 = tpu.vector_load %arg8[%swap3A_500] {strides = array<i32>} : memref<128xi32, #tpu.memory_space<vmem>>, vector<16xi32>,
      tpu.vector_store %arg8[%swap3A_500], %select_n3A_499 {strides = array<i32>} : memref<128xi32, #tpu.memory_space<vmem>>, vector<16xi32>,
      %get3A_502 = arith.constant 0 : i32
      %get3A_503 = arith.constant 0 : i32
      %get3A_504 = tpu.memref_slice %arg6[%get3A_502, %get3A_503] : memref<2x128xi32, #tpu.memory_space<vmem>> -> memref<1x128xi32, #tpu.memory_space<vmem>>
      %get3A_505 = tpu.memref_squeeze %get3A_504 : memref<1x128xi32, #tpu.memory_space<vmem>> -> memref<128xi32, #tpu.memory_space<vmem>>
      %get3A_506 = arith.constant 64 : index
      %get3A_507 = tpu.vector_load %get3A_505[%get3A_506] {strides = array<i32>} : memref<128xi32, #tpu.memory_space<vmem>>, vector<16xi32>,
      %get3A_508 = arith.constant 1 : i32
      %get3A_509 = arith.constant 0 : i32
      %get3A_510 = tpu.memref_slice %arg6[%get3A_508, %get3A_509] : memref<2x128xi32, #tpu.memory_space<vmem>> -> memref<1x128xi32, #tpu.memory_space<vmem>>
      %get3A_511 = tpu.memref_squeeze %get3A_510 : memref<1x128xi32, #tpu.memory_space<vmem>> -> memref<128xi32, #tpu.memory_space<vmem>>
      %get3A_512 = arith.constant 64 : index
      %get3A_513 = tpu.vector_load %get3A_511[%get3A_512] {strides = array<i32>} : memref<128xi32, #tpu.memory_space<vmem>>, vector<16xi32>,
      %eq3A_514 = arith.cmpi eq, %get3A_507, %get3A_513 : vector<16xi32>
      %add3A_515 = arith.constant 10000 : i32
      %add3A_516 = vector.broadcast %add3A_515 : i32 to vector<16xi32>
      %add3A_517 = arith.addi %add3A_516, %iota3A : vector<16xi32>
      %select_n3A_518 = arith.select %eq3A_514, %add3A_517, %get3A_513 : vector<16xi1>, vector<16xi32>
      %swap3A_519 = arith.constant 64 : index
      %swap3A_520 = tpu.vector_load %arg8[%swap3A_519] {strides = array<i32>} : memref<128xi32, #tpu.memory_space<vmem>>, vector<16xi32>,
      tpu.vector_store %arg8[%swap3A_519], %select_n3A_518 {strides = array<i32>} : memref<128xi32, #tpu.memory_space<vmem>>, vector<16xi32>,
      %get3A_521 = arith.constant 0 : i32
      %get3A_522 = arith.constant 0 : i32
      %get3A_523 = tpu.memref_slice %arg6[%get3A_521, %get3A_522] : memref<2x128xi32, #tpu.memory_space<vmem>> -> memref<1x128xi32, #tpu.memory_space<vmem>>
      %get3A_524 = tpu.memref_squeeze %get3A_523 : memref<1x128xi32, #tpu.memory_space<vmem>> -> memref<128xi32, #tpu.memory_space<vmem>>
      %get3A_525 = arith.constant 80 : index
      %get3A_526 = tpu.vector_load %get3A_524[%get3A_525] {strides = array<i32>} : memref<128xi32, #tpu.memory_space<vmem>>, vector<16xi32>,
      %get3A_527 = arith.constant 1 : i32
      %get3A_528 = arith.constant 0 : i32
      %get3A_529 = tpu.memref_slice %arg6[%get3A_527, %get3A_528] : memref<2x128xi32, #tpu.memory_space<vmem>> -> memref<1x128xi32, #tpu.memory_space<vmem>>
      %get3A_530 = tpu.memref_squeeze %get3A_529 : memref<1x128xi32, #tpu.memory_space<vmem>> -> memref<128xi32, #tpu.memory_space<vmem>>
      %get3A_531 = arith.constant 80 : index
      %get3A_532 = tpu.vector_load %get3A_530[%get3A_531] {strides = array<i32>} : memref<128xi32, #tpu.memory_space<vmem>>, vector<16xi32>,
      %eq3A_533 = arith.cmpi eq, %get3A_526, %get3A_532 : vector<16xi32>
      %add3A_534 = arith.constant 10000 : i32
      %add3A_535 = vector.broadcast %add3A_534 : i32 to vector<16xi32>
      %add3A_536 = arith.addi %add3A_535, %iota3A : vector<16xi32>
      %select_n3A_537 = arith.select %eq3A_533, %add3A_536, %get3A_532 : vector<16xi1>, vector<16xi32>
      %swap3A_538 = arith.constant 80 : index
      %swap3A_539 = tpu.vector_load %arg8[%swap3A_538] {strides = array<i32>} : memref<128xi32, #tpu.memory_space<vmem>>, vector<16xi32>,
      tpu.vector_store %arg8[%swap3A_538], %select_n3A_537 {strides = array<i32>} : memref<128xi32, #tpu.memory_space<vmem>>, vector<16xi32>,
      %get3A_540 = arith.constant 0 : i32
      %get3A_541 = arith.constant 0 : i32
      %get3A_542 = tpu.memref_slice %arg6[%get3A_540, %get3A_541] : memref<2x128xi32, #tpu.memory_space<vmem>> -> memref<1x128xi32, #tpu.memory_space<vmem>>
      %get3A_543 = tpu.memref_squeeze %get3A_542 : memref<1x128xi32, #tpu.memory_space<vmem>> -> memref<128xi32, #tpu.memory_space<vmem>>
      %get3A_544 = arith.constant 96 : index
      %get3A_545 = tpu.vector_load %get3A_543[%get3A_544] {strides = array<i32>} : memref<128xi32, #tpu.memory_space<vmem>>, vector<16xi32>,
      %get3A_546 = arith.constant 1 : i32
      %get3A_547 = arith.constant 0 : i32
      %get3A_548 = tpu.memref_slice %arg6[%get3A_546, %get3A_547] : memref<2x128xi32, #tpu.memory_space<vmem>> -> memref<1x128xi32, #tpu.memory_space<vmem>>
      %get3A_549 = tpu.memref_squeeze %get3A_548 : memref<1x128xi32, #tpu.memory_space<vmem>> -> memref<128xi32, #tpu.memory_space<vmem>>
      %get3A_550 = arith.constant 96 : index
      %get3A_551 = tpu.vector_load %get3A_549[%get3A_550] {strides = array<i32>} : memref<128xi32, #tpu.memory_space<vmem>>, vector<16xi32>,
      %eq3A_552 = arith.cmpi eq, %get3A_545, %get3A_551 : vector<16xi32>
      %add3A_553 = arith.constant 10000 : i32
      %add3A_554 = vector.broadcast %add3A_553 : i32 to vector<16xi32>
      %add3A_555 = arith.addi %add3A_554, %iota3A : vector<16xi32>
      %select_n3A_556 = arith.select %eq3A_552, %add3A_555, %get3A_551 : vector<16xi1>, vector<16xi32>
      %swap3A_557 = arith.constant 96 : index
      %swap3A_558 = tpu.vector_load %arg8[%swap3A_557] {strides = array<i32>} : memref<128xi32, #tpu.memory_space<vmem>>, vector<16xi32>,
      tpu.vector_store %arg8[%swap3A_557], %select_n3A_556 {strides = array<i32>} : memref<128xi32, #tpu.memory_space<vmem>>, vector<16xi32>,
      %get3A_559 = arith.constant 0 : i32
      %get3A_560 = arith.constant 0 : i32
      %get3A_561 = tpu.memref_slice %arg6[%get3A_559, %get3A_560] : memref<2x128xi32, #tpu.memory_space<vmem>> -> memref<1x128xi32, #tpu.memory_space<vmem>>
      %get3A_562 = tpu.memref_squeeze %get3A_561 : memref<1x128xi32, #tpu.memory_space<vmem>> -> memref<128xi32, #tpu.memory_space<vmem>>
      %get3A_563 = arith.constant 112 : index
      %get3A_564 = tpu.vector_load %get3A_562[%get3A_563] {strides = array<i32>} : memref<128xi32, #tpu.memory_space<vmem>>, vector<16xi32>,
      %get3A_565 = arith.constant 1 : i32
      %get3A_566 = arith.constant 0 : i32
      %get3A_567 = tpu.memref_slice %arg6[%get3A_565, %get3A_566] : memref<2x128xi32, #tpu.memory_space<vmem>> -> memref<1x128xi32, #tpu.memory_space<vmem>>
      %get3A_568 = tpu.memref_squeeze %get3A_567 : memref<1x128xi32, #tpu.memory_space<vmem>> -> memref<128xi32, #tpu.memory_space<vmem>>
      %get3A_569 = arith.constant 112 : index
      %get3A_570 = tpu.vector_load %get3A_568[%get3A_569] {strides = array<i32>} : memref<128xi32, #tpu.memory_space<vmem>>, vector<16xi32>,
      %eq3A_571 = arith.cmpi eq, %get3A_564, %get3A_570 : vector<16xi32>
      %add3A_572 = arith.constant 10000 : i32
      %add3A_573 = vector.broadcast %add3A_572 : i32 to vector<16xi32>
      %add3A_574 = arith.addi %add3A_573, %iota3A : vector<16xi32>
      %select_n3A_575 = arith.select %eq3A_571, %add3A_574, %get3A_570 : vector<16xi1>, vector<16xi32>
      %swap3A_576 = arith.constant 112 : index
      %swap3A_577 = tpu.vector_load %arg8[%swap3A_576] {strides = array<i32>} : memref<128xi32, #tpu.memory_space<vmem>>, vector<16xi32>,
      tpu.vector_store %arg8[%swap3A_576], %select_n3A_575 {strides = array<i32>} : memref<128xi32, #tpu.memory_space<vmem>>, vector<16xi32>,
      %dma_start3A_578 = arith.constant 0 : i32
      %dma_start3A_579 = arith.constant 0 : i32
      %dma_start3A_580 = tpu.memref_slice %arg6[%dma_start3A_578, %dma_start3A_579] : memref<2x128xi32, #tpu.memory_space<vmem>> -> memref<1x128xi32, #tpu.memory_space<vmem>>
      %dma_start3A_581 = tpu.memref_squeeze %dma_start3A_580 : memref<1x128xi32, #tpu.memory_space<vmem>> -> memref<128xi32, #tpu.memory_space<vmem>>
      %dma_start3A_582 = arith.constant 0 : i32
      %dma_start3A_583 = arith.constant 0 : i32
      %dma_start3A_584 = tpu.memref_slice %arg2[%dma_start3A_582, %dma_start3A_583] : memref<10240x128xf32, #tpu.memory_space<hbm>> -> memref<10240x128xf32, #tpu.memory_space<hbm>>
      tpu.enqueue_indirect_dma source(%dma_start3A_584 : memref<10240x128xf32, #tpu.memory_space<hbm>>) target(%arg10 : memref<128x128xf32, #tpu.memory_space<vmem>>) offsets(%dma_start3A_581 : memref<128xi32, #tpu.memory_space<vmem>>) semaphore(%arg15 : memref<!tpu.dma_semaphore, #tpu.memory_space<semaphore_mem>>)
      %add3A_585 = arith.addi %mul3A_4, %add3A_401 : i32
      %add3A_586 = arith.constant 2 : i32
      %add3A_587 = arith.addi %add3A_585, %add3A_586 : i32
      %dma_start3A_588 = arith.constant 0 : i32
      %dma_start3A_589 = arith.constant 0 : i32
      %dma_start3A_590 = tpu.memref_slice %arg3[%add3A_587, %dma_start3A_588, %dma_start3A_589] : memref<2562x2x128xi32, #tpu.memory_space<hbm>> -> memref<1x2x128xi32, #tpu.memory_space<hbm>>
      %dma_start3A_591 = tpu.memref_squeeze %dma_start3A_590 : memref<1x2x128xi32, #tpu.memory_space<hbm>> -> memref<2x128xi32, #tpu.memory_space<hbm>>
      %dma_start3A_592 = arith.constant 0 : i32
      %dma_start3A_593 = arith.constant 0 : i32
      %dma_start3A_594 = tpu.memref_slice %arg3[%add3A_587, %dma_start3A_592, %dma_start3A_593] : memref<2562x2x128xi32, #tpu.memory_space<hbm>> -> memref<1x2x128xi32, #tpu.memory_space<hbm>>
      %dma_start3A_595 = tpu.memref_squeeze %dma_start3A_594 : memref<1x2x128xi32, #tpu.memory_space<hbm>> -> memref<2x128xi32, #tpu.memory_space<hbm>>
      tpu.enqueue_dma source(%dma_start3A_595 : memref<2x128xi32, #tpu.memory_space<hbm>>) target(%arg7 : memref<2x128xi32, #tpu.memory_space<vmem>>) target_semaphore(%arg14 : memref<!tpu.dma_semaphore, #tpu.memory_space<semaphore_mem>>)
    }
    %scan3A_173 = arith.constant 40 : i32
    %dma_wait3A = arith.constant 0 : i32
    %dma_wait3A_174 = arith.constant 0 : i32
    %dma_wait3A_175 = tpu.memref_slice %arg12[%dma_wait3A, %dma_wait3A_174] : memref<10240x128xf32, #tpu.memory_space<vmem_shared>> -> memref<10240x128xf32, #tpu.memory_space<vmem_shared>>
    tpu.wait_indirect_dma semaphore(%arg18 : memref<!tpu.dma_semaphore, #tpu.memory_space<semaphore_mem>>) src(%arg11 : memref<128x128xf32, #tpu.memory_space<vmem>>) dst(%dma_wait3A_175 : memref<10240x128xf32, #tpu.memory_space<vmem_shared>>)
    %dma_wait3A_176 = arith.constant 0 : i32
    %dma_wait3A_177 = arith.constant 0 : i32
    %dma_wait3A_178 = tpu.memref_slice %arg6[%dma_wait3A_176, %dma_wait3A_177] : memref<2x128xi32, #tpu.memory_space<vmem>> -> memref<1x128xi32, #tpu.memory_space<vmem>>
    %dma_wait3A_179 = tpu.memref_squeeze %dma_wait3A_178 : memref<1x128xi32, #tpu.memory_space<vmem>> -> memref<128xi32, #tpu.memory_space<vmem>>
    %dma_wait3A_180 = arith.constant 0 : i32
    %dma_wait3A_181 = arith.constant 0 : i32
    %dma_wait3A_182 = tpu.memref_slice %arg2[%dma_wait3A_180, %dma_wait3A_181] : memref<10240x128xf32, #tpu.memory_space<hbm>> -> memref<10240x128xf32, #tpu.memory_space<hbm>>
    tpu.wait_indirect_dma semaphore(%arg15 : memref<!tpu.dma_semaphore, #tpu.memory_space<semaphore_mem>>) src(%dma_wait3A_182 : memref<10240x128xf32, #tpu.memory_space<hbm>>) dst(%arg10 : memref<128x128xf32, #tpu.memory_space<vmem>>)
    %add3A_183 = arith.constant 80 : i32
    %add3A_184 = arith.addi %mul3A_4, %add3A_183 : i32
    %add3A_185 = arith.constant 1 : i32
    %add3A_186 = arith.addi %add3A_184, %add3A_185 : i32
    %dma_wait3A_187 = arith.constant 0 : i32
    %dma_wait3A_188 = arith.constant 0 : i32
    %dma_wait3A_189 = tpu.memref_slice %arg3[%add3A_186, %dma_wait3A_187, %dma_wait3A_188] : memref<2562x2x128xi32, #tpu.memory_space<hbm>> -> memref<1x2x128xi32, #tpu.memory_space<hbm>>
    %dma_wait3A_190 = tpu.memref_squeeze %dma_wait3A_189 : memref<1x2x128xi32, #tpu.memory_space<hbm>> -> memref<2x128xi32, #tpu.memory_space<hbm>>
    %dma_wait3A_191 = arith.constant 0 : i32
    %dma_wait3A_192 = arith.constant 0 : i32
    %dma_wait3A_193 = tpu.memref_slice %arg3[%add3A_186, %dma_wait3A_191, %dma_wait3A_192] : memref<2562x2x128xi32, #tpu.memory_space<hbm>> -> memref<1x2x128xi32, #tpu.memory_space<hbm>>
    %dma_wait3A_194 = tpu.memref_squeeze %dma_wait3A_193 : memref<1x2x128xi32, #tpu.memory_space<hbm>> -> memref<2x128xi32, #tpu.memory_space<hbm>>
    tpu.wait_dma2 semaphore(%arg14 : memref<!tpu.dma_semaphore, #tpu.memory_space<semaphore_mem>>) src(%dma_wait3A_194 : memref<2x128xi32, #tpu.memory_space<hbm>>) dst(%arg7 : memref<2x128xi32, #tpu.memory_space<vmem>>)
    %barrier3A_195 = arith.constant 0 : index
    tpu.barrier barrier_id(%barrier3A_195)
    %mul3A_196 = arith.constant 640 : i32
    %mul3A_197 = arith.muli %arg1, %mul3A_196 : i32
    %mul3A_198 = arith.constant 640 : i32
    %mul3A_199 = arith.muli %arg1, %mul3A_198 : i32
    "tpu.region"() ({
      %run_scoped3A = tpu.sem_alloc : memref<!tpu.dma_semaphore, #tpu.memory_space<semaphore_mem>>
      %dma_start3A_200 = arith.constant 0 : i32
      %dma_start3A_201 = tpu.memref_slice %arg5[%arg0, %mul3A_199, %dma_start3A_200] : memref<2x10240x128xf32, #tpu.memory_space<hbm>> -> memref<1x640x128xf32, #tpu.memory_space<hbm>>
      %dma_start3A_202 = tpu.memref_squeeze %dma_start3A_201 : memref<1x640x128xf32, #tpu.memory_space<hbm>> -> memref<640x128xf32, #tpu.memory_space<hbm>>
      %dma_start3A_203 = arith.constant 0 : i32
      %dma_start3A_204 = tpu.memref_slice %arg12[%mul3A_197, %dma_start3A_203] : memref<10240x128xf32, #tpu.memory_space<vmem_shared>> -> memref<640x128xf32, #tpu.memory_space<vmem_shared>>
      tpu.enqueue_dma source(%dma_start3A_204 : memref<640x128xf32, #tpu.memory_space<vmem_shared>>) target(%dma_start3A_202 : memref<640x128xf32, #tpu.memory_space<hbm>>) target_semaphore(%run_scoped3A : memref<!tpu.dma_semaphore, #tpu.memory_space<semaphore_mem>>)
      %dma_wait3A_205 = arith.constant 0 : i32
      %dma_wait3A_206 = tpu.memref_slice %arg5[%arg0, %mul3A_199, %dma_wait3A_205] : memref<2x10240x128xf32, #tpu.memory_space<hbm>> -> memref<1x640x128xf32, #tpu.memory_space<hbm>>
      %dma_wait3A_207 = tpu.memref_squeeze %dma_wait3A_206 : memref<1x640x128xf32, #tpu.memory_space<hbm>> -> memref<640x128xf32, #tpu.memory_space<hbm>>
      %dma_wait3A_208 = arith.constant 0 : i32
      %dma_wait3A_209 = tpu.memref_slice %arg12[%mul3A_197, %dma_wait3A_208] : memref<10240x128xf32, #tpu.memory_space<vmem_shared>> -> memref<640x128xf32, #tpu.memory_space<vmem_shared>>
      tpu.wait_dma2 semaphore(%run_scoped3A : memref<!tpu.dma_semaphore, #tpu.memory_space<semaphore_mem>>) src(%dma_wait3A_209 : memref<640x128xf32, #tpu.memory_space<vmem_shared>>) dst(%dma_wait3A_207 : memref<640x128xf32, #tpu.memory_space<hbm>>)
      tpu.yield
    }) : () -> ()
    return
  }
}

#map = affine_map<(d0, d1) -> (0, 0)>
#map1 = affine_map<(d0, d1) -> (0, 0, 0)>
module attributes {stable_mosaic.version = 14 : i64} {
  func.func @body(%arg0: i32, %arg1: i32, %arg2: memref<10000x128xf32, #tpu.memory_space<hbm>>, %arg3: memref<2562x2x128xi32, #tpu.memory_space<hbm>>, %arg4: memref<640x128xf32, #tpu.memory_space<hbm>>, %arg5: memref<80x128xi32, #tpu.memory_space<hbm>>, %arg6: memref<2x10240x128xf32, #tpu.memory_space<hbm>>, %arg7: memref<32x80x128xi32, #tpu.memory_space<hbm>>, %arg8: memref<2x128xi32, #tpu.memory_space<vmem>>, %arg9: memref<2x128xi32, #tpu.memory_space<vmem>>, %arg10: memref<128xi32, #tpu.memory_space<vmem>>, %arg11: memref<128xi32, #tpu.memory_space<vmem>>, %arg12: memref<128x128xf32, #tpu.memory_space<vmem>>, %arg13: memref<128x128xf32, #tpu.memory_space<vmem>>, %arg14: memref<10240x128xf32, #tpu.memory_space<vmem_shared>>, %arg15: memref<!tpu.dma_semaphore, #tpu.memory_space<semaphore_mem>>, %arg16: memref<!tpu.dma_semaphore, #tpu.memory_space<semaphore_mem>>, %arg17: memref<!tpu.dma_semaphore, #tpu.memory_space<semaphore_mem>>, %arg18: memref<!tpu.dma_semaphore, #tpu.memory_space<semaphore_mem>>, %arg19: memref<!tpu.dma_semaphore, #tpu.memory_space<semaphore_mem>>, %arg20: memref<!tpu.dma_semaphore, #tpu.memory_space<semaphore_mem>>, %arg21: memref<80x128xi32, #tpu.memory_space<vmem>>) attributes {dimension_semantics = [#tpu.dimension_semantics<core_parallel>, #tpu.dimension_semantics<subcore_parallel>], iteration_bounds = array<i64: 2, 16>, scalar_prefetch = 0 : i64, scratch_operands = 14 : i64, tpu.core_type = #tpu.core_type<sc_vector_subcore>, window_params = [{transform_indices = #map}, {transform_indices = #map1}, {transform_indices = #map}, {transform_indices = #map}, {transform_indices = #map1}, {transform_indices = #map1}]} {
    %mul3A = arith.constant 640 : i32
    %mul3A_0 = arith.muli %arg1, %mul3A : i32
    "tpu.region"() ({
      %run_scoped3A = tpu.sem_alloc : memref<!tpu.dma_semaphore, #tpu.memory_space<semaphore_mem>>
      %dma_start3A_203 = arith.constant 0 : i32
      %dma_start3A_204 = tpu.memref_slice %arg14[%mul3A_0, %dma_start3A_203] : memref<10240x128xf32, #tpu.memory_space<vmem_shared>> -> memref<640x128xf32, #tpu.memory_space<vmem_shared>>
      tpu.enqueue_dma source(%arg4 : memref<640x128xf32, #tpu.memory_space<hbm>>) target(%dma_start3A_204 : memref<640x128xf32, #tpu.memory_space<vmem_shared>>) target_semaphore(%run_scoped3A : memref<!tpu.dma_semaphore, #tpu.memory_space<semaphore_mem>>)
      %dma_wait3A_205 = arith.constant 0 : i32
      %dma_wait3A_206 = tpu.memref_slice %arg14[%mul3A_0, %dma_wait3A_205] : memref<10240x128xf32, #tpu.memory_space<vmem_shared>> -> memref<640x128xf32, #tpu.memory_space<vmem_shared>>
      tpu.wait_dma2 semaphore(%run_scoped3A : memref<!tpu.dma_semaphore, #tpu.memory_space<semaphore_mem>>) src(%arg4 : memref<640x128xf32, #tpu.memory_space<hbm>>) dst(%dma_wait3A_206 : memref<640x128xf32, #tpu.memory_space<vmem_shared>>)
      tpu.yield
    }) : () -> ()
    "tpu.region"() ({
      %run_scoped3A = tpu.sem_alloc : memref<!tpu.dma_semaphore, #tpu.memory_space<semaphore_mem>>
      tpu.enqueue_dma source(%arg5 : memref<80x128xi32, #tpu.memory_space<hbm>>) target(%arg21 : memref<80x128xi32, #tpu.memory_space<vmem>>) target_semaphore(%run_scoped3A : memref<!tpu.dma_semaphore, #tpu.memory_space<semaphore_mem>>)
      tpu.wait_dma2 semaphore(%run_scoped3A : memref<!tpu.dma_semaphore, #tpu.memory_space<semaphore_mem>>) src(%arg5 : memref<80x128xi32, #tpu.memory_space<hbm>>) dst(%arg21 : memref<80x128xi32, #tpu.memory_space<vmem>>)
      tpu.yield
    }) : () -> ()
    %barrier3A = arith.constant 0 : index
    tpu.barrier barrier_id(%barrier3A)
    %iota3A = tpu.iota {dimensions = array<i32: 0>} : vector<16xi32>
    %mul3A_1 = arith.constant 16 : i32
    %mul3A_2 = arith.muli %arg0, %mul3A_1 : i32
    %add3A = arith.addi %mul3A_2, %arg1 : i32
    %mul3A_3 = arith.constant 80 : i32
    %mul3A_4 = arith.muli %add3A, %mul3A_3 : i32
    "tpu.region"() ({
      %run_scoped3A = tpu.sem_alloc : memref<!tpu.dma_semaphore, #tpu.memory_space<semaphore_mem>>
      %dma_start3A_203 = arith.constant 0 : i32
      %dma_start3A_204 = arith.constant 0 : i32
      %dma_start3A_205 = tpu.memref_slice %arg3[%mul3A_4, %dma_start3A_203, %dma_start3A_204] : memref<2562x2x128xi32, #tpu.memory_space<hbm>> -> memref<1x2x128xi32, #tpu.memory_space<hbm>>
      %dma_start3A_206 = tpu.memref_squeeze %dma_start3A_205 : memref<1x2x128xi32, #tpu.memory_space<hbm>> -> memref<2x128xi32, #tpu.memory_space<hbm>>
      %dma_start3A_207 = arith.constant 0 : i32
      %dma_start3A_208 = arith.constant 0 : i32
      %dma_start3A_209 = tpu.memref_slice %arg3[%mul3A_4, %dma_start3A_207, %dma_start3A_208] : memref<2562x2x128xi32, #tpu.memory_space<hbm>> -> memref<1x2x128xi32, #tpu.memory_space<hbm>>
      %dma_start3A_210 = tpu.memref_squeeze %dma_start3A_209 : memref<1x2x128xi32, #tpu.memory_space<hbm>> -> memref<2x128xi32, #tpu.memory_space<hbm>>
      tpu.enqueue_dma source(%dma_start3A_210 : memref<2x128xi32, #tpu.memory_space<hbm>>) target(%arg8 : memref<2x128xi32, #tpu.memory_space<vmem>>) target_semaphore(%run_scoped3A : memref<!tpu.dma_semaphore, #tpu.memory_space<semaphore_mem>>)
      %dma_wait3A_211 = arith.constant 0 : i32
      %dma_wait3A_212 = arith.constant 0 : i32
      %dma_wait3A_213 = tpu.memref_slice %arg3[%mul3A_4, %dma_wait3A_211, %dma_wait3A_212] : memref<2562x2x128xi32, #tpu.memory_space<hbm>> -> memref<1x2x128xi32, #tpu.memory_space<hbm>>
      %dma_wait3A_214 = tpu.memref_squeeze %dma_wait3A_213 : memref<1x2x128xi32, #tpu.memory_space<hbm>> -> memref<2x128xi32, #tpu.memory_space<hbm>>
      %dma_wait3A_215 = arith.constant 0 : i32
      %dma_wait3A_216 = arith.constant 0 : i32
      %dma_wait3A_217 = tpu.memref_slice %arg3[%mul3A_4, %dma_wait3A_215, %dma_wait3A_216] : memref<2562x2x128xi32, #tpu.memory_space<hbm>> -> memref<1x2x128xi32, #tpu.memory_space<hbm>>
      %dma_wait3A_218 = tpu.memref_squeeze %dma_wait3A_217 : memref<1x2x128xi32, #tpu.memory_space<hbm>> -> memref<2x128xi32, #tpu.memory_space<hbm>>
      tpu.wait_dma2 semaphore(%run_scoped3A : memref<!tpu.dma_semaphore, #tpu.memory_space<semaphore_mem>>) src(%dma_wait3A_218 : memref<2x128xi32, #tpu.memory_space<hbm>>) dst(%arg8 : memref<2x128xi32, #tpu.memory_space<vmem>>)
      tpu.yield
    }) : () -> ()
    %get3A = arith.constant 0 : i32
    %get3A_5 = arith.constant 0 : i32
    %get3A_6 = tpu.memref_slice %arg8[%get3A, %get3A_5] : memref<2x128xi32, #tpu.memory_space<vmem>> -> memref<1x128xi32, #tpu.memory_space<vmem>>
    %get3A_7 = tpu.memref_squeeze %get3A_6 : memref<1x128xi32, #tpu.memory_space<vmem>> -> memref<128xi32, #tpu.memory_space<vmem>>
    %get3A_8 = arith.constant 0 : index
    %get3A_9 = tpu.vector_load %get3A_7[%get3A_8] {strides = array<i32>} : memref<128xi32, #tpu.memory_space<vmem>>, vector<16xi32>,
    %get3A_10 = arith.constant 1 : i32
    %get3A_11 = arith.constant 0 : i32
    %get3A_12 = tpu.memref_slice %arg8[%get3A_10, %get3A_11] : memref<2x128xi32, #tpu.memory_space<vmem>> -> memref<1x128xi32, #tpu.memory_space<vmem>>
    %get3A_13 = tpu.memref_squeeze %get3A_12 : memref<1x128xi32, #tpu.memory_space<vmem>> -> memref<128xi32, #tpu.memory_space<vmem>>
    %get3A_14 = arith.constant 0 : index
    %get3A_15 = tpu.vector_load %get3A_13[%get3A_14] {strides = array<i32>} : memref<128xi32, #tpu.memory_space<vmem>>, vector<16xi32>,
    %eq3A = arith.cmpi eq, %get3A_9, %get3A_15 : vector<16xi32>
    %add3A_16 = arith.constant 10000 : i32
    %add3A_17 = vector.broadcast %add3A_16 : i32 to vector<16xi32>
    %add3A_18 = arith.addi %add3A_17, %iota3A : vector<16xi32>
    %select_n3A = arith.select %eq3A, %add3A_18, %get3A_15 : vector<16xi1>, vector<16xi32>
    %swap3A = arith.constant 0 : index
    %swap3A_19 = tpu.vector_load %arg10[%swap3A] {strides = array<i32>} : memref<128xi32, #tpu.memory_space<vmem>>, vector<16xi32>,
    tpu.vector_store %arg10[%swap3A], %select_n3A {strides = array<i32>} : memref<128xi32, #tpu.memory_space<vmem>>, vector<16xi32>,
    %get3A_20 = arith.constant 0 : i32
    %get3A_21 = arith.constant 0 : i32
    %get3A_22 = tpu.memref_slice %arg8[%get3A_20, %get3A_21] : memref<2x128xi32, #tpu.memory_space<vmem>> -> memref<1x128xi32, #tpu.memory_space<vmem>>
    %get3A_23 = tpu.memref_squeeze %get3A_22 : memref<1x128xi32, #tpu.memory_space<vmem>> -> memref<128xi32, #tpu.memory_space<vmem>>
    %get3A_24 = arith.constant 16 : index
    %get3A_25 = tpu.vector_load %get3A_23[%get3A_24] {strides = array<i32>} : memref<128xi32, #tpu.memory_space<vmem>>, vector<16xi32>,
    %get3A_26 = arith.constant 1 : i32
    %get3A_27 = arith.constant 0 : i32
    %get3A_28 = tpu.memref_slice %arg8[%get3A_26, %get3A_27] : memref<2x128xi32, #tpu.memory_space<vmem>> -> memref<1x128xi32, #tpu.memory_space<vmem>>
    %get3A_29 = tpu.memref_squeeze %get3A_28 : memref<1x128xi32, #tpu.memory_space<vmem>> -> memref<128xi32, #tpu.memory_space<vmem>>
    %get3A_30 = arith.constant 16 : index
    %get3A_31 = tpu.vector_load %get3A_29[%get3A_30] {strides = array<i32>} : memref<128xi32, #tpu.memory_space<vmem>>, vector<16xi32>,
    %eq3A_32 = arith.cmpi eq, %get3A_25, %get3A_31 : vector<16xi32>
    %add3A_33 = arith.constant 10000 : i32
    %add3A_34 = vector.broadcast %add3A_33 : i32 to vector<16xi32>
    %add3A_35 = arith.addi %add3A_34, %iota3A : vector<16xi32>
    %select_n3A_36 = arith.select %eq3A_32, %add3A_35, %get3A_31 : vector<16xi1>, vector<16xi32>
    %swap3A_37 = arith.constant 16 : index
    %swap3A_38 = tpu.vector_load %arg10[%swap3A_37] {strides = array<i32>} : memref<128xi32, #tpu.memory_space<vmem>>, vector<16xi32>,
    tpu.vector_store %arg10[%swap3A_37], %select_n3A_36 {strides = array<i32>} : memref<128xi32, #tpu.memory_space<vmem>>, vector<16xi32>,
    %get3A_39 = arith.constant 0 : i32
    %get3A_40 = arith.constant 0 : i32
    %get3A_41 = tpu.memref_slice %arg8[%get3A_39, %get3A_40] : memref<2x128xi32, #tpu.memory_space<vmem>> -> memref<1x128xi32, #tpu.memory_space<vmem>>
    %get3A_42 = tpu.memref_squeeze %get3A_41 : memref<1x128xi32, #tpu.memory_space<vmem>> -> memref<128xi32, #tpu.memory_space<vmem>>
    %get3A_43 = arith.constant 32 : index
    %get3A_44 = tpu.vector_load %get3A_42[%get3A_43] {strides = array<i32>} : memref<128xi32, #tpu.memory_space<vmem>>, vector<16xi32>,
    %get3A_45 = arith.constant 1 : i32
    %get3A_46 = arith.constant 0 : i32
    %get3A_47 = tpu.memref_slice %arg8[%get3A_45, %get3A_46] : memref<2x128xi32, #tpu.memory_space<vmem>> -> memref<1x128xi32, #tpu.memory_space<vmem>>
    %get3A_48 = tpu.memref_squeeze %get3A_47 : memref<1x128xi32, #tpu.memory_space<vmem>> -> memref<128xi32, #tpu.memory_space<vmem>>
    %get3A_49 = arith.constant 32 : index
    %get3A_50 = tpu.vector_load %get3A_48[%get3A_49] {strides = array<i32>} : memref<128xi32, #tpu.memory_space<vmem>>, vector<16xi32>,
    %eq3A_51 = arith.cmpi eq, %get3A_44, %get3A_50 : vector<16xi32>
    %add3A_52 = arith.constant 10000 : i32
    %add3A_53 = vector.broadcast %add3A_52 : i32 to vector<16xi32>
    %add3A_54 = arith.addi %add3A_53, %iota3A : vector<16xi32>
    %select_n3A_55 = arith.select %eq3A_51, %add3A_54, %get3A_50 : vector<16xi1>, vector<16xi32>
    %swap3A_56 = arith.constant 32 : index
    %swap3A_57 = tpu.vector_load %arg10[%swap3A_56] {strides = array<i32>} : memref<128xi32, #tpu.memory_space<vmem>>, vector<16xi32>,
    tpu.vector_store %arg10[%swap3A_56], %select_n3A_55 {strides = array<i32>} : memref<128xi32, #tpu.memory_space<vmem>>, vector<16xi32>,
    %get3A_58 = arith.constant 0 : i32
    %get3A_59 = arith.constant 0 : i32
    %get3A_60 = tpu.memref_slice %arg8[%get3A_58, %get3A_59] : memref<2x128xi32, #tpu.memory_space<vmem>> -> memref<1x128xi32, #tpu.memory_space<vmem>>
    %get3A_61 = tpu.memref_squeeze %get3A_60 : memref<1x128xi32, #tpu.memory_space<vmem>> -> memref<128xi32, #tpu.memory_space<vmem>>
    %get3A_62 = arith.constant 48 : index
    %get3A_63 = tpu.vector_load %get3A_61[%get3A_62] {strides = array<i32>} : memref<128xi32, #tpu.memory_space<vmem>>, vector<16xi32>,
    %get3A_64 = arith.constant 1 : i32
    %get3A_65 = arith.constant 0 : i32
    %get3A_66 = tpu.memref_slice %arg8[%get3A_64, %get3A_65] : memref<2x128xi32, #tpu.memory_space<vmem>> -> memref<1x128xi32, #tpu.memory_space<vmem>>
    %get3A_67 = tpu.memref_squeeze %get3A_66 : memref<1x128xi32, #tpu.memory_space<vmem>> -> memref<128xi32, #tpu.memory_space<vmem>>
    %get3A_68 = arith.constant 48 : index
    %get3A_69 = tpu.vector_load %get3A_67[%get3A_68] {strides = array<i32>} : memref<128xi32, #tpu.memory_space<vmem>>, vector<16xi32>,
    %eq3A_70 = arith.cmpi eq, %get3A_63, %get3A_69 : vector<16xi32>
    %add3A_71 = arith.constant 10000 : i32
    %add3A_72 = vector.broadcast %add3A_71 : i32 to vector<16xi32>
    %add3A_73 = arith.addi %add3A_72, %iota3A : vector<16xi32>
    %select_n3A_74 = arith.select %eq3A_70, %add3A_73, %get3A_69 : vector<16xi1>, vector<16xi32>
    %swap3A_75 = arith.constant 48 : index
    %swap3A_76 = tpu.vector_load %arg10[%swap3A_75] {strides = array<i32>} : memref<128xi32, #tpu.memory_space<vmem>>, vector<16xi32>,
    tpu.vector_store %arg10[%swap3A_75], %select_n3A_74 {strides = array<i32>} : memref<128xi32, #tpu.memory_space<vmem>>, vector<16xi32>,
    %get3A_77 = arith.constant 0 : i32
    %get3A_78 = arith.constant 0 : i32
    %get3A_79 = tpu.memref_slice %arg8[%get3A_77, %get3A_78] : memref<2x128xi32, #tpu.memory_space<vmem>> -> memref<1x128xi32, #tpu.memory_space<vmem>>
    %get3A_80 = tpu.memref_squeeze %get3A_79 : memref<1x128xi32, #tpu.memory_space<vmem>> -> memref<128xi32, #tpu.memory_space<vmem>>
    %get3A_81 = arith.constant 64 : index
    %get3A_82 = tpu.vector_load %get3A_80[%get3A_81] {strides = array<i32>} : memref<128xi32, #tpu.memory_space<vmem>>, vector<16xi32>,
    %get3A_83 = arith.constant 1 : i32
    %get3A_84 = arith.constant 0 : i32
    %get3A_85 = tpu.memref_slice %arg8[%get3A_83, %get3A_84] : memref<2x128xi32, #tpu.memory_space<vmem>> -> memref<1x128xi32, #tpu.memory_space<vmem>>
    %get3A_86 = tpu.memref_squeeze %get3A_85 : memref<1x128xi32, #tpu.memory_space<vmem>> -> memref<128xi32, #tpu.memory_space<vmem>>
    %get3A_87 = arith.constant 64 : index
    %get3A_88 = tpu.vector_load %get3A_86[%get3A_87] {strides = array<i32>} : memref<128xi32, #tpu.memory_space<vmem>>, vector<16xi32>,
    %eq3A_89 = arith.cmpi eq, %get3A_82, %get3A_88 : vector<16xi32>
    %add3A_90 = arith.constant 10000 : i32
    %add3A_91 = vector.broadcast %add3A_90 : i32 to vector<16xi32>
    %add3A_92 = arith.addi %add3A_91, %iota3A : vector<16xi32>
    %select_n3A_93 = arith.select %eq3A_89, %add3A_92, %get3A_88 : vector<16xi1>, vector<16xi32>
    %swap3A_94 = arith.constant 64 : index
    %swap3A_95 = tpu.vector_load %arg10[%swap3A_94] {strides = array<i32>} : memref<128xi32, #tpu.memory_space<vmem>>, vector<16xi32>,
    tpu.vector_store %arg10[%swap3A_94], %select_n3A_93 {strides = array<i32>} : memref<128xi32, #tpu.memory_space<vmem>>, vector<16xi32>,
    %get3A_96 = arith.constant 0 : i32
    %get3A_97 = arith.constant 0 : i32
    %get3A_98 = tpu.memref_slice %arg8[%get3A_96, %get3A_97] : memref<2x128xi32, #tpu.memory_space<vmem>> -> memref<1x128xi32, #tpu.memory_space<vmem>>
    %get3A_99 = tpu.memref_squeeze %get3A_98 : memref<1x128xi32, #tpu.memory_space<vmem>> -> memref<128xi32, #tpu.memory_space<vmem>>
    %get3A_100 = arith.constant 80 : index
    %get3A_101 = tpu.vector_load %get3A_99[%get3A_100] {strides = array<i32>} : memref<128xi32, #tpu.memory_space<vmem>>, vector<16xi32>,
    %get3A_102 = arith.constant 1 : i32
    %get3A_103 = arith.constant 0 : i32
    %get3A_104 = tpu.memref_slice %arg8[%get3A_102, %get3A_103] : memref<2x128xi32, #tpu.memory_space<vmem>> -> memref<1x128xi32, #tpu.memory_space<vmem>>
    %get3A_105 = tpu.memref_squeeze %get3A_104 : memref<1x128xi32, #tpu.memory_space<vmem>> -> memref<128xi32, #tpu.memory_space<vmem>>
    %get3A_106 = arith.constant 80 : index
    %get3A_107 = tpu.vector_load %get3A_105[%get3A_106] {strides = array<i32>} : memref<128xi32, #tpu.memory_space<vmem>>, vector<16xi32>,
    %eq3A_108 = arith.cmpi eq, %get3A_101, %get3A_107 : vector<16xi32>
    %add3A_109 = arith.constant 10000 : i32
    %add3A_110 = vector.broadcast %add3A_109 : i32 to vector<16xi32>
    %add3A_111 = arith.addi %add3A_110, %iota3A : vector<16xi32>
    %select_n3A_112 = arith.select %eq3A_108, %add3A_111, %get3A_107 : vector<16xi1>, vector<16xi32>
    %swap3A_113 = arith.constant 80 : index
    %swap3A_114 = tpu.vector_load %arg10[%swap3A_113] {strides = array<i32>} : memref<128xi32, #tpu.memory_space<vmem>>, vector<16xi32>,
    tpu.vector_store %arg10[%swap3A_113], %select_n3A_112 {strides = array<i32>} : memref<128xi32, #tpu.memory_space<vmem>>, vector<16xi32>,
    %get3A_115 = arith.constant 0 : i32
    %get3A_116 = arith.constant 0 : i32
    %get3A_117 = tpu.memref_slice %arg8[%get3A_115, %get3A_116] : memref<2x128xi32, #tpu.memory_space<vmem>> -> memref<1x128xi32, #tpu.memory_space<vmem>>
    %get3A_118 = tpu.memref_squeeze %get3A_117 : memref<1x128xi32, #tpu.memory_space<vmem>> -> memref<128xi32, #tpu.memory_space<vmem>>
    %get3A_119 = arith.constant 96 : index
    %get3A_120 = tpu.vector_load %get3A_118[%get3A_119] {strides = array<i32>} : memref<128xi32, #tpu.memory_space<vmem>>, vector<16xi32>,
    %get3A_121 = arith.constant 1 : i32
    %get3A_122 = arith.constant 0 : i32
    %get3A_123 = tpu.memref_slice %arg8[%get3A_121, %get3A_122] : memref<2x128xi32, #tpu.memory_space<vmem>> -> memref<1x128xi32, #tpu.memory_space<vmem>>
    %get3A_124 = tpu.memref_squeeze %get3A_123 : memref<1x128xi32, #tpu.memory_space<vmem>> -> memref<128xi32, #tpu.memory_space<vmem>>
    %get3A_125 = arith.constant 96 : index
    %get3A_126 = tpu.vector_load %get3A_124[%get3A_125] {strides = array<i32>} : memref<128xi32, #tpu.memory_space<vmem>>, vector<16xi32>,
    %eq3A_127 = arith.cmpi eq, %get3A_120, %get3A_126 : vector<16xi32>
    %add3A_128 = arith.constant 10000 : i32
    %add3A_129 = vector.broadcast %add3A_128 : i32 to vector<16xi32>
    %add3A_130 = arith.addi %add3A_129, %iota3A : vector<16xi32>
    %select_n3A_131 = arith.select %eq3A_127, %add3A_130, %get3A_126 : vector<16xi1>, vector<16xi32>
    %swap3A_132 = arith.constant 96 : index
    %swap3A_133 = tpu.vector_load %arg10[%swap3A_132] {strides = array<i32>} : memref<128xi32, #tpu.memory_space<vmem>>, vector<16xi32>,
    tpu.vector_store %arg10[%swap3A_132], %select_n3A_131 {strides = array<i32>} : memref<128xi32, #tpu.memory_space<vmem>>, vector<16xi32>,
    %get3A_134 = arith.constant 0 : i32
    %get3A_135 = arith.constant 0 : i32
    %get3A_136 = tpu.memref_slice %arg8[%get3A_134, %get3A_135] : memref<2x128xi32, #tpu.memory_space<vmem>> -> memref<1x128xi32, #tpu.memory_space<vmem>>
    %get3A_137 = tpu.memref_squeeze %get3A_136 : memref<1x128xi32, #tpu.memory_space<vmem>> -> memref<128xi32, #tpu.memory_space<vmem>>
    %get3A_138 = arith.constant 112 : index
    %get3A_139 = tpu.vector_load %get3A_137[%get3A_138] {strides = array<i32>} : memref<128xi32, #tpu.memory_space<vmem>>, vector<16xi32>,
    %get3A_140 = arith.constant 1 : i32
    %get3A_141 = arith.constant 0 : i32
    %get3A_142 = tpu.memref_slice %arg8[%get3A_140, %get3A_141] : memref<2x128xi32, #tpu.memory_space<vmem>> -> memref<1x128xi32, #tpu.memory_space<vmem>>
    %get3A_143 = tpu.memref_squeeze %get3A_142 : memref<1x128xi32, #tpu.memory_space<vmem>> -> memref<128xi32, #tpu.memory_space<vmem>>
    %get3A_144 = arith.constant 112 : index
    %get3A_145 = tpu.vector_load %get3A_143[%get3A_144] {strides = array<i32>} : memref<128xi32, #tpu.memory_space<vmem>>, vector<16xi32>,
    %eq3A_146 = arith.cmpi eq, %get3A_139, %get3A_145 : vector<16xi32>
    %add3A_147 = arith.constant 10000 : i32
    %add3A_148 = vector.broadcast %add3A_147 : i32 to vector<16xi32>
    %add3A_149 = arith.addi %add3A_148, %iota3A : vector<16xi32>
    %select_n3A_150 = arith.select %eq3A_146, %add3A_149, %get3A_145 : vector<16xi1>, vector<16xi32>
    %swap3A_151 = arith.constant 112 : index
    %swap3A_152 = tpu.vector_load %arg10[%swap3A_151] {strides = array<i32>} : memref<128xi32, #tpu.memory_space<vmem>>, vector<16xi32>,
    tpu.vector_store %arg10[%swap3A_151], %select_n3A_150 {strides = array<i32>} : memref<128xi32, #tpu.memory_space<vmem>>, vector<16xi32>,
    %dma_start3A = arith.constant 0 : i32
    %dma_start3A_153 = arith.constant 0 : i32
    %dma_start3A_154 = tpu.memref_slice %arg8[%dma_start3A, %dma_start3A_153] : memref<2x128xi32, #tpu.memory_space<vmem>> -> memref<1x128xi32, #tpu.memory_space<vmem>>
    %dma_start3A_155 = tpu.memref_squeeze %dma_start3A_154 : memref<1x128xi32, #tpu.memory_space<vmem>> -> memref<128xi32, #tpu.memory_space<vmem>>
    %dma_start3A_156 = arith.constant 0 : i32
    %dma_start3A_157 = arith.constant 0 : i32
    %dma_start3A_158 = tpu.memref_slice %arg2[%dma_start3A_156, %dma_start3A_157] : memref<10000x128xf32, #tpu.memory_space<hbm>> -> memref<10000x128xf32, #tpu.memory_space<hbm>>
    tpu.enqueue_indirect_dma source(%dma_start3A_158 : memref<10000x128xf32, #tpu.memory_space<hbm>>) target(%arg12 : memref<128x128xf32, #tpu.memory_space<vmem>>) offsets(%dma_start3A_155 : memref<128xi32, #tpu.memory_space<vmem>>) semaphore(%arg17 : memref<!tpu.dma_semaphore, #tpu.memory_space<semaphore_mem>>)
    %add3A_159 = arith.constant 1 : i32
    %add3A_160 = arith.addi %mul3A_4, %add3A_159 : i32
    %dma_start3A_161 = arith.constant 0 : i32
    %dma_start3A_162 = arith.constant 0 : i32
    %dma_start3A_163 = tpu.memref_slice %arg3[%add3A_160, %dma_start3A_161, %dma_start3A_162] : memref<2562x2x128xi32, #tpu.memory_space<hbm>> -> memref<1x2x128xi32, #tpu.memory_space<hbm>>
    %dma_start3A_164 = tpu.memref_squeeze %dma_start3A_163 : memref<1x2x128xi32, #tpu.memory_space<hbm>> -> memref<2x128xi32, #tpu.memory_space<hbm>>
    %dma_start3A_165 = arith.constant 0 : i32
    %dma_start3A_166 = arith.constant 0 : i32
    %dma_start3A_167 = tpu.memref_slice %arg3[%add3A_160, %dma_start3A_165, %dma_start3A_166] : memref<2562x2x128xi32, #tpu.memory_space<hbm>> -> memref<1x2x128xi32, #tpu.memory_space<hbm>>
    %dma_start3A_168 = tpu.memref_squeeze %dma_start3A_167 : memref<1x2x128xi32, #tpu.memory_space<hbm>> -> memref<2x128xi32, #tpu.memory_space<hbm>>
    tpu.enqueue_dma source(%dma_start3A_168 : memref<2x128xi32, #tpu.memory_space<hbm>>) target(%arg9 : memref<2x128xi32, #tpu.memory_space<vmem>>) target_semaphore(%arg16 : memref<!tpu.dma_semaphore, #tpu.memory_space<semaphore_mem>>)
    %scan3A = arith.constant 0 : i32
    %scan3A_169 = arith.constant 0 : i32
    %scan3A_170 = arith.constant 40 : i32
    %scan3A_171 = arith.addi %scan3A_169, %scan3A_170 : i32
    %scan3A_172 = arith.constant 1 : i32
    scf.for %scan3A_203 = %scan3A_169 to %scan3A_171 step %scan3A_172  : i32 {
      %mul3A_204 = arith.constant 2 : i32
      %mul3A_205 = arith.muli %mul3A_204, %scan3A_203 : i32
      %add3A_206 = arith.constant 0 : i32
      %add3A_207 = arith.addi %mul3A_205, %add3A_206 : i32
      %get3A_208 = arith.constant 0 : i32
      %get3A_209 = arith.constant 0 : i32
      %get3A_210 = tpu.memref_slice %arg8[%get3A_208, %get3A_209] : memref<2x128xi32, #tpu.memory_space<vmem>> -> memref<1x128xi32, #tpu.memory_space<vmem>>
      %get3A_211 = tpu.memref_squeeze %get3A_210 : memref<1x128xi32, #tpu.memory_space<vmem>> -> memref<128xi32, #tpu.memory_space<vmem>>
      %get3A_212 = arith.constant 0 : index
      %get3A_213 = tpu.vector_load %get3A_211[%get3A_212] {strides = array<i32>} : memref<128xi32, #tpu.memory_space<vmem>>, vector<16xi32>,
      %get3A_214 = arith.constant 1 : i32
      %get3A_215 = arith.constant 0 : i32
      %get3A_216 = tpu.memref_slice %arg8[%get3A_214, %get3A_215] : memref<2x128xi32, #tpu.memory_space<vmem>> -> memref<1x128xi32, #tpu.memory_space<vmem>>
      %get3A_217 = tpu.memref_squeeze %get3A_216 : memref<1x128xi32, #tpu.memory_space<vmem>> -> memref<128xi32, #tpu.memory_space<vmem>>
      %get3A_218 = arith.constant 0 : index
      %get3A_219 = tpu.vector_load %get3A_217[%get3A_218] {strides = array<i32>} : memref<128xi32, #tpu.memory_space<vmem>>, vector<16xi32>,
      %ne3A = arith.cmpi ne, %get3A_213, %get3A_219 : vector<16xi32>
      %unique3A, %unique3A_220 = tpu.scan_count mask(%ne3A : vector<16xi1>) value(%get3A_219 : vector<16xi32>) : vector<16xi1>, vector<16xi32>
      %shift_right_arithmetic3A = arith.constant 7 : i32
      %shift_right_arithmetic3A_221 = vector.broadcast %shift_right_arithmetic3A : i32 to vector<16xi32>
      %shift_right_arithmetic3A_222 = arith.shrsi %get3A_219, %shift_right_arithmetic3A_221 : vector<16xi32>
      %and3A = arith.constant 127 : i32
      %and3A_223 = vector.broadcast %and3A : i32 to vector<16xi32>
      %and3A_224 = arith.andi %get3A_219, %and3A_223 : vector<16xi32>
      tpu.vector_store_idx %arg21[%shift_right_arithmetic3A_222, %and3A_224], %unique3A_220 masked %unique3A {add = true} : memref<80x128xi32, #tpu.memory_space<vmem>>[vector<16xi32>, vector<16xi32>], vector<16xi32>, vector<16xi1>
      %get3A_225 = arith.constant 0 : i32
      %get3A_226 = arith.constant 0 : i32
      %get3A_227 = tpu.memref_slice %arg8[%get3A_225, %get3A_226] : memref<2x128xi32, #tpu.memory_space<vmem>> -> memref<1x128xi32, #tpu.memory_space<vmem>>
      %get3A_228 = tpu.memref_squeeze %get3A_227 : memref<1x128xi32, #tpu.memory_space<vmem>> -> memref<128xi32, #tpu.memory_space<vmem>>
      %get3A_229 = arith.constant 16 : index
      %get3A_230 = tpu.vector_load %get3A_228[%get3A_229] {strides = array<i32>} : memref<128xi32, #tpu.memory_space<vmem>>, vector<16xi32>,
      %get3A_231 = arith.constant 1 : i32
      %get3A_232 = arith.constant 0 : i32
      %get3A_233 = tpu.memref_slice %arg8[%get3A_231, %get3A_232] : memref<2x128xi32, #tpu.memory_space<vmem>> -> memref<1x128xi32, #tpu.memory_space<vmem>>
      %get3A_234 = tpu.memref_squeeze %get3A_233 : memref<1x128xi32, #tpu.memory_space<vmem>> -> memref<128xi32, #tpu.memory_space<vmem>>
      %get3A_235 = arith.constant 16 : index
      %get3A_236 = tpu.vector_load %get3A_234[%get3A_235] {strides = array<i32>} : memref<128xi32, #tpu.memory_space<vmem>>, vector<16xi32>,
      %ne3A_237 = arith.cmpi ne, %get3A_230, %get3A_236 : vector<16xi32>
      %unique3A_238, %unique3A_239 = tpu.scan_count mask(%ne3A_237 : vector<16xi1>) value(%get3A_236 : vector<16xi32>) : vector<16xi1>, vector<16xi32>
      %shift_right_arithmetic3A_240 = arith.constant 7 : i32
      %shift_right_arithmetic3A_241 = vector.broadcast %shift_right_arithmetic3A_240 : i32 to vector<16xi32>
      %shift_right_arithmetic3A_242 = arith.shrsi %get3A_236, %shift_right_arithmetic3A_241 : vector<16xi32>
      %and3A_243 = arith.constant 127 : i32
      %and3A_244 = vector.broadcast %and3A_243 : i32 to vector<16xi32>
      %and3A_245 = arith.andi %get3A_236, %and3A_244 : vector<16xi32>
      tpu.vector_store_idx %arg21[%shift_right_arithmetic3A_242, %and3A_245], %unique3A_239 masked %unique3A_238 {add = true} : memref<80x128xi32, #tpu.memory_space<vmem>>[vector<16xi32>, vector<16xi32>], vector<16xi32>, vector<16xi1>
      %get3A_246 = arith.constant 0 : i32
      %get3A_247 = arith.constant 0 : i32
      %get3A_248 = tpu.memref_slice %arg8[%get3A_246, %get3A_247] : memref<2x128xi32, #tpu.memory_space<vmem>> -> memref<1x128xi32, #tpu.memory_space<vmem>>
      %get3A_249 = tpu.memref_squeeze %get3A_248 : memref<1x128xi32, #tpu.memory_space<vmem>> -> memref<128xi32, #tpu.memory_space<vmem>>
      %get3A_250 = arith.constant 32 : index
      %get3A_251 = tpu.vector_load %get3A_249[%get3A_250] {strides = array<i32>} : memref<128xi32, #tpu.memory_space<vmem>>, vector<16xi32>,
      %get3A_252 = arith.constant 1 : i32
      %get3A_253 = arith.constant 0 : i32
      %get3A_254 = tpu.memref_slice %arg8[%get3A_252, %get3A_253] : memref<2x128xi32, #tpu.memory_space<vmem>> -> memref<1x128xi32, #tpu.memory_space<vmem>>
      %get3A_255 = tpu.memref_squeeze %get3A_254 : memref<1x128xi32, #tpu.memory_space<vmem>> -> memref<128xi32, #tpu.memory_space<vmem>>
      %get3A_256 = arith.constant 32 : index
      %get3A_257 = tpu.vector_load %get3A_255[%get3A_256] {strides = array<i32>} : memref<128xi32, #tpu.memory_space<vmem>>, vector<16xi32>,
      %ne3A_258 = arith.cmpi ne, %get3A_251, %get3A_257 : vector<16xi32>
      %unique3A_259, %unique3A_260 = tpu.scan_count mask(%ne3A_258 : vector<16xi1>) value(%get3A_257 : vector<16xi32>) : vector<16xi1>, vector<16xi32>
      %shift_right_arithmetic3A_261 = arith.constant 7 : i32
      %shift_right_arithmetic3A_262 = vector.broadcast %shift_right_arithmetic3A_261 : i32 to vector<16xi32>
      %shift_right_arithmetic3A_263 = arith.shrsi %get3A_257, %shift_right_arithmetic3A_262 : vector<16xi32>
      %and3A_264 = arith.constant 127 : i32
      %and3A_265 = vector.broadcast %and3A_264 : i32 to vector<16xi32>
      %and3A_266 = arith.andi %get3A_257, %and3A_265 : vector<16xi32>
      tpu.vector_store_idx %arg21[%shift_right_arithmetic3A_263, %and3A_266], %unique3A_260 masked %unique3A_259 {add = true} : memref<80x128xi32, #tpu.memory_space<vmem>>[vector<16xi32>, vector<16xi32>], vector<16xi32>, vector<16xi1>
      %get3A_267 = arith.constant 0 : i32
      %get3A_268 = arith.constant 0 : i32
      %get3A_269 = tpu.memref_slice %arg8[%get3A_267, %get3A_268] : memref<2x128xi32, #tpu.memory_space<vmem>> -> memref<1x128xi32, #tpu.memory_space<vmem>>
      %get3A_270 = tpu.memref_squeeze %get3A_269 : memref<1x128xi32, #tpu.memory_space<vmem>> -> memref<128xi32, #tpu.memory_space<vmem>>
      %get3A_271 = arith.constant 48 : index
      %get3A_272 = tpu.vector_load %get3A_270[%get3A_271] {strides = array<i32>} : memref<128xi32, #tpu.memory_space<vmem>>, vector<16xi32>,
      %get3A_273 = arith.constant 1 : i32
      %get3A_274 = arith.constant 0 : i32
      %get3A_275 = tpu.memref_slice %arg8[%get3A_273, %get3A_274] : memref<2x128xi32, #tpu.memory_space<vmem>> -> memref<1x128xi32, #tpu.memory_space<vmem>>
      %get3A_276 = tpu.memref_squeeze %get3A_275 : memref<1x128xi32, #tpu.memory_space<vmem>> -> memref<128xi32, #tpu.memory_space<vmem>>
      %get3A_277 = arith.constant 48 : index
      %get3A_278 = tpu.vector_load %get3A_276[%get3A_277] {strides = array<i32>} : memref<128xi32, #tpu.memory_space<vmem>>, vector<16xi32>,
      %ne3A_279 = arith.cmpi ne, %get3A_272, %get3A_278 : vector<16xi32>
      %unique3A_280, %unique3A_281 = tpu.scan_count mask(%ne3A_279 : vector<16xi1>) value(%get3A_278 : vector<16xi32>) : vector<16xi1>, vector<16xi32>
      %shift_right_arithmetic3A_282 = arith.constant 7 : i32
      %shift_right_arithmetic3A_283 = vector.broadcast %shift_right_arithmetic3A_282 : i32 to vector<16xi32>
      %shift_right_arithmetic3A_284 = arith.shrsi %get3A_278, %shift_right_arithmetic3A_283 : vector<16xi32>
      %and3A_285 = arith.constant 127 : i32
      %and3A_286 = vector.broadcast %and3A_285 : i32 to vector<16xi32>
      %and3A_287 = arith.andi %get3A_278, %and3A_286 : vector<16xi32>
      tpu.vector_store_idx %arg21[%shift_right_arithmetic3A_284, %and3A_287], %unique3A_281 masked %unique3A_280 {add = true} : memref<80x128xi32, #tpu.memory_space<vmem>>[vector<16xi32>, vector<16xi32>], vector<16xi32>, vector<16xi1>
      %get3A_288 = arith.constant 0 : i32
      %get3A_289 = arith.constant 0 : i32
      %get3A_290 = tpu.memref_slice %arg8[%get3A_288, %get3A_289] : memref<2x128xi32, #tpu.memory_space<vmem>> -> memref<1x128xi32, #tpu.memory_space<vmem>>
      %get3A_291 = tpu.memref_squeeze %get3A_290 : memref<1x128xi32, #tpu.memory_space<vmem>> -> memref<128xi32, #tpu.memory_space<vmem>>
      %get3A_292 = arith.constant 64 : index
      %get3A_293 = tpu.vector_load %get3A_291[%get3A_292] {strides = array<i32>} : memref<128xi32, #tpu.memory_space<vmem>>, vector<16xi32>,
      %get3A_294 = arith.constant 1 : i32
      %get3A_295 = arith.constant 0 : i32
      %get3A_296 = tpu.memref_slice %arg8[%get3A_294, %get3A_295] : memref<2x128xi32, #tpu.memory_space<vmem>> -> memref<1x128xi32, #tpu.memory_space<vmem>>
      %get3A_297 = tpu.memref_squeeze %get3A_296 : memref<1x128xi32, #tpu.memory_space<vmem>> -> memref<128xi32, #tpu.memory_space<vmem>>
      %get3A_298 = arith.constant 64 : index
      %get3A_299 = tpu.vector_load %get3A_297[%get3A_298] {strides = array<i32>} : memref<128xi32, #tpu.memory_space<vmem>>, vector<16xi32>,
      %ne3A_300 = arith.cmpi ne, %get3A_293, %get3A_299 : vector<16xi32>
      %unique3A_301, %unique3A_302 = tpu.scan_count mask(%ne3A_300 : vector<16xi1>) value(%get3A_299 : vector<16xi32>) : vector<16xi1>, vector<16xi32>
      %shift_right_arithmetic3A_303 = arith.constant 7 : i32
      %shift_right_arithmetic3A_304 = vector.broadcast %shift_right_arithmetic3A_303 : i32 to vector<16xi32>
      %shift_right_arithmetic3A_305 = arith.shrsi %get3A_299, %shift_right_arithmetic3A_304 : vector<16xi32>
      %and3A_306 = arith.constant 127 : i32
      %and3A_307 = vector.broadcast %and3A_306 : i32 to vector<16xi32>
      %and3A_308 = arith.andi %get3A_299, %and3A_307 : vector<16xi32>
      tpu.vector_store_idx %arg21[%shift_right_arithmetic3A_305, %and3A_308], %unique3A_302 masked %unique3A_301 {add = true} : memref<80x128xi32, #tpu.memory_space<vmem>>[vector<16xi32>, vector<16xi32>], vector<16xi32>, vector<16xi1>
      %get3A_309 = arith.constant 0 : i32
      %get3A_310 = arith.constant 0 : i32
      %get3A_311 = tpu.memref_slice %arg8[%get3A_309, %get3A_310] : memref<2x128xi32, #tpu.memory_space<vmem>> -> memref<1x128xi32, #tpu.memory_space<vmem>>
      %get3A_312 = tpu.memref_squeeze %get3A_311 : memref<1x128xi32, #tpu.memory_space<vmem>> -> memref<128xi32, #tpu.memory_space<vmem>>
      %get3A_313 = arith.constant 80 : index
      %get3A_314 = tpu.vector_load %get3A_312[%get3A_313] {strides = array<i32>} : memref<128xi32, #tpu.memory_space<vmem>>, vector<16xi32>,
      %get3A_315 = arith.constant 1 : i32
      %get3A_316 = arith.constant 0 : i32
      %get3A_317 = tpu.memref_slice %arg8[%get3A_315, %get3A_316] : memref<2x128xi32, #tpu.memory_space<vmem>> -> memref<1x128xi32, #tpu.memory_space<vmem>>
      %get3A_318 = tpu.memref_squeeze %get3A_317 : memref<1x128xi32, #tpu.memory_space<vmem>> -> memref<128xi32, #tpu.memory_space<vmem>>
      %get3A_319 = arith.constant 80 : index
      %get3A_320 = tpu.vector_load %get3A_318[%get3A_319] {strides = array<i32>} : memref<128xi32, #tpu.memory_space<vmem>>, vector<16xi32>,
      %ne3A_321 = arith.cmpi ne, %get3A_314, %get3A_320 : vector<16xi32>
      %unique3A_322, %unique3A_323 = tpu.scan_count mask(%ne3A_321 : vector<16xi1>) value(%get3A_320 : vector<16xi32>) : vector<16xi1>, vector<16xi32>
      %shift_right_arithmetic3A_324 = arith.constant 7 : i32
      %shift_right_arithmetic3A_325 = vector.broadcast %shift_right_arithmetic3A_324 : i32 to vector<16xi32>
      %shift_right_arithmetic3A_326 = arith.shrsi %get3A_320, %shift_right_arithmetic3A_325 : vector<16xi32>
      %and3A_327 = arith.constant 127 : i32
      %and3A_328 = vector.broadcast %and3A_327 : i32 to vector<16xi32>
      %and3A_329 = arith.andi %get3A_320, %and3A_328 : vector<16xi32>
      tpu.vector_store_idx %arg21[%shift_right_arithmetic3A_326, %and3A_329], %unique3A_323 masked %unique3A_322 {add = true} : memref<80x128xi32, #tpu.memory_space<vmem>>[vector<16xi32>, vector<16xi32>], vector<16xi32>, vector<16xi1>
      %get3A_330 = arith.constant 0 : i32
      %get3A_331 = arith.constant 0 : i32
      %get3A_332 = tpu.memref_slice %arg8[%get3A_330, %get3A_331] : memref<2x128xi32, #tpu.memory_space<vmem>> -> memref<1x128xi32, #tpu.memory_space<vmem>>
      %get3A_333 = tpu.memref_squeeze %get3A_332 : memref<1x128xi32, #tpu.memory_space<vmem>> -> memref<128xi32, #tpu.memory_space<vmem>>
      %get3A_334 = arith.constant 96 : index
      %get3A_335 = tpu.vector_load %get3A_333[%get3A_334] {strides = array<i32>} : memref<128xi32, #tpu.memory_space<vmem>>, vector<16xi32>,
      %get3A_336 = arith.constant 1 : i32
      %get3A_337 = arith.constant 0 : i32
      %get3A_338 = tpu.memref_slice %arg8[%get3A_336, %get3A_337] : memref<2x128xi32, #tpu.memory_space<vmem>> -> memref<1x128xi32, #tpu.memory_space<vmem>>
      %get3A_339 = tpu.memref_squeeze %get3A_338 : memref<1x128xi32, #tpu.memory_space<vmem>> -> memref<128xi32, #tpu.memory_space<vmem>>
      %get3A_340 = arith.constant 96 : index
      %get3A_341 = tpu.vector_load %get3A_339[%get3A_340] {strides = array<i32>} : memref<128xi32, #tpu.memory_space<vmem>>, vector<16xi32>,
      %ne3A_342 = arith.cmpi ne, %get3A_335, %get3A_341 : vector<16xi32>
      %unique3A_343, %unique3A_344 = tpu.scan_count mask(%ne3A_342 : vector<16xi1>) value(%get3A_341 : vector<16xi32>) : vector<16xi1>, vector<16xi32>
      %shift_right_arithmetic3A_345 = arith.constant 7 : i32
      %shift_right_arithmetic3A_346 = vector.broadcast %shift_right_arithmetic3A_345 : i32 to vector<16xi32>
      %shift_right_arithmetic3A_347 = arith.shrsi %get3A_341, %shift_right_arithmetic3A_346 : vector<16xi32>
      %and3A_348 = arith.constant 127 : i32
      %and3A_349 = vector.broadcast %and3A_348 : i32 to vector<16xi32>
      %and3A_350 = arith.andi %get3A_341, %and3A_349 : vector<16xi32>
      tpu.vector_store_idx %arg21[%shift_right_arithmetic3A_347, %and3A_350], %unique3A_344 masked %unique3A_343 {add = true} : memref<80x128xi32, #tpu.memory_space<vmem>>[vector<16xi32>, vector<16xi32>], vector<16xi32>, vector<16xi1>
      %get3A_351 = arith.constant 0 : i32
      %get3A_352 = arith.constant 0 : i32
      %get3A_353 = tpu.memref_slice %arg8[%get3A_351, %get3A_352] : memref<2x128xi32, #tpu.memory_space<vmem>> -> memref<1x128xi32, #tpu.memory_space<vmem>>
      %get3A_354 = tpu.memref_squeeze %get3A_353 : memref<1x128xi32, #tpu.memory_space<vmem>> -> memref<128xi32, #tpu.memory_space<vmem>>
      %get3A_355 = arith.constant 112 : index
      %get3A_356 = tpu.vector_load %get3A_354[%get3A_355] {strides = array<i32>} : memref<128xi32, #tpu.memory_space<vmem>>, vector<16xi32>,
      %get3A_357 = arith.constant 1 : i32
      %get3A_358 = arith.constant 0 : i32
      %get3A_359 = tpu.memref_slice %arg8[%get3A_357, %get3A_358] : memref<2x128xi32, #tpu.memory_space<vmem>> -> memref<1x128xi32, #tpu.memory_space<vmem>>
      %get3A_360 = tpu.memref_squeeze %get3A_359 : memref<1x128xi32, #tpu.memory_space<vmem>> -> memref<128xi32, #tpu.memory_space<vmem>>
      %get3A_361 = arith.constant 112 : index
      %get3A_362 = tpu.vector_load %get3A_360[%get3A_361] {strides = array<i32>} : memref<128xi32, #tpu.memory_space<vmem>>, vector<16xi32>,
      %ne3A_363 = arith.cmpi ne, %get3A_356, %get3A_362 : vector<16xi32>
      %unique3A_364, %unique3A_365 = tpu.scan_count mask(%ne3A_363 : vector<16xi1>) value(%get3A_362 : vector<16xi32>) : vector<16xi1>, vector<16xi32>
      %shift_right_arithmetic3A_366 = arith.constant 7 : i32
      %shift_right_arithmetic3A_367 = vector.broadcast %shift_right_arithmetic3A_366 : i32 to vector<16xi32>
      %shift_right_arithmetic3A_368 = arith.shrsi %get3A_362, %shift_right_arithmetic3A_367 : vector<16xi32>
      %and3A_369 = arith.constant 127 : i32
      %and3A_370 = vector.broadcast %and3A_369 : i32 to vector<16xi32>
      %and3A_371 = arith.andi %get3A_362, %and3A_370 : vector<16xi32>
      tpu.vector_store_idx %arg21[%shift_right_arithmetic3A_368, %and3A_371], %unique3A_365 masked %unique3A_364 {add = true} : memref<80x128xi32, #tpu.memory_space<vmem>>[vector<16xi32>, vector<16xi32>], vector<16xi32>, vector<16xi1>
      %dma_wait3A_372 = arith.constant 0 : i32
      %dma_wait3A_373 = arith.constant 0 : i32
      %dma_wait3A_374 = tpu.memref_slice %arg8[%dma_wait3A_372, %dma_wait3A_373] : memref<2x128xi32, #tpu.memory_space<vmem>> -> memref<1x128xi32, #tpu.memory_space<vmem>>
      %dma_wait3A_375 = tpu.memref_squeeze %dma_wait3A_374 : memref<1x128xi32, #tpu.memory_space<vmem>> -> memref<128xi32, #tpu.memory_space<vmem>>
      %dma_wait3A_376 = arith.constant 0 : i32
      %dma_wait3A_377 = arith.constant 0 : i32
      %dma_wait3A_378 = tpu.memref_slice %arg2[%dma_wait3A_376, %dma_wait3A_377] : memref<10000x128xf32, #tpu.memory_space<hbm>> -> memref<10000x128xf32, #tpu.memory_space<hbm>>
      tpu.wait_indirect_dma semaphore(%arg17 : memref<!tpu.dma_semaphore, #tpu.memory_space<semaphore_mem>>) src(%dma_wait3A_378 : memref<10000x128xf32, #tpu.memory_space<hbm>>) dst(%arg12 : memref<128x128xf32, #tpu.memory_space<vmem>>)
      %dma_start3A_379 = arith.constant 0 : i32
      %dma_start3A_380 = arith.constant 0 : i32
      %dma_start3A_381 = tpu.memref_slice %arg14[%dma_start3A_379, %dma_start3A_380] : memref<10240x128xf32, #tpu.memory_space<vmem_shared>> -> memref<10240x128xf32, #tpu.memory_space<vmem_shared>>
      tpu.enqueue_indirect_dma source(%arg12 : memref<128x128xf32, #tpu.memory_space<vmem>>) target(%dma_start3A_381 : memref<10240x128xf32, #tpu.memory_space<vmem_shared>>) offsets(%arg10 : memref<128xi32, #tpu.memory_space<vmem>>) semaphore(%arg19 : memref<!tpu.dma_semaphore, #tpu.memory_space<semaphore_mem>>) {add = true}
      %gt3A = arith.constant 0 : i32
      %gt3A_382 = arith.cmpi sgt, %scan3A_203, %gt3A : i32
      %convert_element_type3A = arith.extui %gt3A_382 : i1 to i32
      %cond3A = arith.constant 0 : i32
      %cond3A_383 = arith.cmpi ne, %convert_element_type3A, %cond3A : i32
      scf.if %cond3A_383 {
        %dma_wait3A_931 = arith.constant 0 : i32
        %dma_wait3A_932 = arith.constant 0 : i32
        %dma_wait3A_933 = tpu.memref_slice %arg14[%dma_wait3A_931, %dma_wait3A_932] : memref<10240x128xf32, #tpu.memory_space<vmem_shared>> -> memref<10240x128xf32, #tpu.memory_space<vmem_shared>>
        tpu.wait_indirect_dma semaphore(%arg20 : memref<!tpu.dma_semaphore, #tpu.memory_space<semaphore_mem>>) src(%arg13 : memref<128x128xf32, #tpu.memory_space<vmem>>) dst(%dma_wait3A_933 : memref<10240x128xf32, #tpu.memory_space<vmem_shared>>)
      } else {
      }
      %add3A_384 = arith.addi %mul3A_4, %add3A_207 : i32
      %add3A_385 = arith.constant 1 : i32
      %add3A_386 = arith.addi %add3A_384, %add3A_385 : i32
      %dma_wait3A_387 = arith.constant 0 : i32
      %dma_wait3A_388 = arith.constant 0 : i32
      %dma_wait3A_389 = tpu.memref_slice %arg3[%add3A_386, %dma_wait3A_387, %dma_wait3A_388] : memref<2562x2x128xi32, #tpu.memory_space<hbm>> -> memref<1x2x128xi32, #tpu.memory_space<hbm>>
      %dma_wait3A_390 = tpu.memref_squeeze %dma_wait3A_389 : memref<1x2x128xi32, #tpu.memory_space<hbm>> -> memref<2x128xi32, #tpu.memory_space<hbm>>
      %dma_wait3A_391 = arith.constant 0 : i32
      %dma_wait3A_392 = arith.constant 0 : i32
      %dma_wait3A_393 = tpu.memref_slice %arg3[%add3A_386, %dma_wait3A_391, %dma_wait3A_392] : memref<2562x2x128xi32, #tpu.memory_space<hbm>> -> memref<1x2x128xi32, #tpu.memory_space<hbm>>
      %dma_wait3A_394 = tpu.memref_squeeze %dma_wait3A_393 : memref<1x2x128xi32, #tpu.memory_space<hbm>> -> memref<2x128xi32, #tpu.memory_space<hbm>>
      tpu.wait_dma2 semaphore(%arg16 : memref<!tpu.dma_semaphore, #tpu.memory_space<semaphore_mem>>) src(%dma_wait3A_394 : memref<2x128xi32, #tpu.memory_space<hbm>>) dst(%arg9 : memref<2x128xi32, #tpu.memory_space<vmem>>)
      %get3A_395 = arith.constant 0 : i32
      %get3A_396 = arith.constant 0 : i32
      %get3A_397 = tpu.memref_slice %arg9[%get3A_395, %get3A_396] : memref<2x128xi32, #tpu.memory_space<vmem>> -> memref<1x128xi32, #tpu.memory_space<vmem>>
      %get3A_398 = tpu.memref_squeeze %get3A_397 : memref<1x128xi32, #tpu.memory_space<vmem>> -> memref<128xi32, #tpu.memory_space<vmem>>
      %get3A_399 = arith.constant 0 : index
      %get3A_400 = tpu.vector_load %get3A_398[%get3A_399] {strides = array<i32>} : memref<128xi32, #tpu.memory_space<vmem>>, vector<16xi32>,
      %get3A_401 = arith.constant 1 : i32
      %get3A_402 = arith.constant 0 : i32
      %get3A_403 = tpu.memref_slice %arg9[%get3A_401, %get3A_402] : memref<2x128xi32, #tpu.memory_space<vmem>> -> memref<1x128xi32, #tpu.memory_space<vmem>>
      %get3A_404 = tpu.memref_squeeze %get3A_403 : memref<1x128xi32, #tpu.memory_space<vmem>> -> memref<128xi32, #tpu.memory_space<vmem>>
      %get3A_405 = arith.constant 0 : index
      %get3A_406 = tpu.vector_load %get3A_404[%get3A_405] {strides = array<i32>} : memref<128xi32, #tpu.memory_space<vmem>>, vector<16xi32>,
      %eq3A_407 = arith.cmpi eq, %get3A_400, %get3A_406 : vector<16xi32>
      %add3A_408 = arith.constant 10000 : i32
      %add3A_409 = vector.broadcast %add3A_408 : i32 to vector<16xi32>
      %add3A_410 = arith.addi %add3A_409, %iota3A : vector<16xi32>
      %select_n3A_411 = arith.select %eq3A_407, %add3A_410, %get3A_406 : vector<16xi1>, vector<16xi32>
      %swap3A_412 = arith.constant 0 : index
      %swap3A_413 = tpu.vector_load %arg11[%swap3A_412] {strides = array<i32>} : memref<128xi32, #tpu.memory_space<vmem>>, vector<16xi32>,
      tpu.vector_store %arg11[%swap3A_412], %select_n3A_411 {strides = array<i32>} : memref<128xi32, #tpu.memory_space<vmem>>, vector<16xi32>,
      %get3A_414 = arith.constant 0 : i32
      %get3A_415 = arith.constant 0 : i32
      %get3A_416 = tpu.memref_slice %arg9[%get3A_414, %get3A_415] : memref<2x128xi32, #tpu.memory_space<vmem>> -> memref<1x128xi32, #tpu.memory_space<vmem>>
      %get3A_417 = tpu.memref_squeeze %get3A_416 : memref<1x128xi32, #tpu.memory_space<vmem>> -> memref<128xi32, #tpu.memory_space<vmem>>
      %get3A_418 = arith.constant 16 : index
      %get3A_419 = tpu.vector_load %get3A_417[%get3A_418] {strides = array<i32>} : memref<128xi32, #tpu.memory_space<vmem>>, vector<16xi32>,
      %get3A_420 = arith.constant 1 : i32
      %get3A_421 = arith.constant 0 : i32
      %get3A_422 = tpu.memref_slice %arg9[%get3A_420, %get3A_421] : memref<2x128xi32, #tpu.memory_space<vmem>> -> memref<1x128xi32, #tpu.memory_space<vmem>>
      %get3A_423 = tpu.memref_squeeze %get3A_422 : memref<1x128xi32, #tpu.memory_space<vmem>> -> memref<128xi32, #tpu.memory_space<vmem>>
      %get3A_424 = arith.constant 16 : index
      %get3A_425 = tpu.vector_load %get3A_423[%get3A_424] {strides = array<i32>} : memref<128xi32, #tpu.memory_space<vmem>>, vector<16xi32>,
      %eq3A_426 = arith.cmpi eq, %get3A_419, %get3A_425 : vector<16xi32>
      %add3A_427 = arith.constant 10000 : i32
      %add3A_428 = vector.broadcast %add3A_427 : i32 to vector<16xi32>
      %add3A_429 = arith.addi %add3A_428, %iota3A : vector<16xi32>
      %select_n3A_430 = arith.select %eq3A_426, %add3A_429, %get3A_425 : vector<16xi1>, vector<16xi32>
      %swap3A_431 = arith.constant 16 : index
      %swap3A_432 = tpu.vector_load %arg11[%swap3A_431] {strides = array<i32>} : memref<128xi32, #tpu.memory_space<vmem>>, vector<16xi32>,
      tpu.vector_store %arg11[%swap3A_431], %select_n3A_430 {strides = array<i32>} : memref<128xi32, #tpu.memory_space<vmem>>, vector<16xi32>,
      %get3A_433 = arith.constant 0 : i32
      %get3A_434 = arith.constant 0 : i32
      %get3A_435 = tpu.memref_slice %arg9[%get3A_433, %get3A_434] : memref<2x128xi32, #tpu.memory_space<vmem>> -> memref<1x128xi32, #tpu.memory_space<vmem>>
      %get3A_436 = tpu.memref_squeeze %get3A_435 : memref<1x128xi32, #tpu.memory_space<vmem>> -> memref<128xi32, #tpu.memory_space<vmem>>
      %get3A_437 = arith.constant 32 : index
      %get3A_438 = tpu.vector_load %get3A_436[%get3A_437] {strides = array<i32>} : memref<128xi32, #tpu.memory_space<vmem>>, vector<16xi32>,
      %get3A_439 = arith.constant 1 : i32
      %get3A_440 = arith.constant 0 : i32
      %get3A_441 = tpu.memref_slice %arg9[%get3A_439, %get3A_440] : memref<2x128xi32, #tpu.memory_space<vmem>> -> memref<1x128xi32, #tpu.memory_space<vmem>>
      %get3A_442 = tpu.memref_squeeze %get3A_441 : memref<1x128xi32, #tpu.memory_space<vmem>> -> memref<128xi32, #tpu.memory_space<vmem>>
      %get3A_443 = arith.constant 32 : index
      %get3A_444 = tpu.vector_load %get3A_442[%get3A_443] {strides = array<i32>} : memref<128xi32, #tpu.memory_space<vmem>>, vector<16xi32>,
      %eq3A_445 = arith.cmpi eq, %get3A_438, %get3A_444 : vector<16xi32>
      %add3A_446 = arith.constant 10000 : i32
      %add3A_447 = vector.broadcast %add3A_446 : i32 to vector<16xi32>
      %add3A_448 = arith.addi %add3A_447, %iota3A : vector<16xi32>
      %select_n3A_449 = arith.select %eq3A_445, %add3A_448, %get3A_444 : vector<16xi1>, vector<16xi32>
      %swap3A_450 = arith.constant 32 : index
      %swap3A_451 = tpu.vector_load %arg11[%swap3A_450] {strides = array<i32>} : memref<128xi32, #tpu.memory_space<vmem>>, vector<16xi32>,
      tpu.vector_store %arg11[%swap3A_450], %select_n3A_449 {strides = array<i32>} : memref<128xi32, #tpu.memory_space<vmem>>, vector<16xi32>,
      %get3A_452 = arith.constant 0 : i32
      %get3A_453 = arith.constant 0 : i32
      %get3A_454 = tpu.memref_slice %arg9[%get3A_452, %get3A_453] : memref<2x128xi32, #tpu.memory_space<vmem>> -> memref<1x128xi32, #tpu.memory_space<vmem>>
      %get3A_455 = tpu.memref_squeeze %get3A_454 : memref<1x128xi32, #tpu.memory_space<vmem>> -> memref<128xi32, #tpu.memory_space<vmem>>
      %get3A_456 = arith.constant 48 : index
      %get3A_457 = tpu.vector_load %get3A_455[%get3A_456] {strides = array<i32>} : memref<128xi32, #tpu.memory_space<vmem>>, vector<16xi32>,
      %get3A_458 = arith.constant 1 : i32
      %get3A_459 = arith.constant 0 : i32
      %get3A_460 = tpu.memref_slice %arg9[%get3A_458, %get3A_459] : memref<2x128xi32, #tpu.memory_space<vmem>> -> memref<1x128xi32, #tpu.memory_space<vmem>>
      %get3A_461 = tpu.memref_squeeze %get3A_460 : memref<1x128xi32, #tpu.memory_space<vmem>> -> memref<128xi32, #tpu.memory_space<vmem>>
      %get3A_462 = arith.constant 48 : index
      %get3A_463 = tpu.vector_load %get3A_461[%get3A_462] {strides = array<i32>} : memref<128xi32, #tpu.memory_space<vmem>>, vector<16xi32>,
      %eq3A_464 = arith.cmpi eq, %get3A_457, %get3A_463 : vector<16xi32>
      %add3A_465 = arith.constant 10000 : i32
      %add3A_466 = vector.broadcast %add3A_465 : i32 to vector<16xi32>
      %add3A_467 = arith.addi %add3A_466, %iota3A : vector<16xi32>
      %select_n3A_468 = arith.select %eq3A_464, %add3A_467, %get3A_463 : vector<16xi1>, vector<16xi32>
      %swap3A_469 = arith.constant 48 : index
      %swap3A_470 = tpu.vector_load %arg11[%swap3A_469] {strides = array<i32>} : memref<128xi32, #tpu.memory_space<vmem>>, vector<16xi32>,
      tpu.vector_store %arg11[%swap3A_469], %select_n3A_468 {strides = array<i32>} : memref<128xi32, #tpu.memory_space<vmem>>, vector<16xi32>,
      %get3A_471 = arith.constant 0 : i32
      %get3A_472 = arith.constant 0 : i32
      %get3A_473 = tpu.memref_slice %arg9[%get3A_471, %get3A_472] : memref<2x128xi32, #tpu.memory_space<vmem>> -> memref<1x128xi32, #tpu.memory_space<vmem>>
      %get3A_474 = tpu.memref_squeeze %get3A_473 : memref<1x128xi32, #tpu.memory_space<vmem>> -> memref<128xi32, #tpu.memory_space<vmem>>
      %get3A_475 = arith.constant 64 : index
      %get3A_476 = tpu.vector_load %get3A_474[%get3A_475] {strides = array<i32>} : memref<128xi32, #tpu.memory_space<vmem>>, vector<16xi32>,
      %get3A_477 = arith.constant 1 : i32
      %get3A_478 = arith.constant 0 : i32
      %get3A_479 = tpu.memref_slice %arg9[%get3A_477, %get3A_478] : memref<2x128xi32, #tpu.memory_space<vmem>> -> memref<1x128xi32, #tpu.memory_space<vmem>>
      %get3A_480 = tpu.memref_squeeze %get3A_479 : memref<1x128xi32, #tpu.memory_space<vmem>> -> memref<128xi32, #tpu.memory_space<vmem>>
      %get3A_481 = arith.constant 64 : index
      %get3A_482 = tpu.vector_load %get3A_480[%get3A_481] {strides = array<i32>} : memref<128xi32, #tpu.memory_space<vmem>>, vector<16xi32>,
      %eq3A_483 = arith.cmpi eq, %get3A_476, %get3A_482 : vector<16xi32>
      %add3A_484 = arith.constant 10000 : i32
      %add3A_485 = vector.broadcast %add3A_484 : i32 to vector<16xi32>
      %add3A_486 = arith.addi %add3A_485, %iota3A : vector<16xi32>
      %select_n3A_487 = arith.select %eq3A_483, %add3A_486, %get3A_482 : vector<16xi1>, vector<16xi32>
      %swap3A_488 = arith.constant 64 : index
      %swap3A_489 = tpu.vector_load %arg11[%swap3A_488] {strides = array<i32>} : memref<128xi32, #tpu.memory_space<vmem>>, vector<16xi32>,
      tpu.vector_store %arg11[%swap3A_488], %select_n3A_487 {strides = array<i32>} : memref<128xi32, #tpu.memory_space<vmem>>, vector<16xi32>,
      %get3A_490 = arith.constant 0 : i32
      %get3A_491 = arith.constant 0 : i32
      %get3A_492 = tpu.memref_slice %arg9[%get3A_490, %get3A_491] : memref<2x128xi32, #tpu.memory_space<vmem>> -> memref<1x128xi32, #tpu.memory_space<vmem>>
      %get3A_493 = tpu.memref_squeeze %get3A_492 : memref<1x128xi32, #tpu.memory_space<vmem>> -> memref<128xi32, #tpu.memory_space<vmem>>
      %get3A_494 = arith.constant 80 : index
      %get3A_495 = tpu.vector_load %get3A_493[%get3A_494] {strides = array<i32>} : memref<128xi32, #tpu.memory_space<vmem>>, vector<16xi32>,
      %get3A_496 = arith.constant 1 : i32
      %get3A_497 = arith.constant 0 : i32
      %get3A_498 = tpu.memref_slice %arg9[%get3A_496, %get3A_497] : memref<2x128xi32, #tpu.memory_space<vmem>> -> memref<1x128xi32, #tpu.memory_space<vmem>>
      %get3A_499 = tpu.memref_squeeze %get3A_498 : memref<1x128xi32, #tpu.memory_space<vmem>> -> memref<128xi32, #tpu.memory_space<vmem>>
      %get3A_500 = arith.constant 80 : index
      %get3A_501 = tpu.vector_load %get3A_499[%get3A_500] {strides = array<i32>} : memref<128xi32, #tpu.memory_space<vmem>>, vector<16xi32>,
      %eq3A_502 = arith.cmpi eq, %get3A_495, %get3A_501 : vector<16xi32>
      %add3A_503 = arith.constant 10000 : i32
      %add3A_504 = vector.broadcast %add3A_503 : i32 to vector<16xi32>
      %add3A_505 = arith.addi %add3A_504, %iota3A : vector<16xi32>
      %select_n3A_506 = arith.select %eq3A_502, %add3A_505, %get3A_501 : vector<16xi1>, vector<16xi32>
      %swap3A_507 = arith.constant 80 : index
      %swap3A_508 = tpu.vector_load %arg11[%swap3A_507] {strides = array<i32>} : memref<128xi32, #tpu.memory_space<vmem>>, vector<16xi32>,
      tpu.vector_store %arg11[%swap3A_507], %select_n3A_506 {strides = array<i32>} : memref<128xi32, #tpu.memory_space<vmem>>, vector<16xi32>,
      %get3A_509 = arith.constant 0 : i32
      %get3A_510 = arith.constant 0 : i32
      %get3A_511 = tpu.memref_slice %arg9[%get3A_509, %get3A_510] : memref<2x128xi32, #tpu.memory_space<vmem>> -> memref<1x128xi32, #tpu.memory_space<vmem>>
      %get3A_512 = tpu.memref_squeeze %get3A_511 : memref<1x128xi32, #tpu.memory_space<vmem>> -> memref<128xi32, #tpu.memory_space<vmem>>
      %get3A_513 = arith.constant 96 : index
      %get3A_514 = tpu.vector_load %get3A_512[%get3A_513] {strides = array<i32>} : memref<128xi32, #tpu.memory_space<vmem>>, vector<16xi32>,
      %get3A_515 = arith.constant 1 : i32
      %get3A_516 = arith.constant 0 : i32
      %get3A_517 = tpu.memref_slice %arg9[%get3A_515, %get3A_516] : memref<2x128xi32, #tpu.memory_space<vmem>> -> memref<1x128xi32, #tpu.memory_space<vmem>>
      %get3A_518 = tpu.memref_squeeze %get3A_517 : memref<1x128xi32, #tpu.memory_space<vmem>> -> memref<128xi32, #tpu.memory_space<vmem>>
      %get3A_519 = arith.constant 96 : index
      %get3A_520 = tpu.vector_load %get3A_518[%get3A_519] {strides = array<i32>} : memref<128xi32, #tpu.memory_space<vmem>>, vector<16xi32>,
      %eq3A_521 = arith.cmpi eq, %get3A_514, %get3A_520 : vector<16xi32>
      %add3A_522 = arith.constant 10000 : i32
      %add3A_523 = vector.broadcast %add3A_522 : i32 to vector<16xi32>
      %add3A_524 = arith.addi %add3A_523, %iota3A : vector<16xi32>
      %select_n3A_525 = arith.select %eq3A_521, %add3A_524, %get3A_520 : vector<16xi1>, vector<16xi32>
      %swap3A_526 = arith.constant 96 : index
      %swap3A_527 = tpu.vector_load %arg11[%swap3A_526] {strides = array<i32>} : memref<128xi32, #tpu.memory_space<vmem>>, vector<16xi32>,
      tpu.vector_store %arg11[%swap3A_526], %select_n3A_525 {strides = array<i32>} : memref<128xi32, #tpu.memory_space<vmem>>, vector<16xi32>,
      %get3A_528 = arith.constant 0 : i32
      %get3A_529 = arith.constant 0 : i32
      %get3A_530 = tpu.memref_slice %arg9[%get3A_528, %get3A_529] : memref<2x128xi32, #tpu.memory_space<vmem>> -> memref<1x128xi32, #tpu.memory_space<vmem>>
      %get3A_531 = tpu.memref_squeeze %get3A_530 : memref<1x128xi32, #tpu.memory_space<vmem>> -> memref<128xi32, #tpu.memory_space<vmem>>
      %get3A_532 = arith.constant 112 : index
      %get3A_533 = tpu.vector_load %get3A_531[%get3A_532] {strides = array<i32>} : memref<128xi32, #tpu.memory_space<vmem>>, vector<16xi32>,
      %get3A_534 = arith.constant 1 : i32
      %get3A_535 = arith.constant 0 : i32
      %get3A_536 = tpu.memref_slice %arg9[%get3A_534, %get3A_535] : memref<2x128xi32, #tpu.memory_space<vmem>> -> memref<1x128xi32, #tpu.memory_space<vmem>>
      %get3A_537 = tpu.memref_squeeze %get3A_536 : memref<1x128xi32, #tpu.memory_space<vmem>> -> memref<128xi32, #tpu.memory_space<vmem>>
      %get3A_538 = arith.constant 112 : index
      %get3A_539 = tpu.vector_load %get3A_537[%get3A_538] {strides = array<i32>} : memref<128xi32, #tpu.memory_space<vmem>>, vector<16xi32>,
      %eq3A_540 = arith.cmpi eq, %get3A_533, %get3A_539 : vector<16xi32>
      %add3A_541 = arith.constant 10000 : i32
      %add3A_542 = vector.broadcast %add3A_541 : i32 to vector<16xi32>
      %add3A_543 = arith.addi %add3A_542, %iota3A : vector<16xi32>
      %select_n3A_544 = arith.select %eq3A_540, %add3A_543, %get3A_539 : vector<16xi1>, vector<16xi32>
      %swap3A_545 = arith.constant 112 : index
      %swap3A_546 = tpu.vector_load %arg11[%swap3A_545] {strides = array<i32>} : memref<128xi32, #tpu.memory_space<vmem>>, vector<16xi32>,
      tpu.vector_store %arg11[%swap3A_545], %select_n3A_544 {strides = array<i32>} : memref<128xi32, #tpu.memory_space<vmem>>, vector<16xi32>,
      %dma_start3A_547 = arith.constant 0 : i32
      %dma_start3A_548 = arith.constant 0 : i32
      %dma_start3A_549 = tpu.memref_slice %arg9[%dma_start3A_547, %dma_start3A_548] : memref<2x128xi32, #tpu.memory_space<vmem>> -> memref<1x128xi32, #tpu.memory_space<vmem>>
      %dma_start3A_550 = tpu.memref_squeeze %dma_start3A_549 : memref<1x128xi32, #tpu.memory_space<vmem>> -> memref<128xi32, #tpu.memory_space<vmem>>
      %dma_start3A_551 = arith.constant 0 : i32
      %dma_start3A_552 = arith.constant 0 : i32
      %dma_start3A_553 = tpu.memref_slice %arg2[%dma_start3A_551, %dma_start3A_552] : memref<10000x128xf32, #tpu.memory_space<hbm>> -> memref<10000x128xf32, #tpu.memory_space<hbm>>
      tpu.enqueue_indirect_dma source(%dma_start3A_553 : memref<10000x128xf32, #tpu.memory_space<hbm>>) target(%arg13 : memref<128x128xf32, #tpu.memory_space<vmem>>) offsets(%dma_start3A_550 : memref<128xi32, #tpu.memory_space<vmem>>) semaphore(%arg18 : memref<!tpu.dma_semaphore, #tpu.memory_space<semaphore_mem>>)
      %add3A_554 = arith.addi %mul3A_4, %add3A_207 : i32
      %add3A_555 = arith.constant 2 : i32
      %add3A_556 = arith.addi %add3A_554, %add3A_555 : i32
      %dma_start3A_557 = arith.constant 0 : i32
      %dma_start3A_558 = arith.constant 0 : i32
      %dma_start3A_559 = tpu.memref_slice %arg3[%add3A_556, %dma_start3A_557, %dma_start3A_558] : memref<2562x2x128xi32, #tpu.memory_space<hbm>> -> memref<1x2x128xi32, #tpu.memory_space<hbm>>
      %dma_start3A_560 = tpu.memref_squeeze %dma_start3A_559 : memref<1x2x128xi32, #tpu.memory_space<hbm>> -> memref<2x128xi32, #tpu.memory_space<hbm>>
      %dma_start3A_561 = arith.constant 0 : i32
      %dma_start3A_562 = arith.constant 0 : i32
      %dma_start3A_563 = tpu.memref_slice %arg3[%add3A_556, %dma_start3A_561, %dma_start3A_562] : memref<2562x2x128xi32, #tpu.memory_space<hbm>> -> memref<1x2x128xi32, #tpu.memory_space<hbm>>
      %dma_start3A_564 = tpu.memref_squeeze %dma_start3A_563 : memref<1x2x128xi32, #tpu.memory_space<hbm>> -> memref<2x128xi32, #tpu.memory_space<hbm>>
      tpu.enqueue_dma source(%dma_start3A_564 : memref<2x128xi32, #tpu.memory_space<hbm>>) target(%arg8 : memref<2x128xi32, #tpu.memory_space<vmem>>) target_semaphore(%arg15 : memref<!tpu.dma_semaphore, #tpu.memory_space<semaphore_mem>>)
      %mul3A_565 = arith.constant 2 : i32
      %mul3A_566 = arith.muli %mul3A_565, %scan3A_203 : i32
      %add3A_567 = arith.constant 1 : i32
      %add3A_568 = arith.addi %mul3A_566, %add3A_567 : i32
      %get3A_569 = arith.constant 0 : i32
      %get3A_570 = arith.constant 0 : i32
      %get3A_571 = tpu.memref_slice %arg9[%get3A_569, %get3A_570] : memref<2x128xi32, #tpu.memory_space<vmem>> -> memref<1x128xi32, #tpu.memory_space<vmem>>
      %get3A_572 = tpu.memref_squeeze %get3A_571 : memref<1x128xi32, #tpu.memory_space<vmem>> -> memref<128xi32, #tpu.memory_space<vmem>>
      %get3A_573 = arith.constant 0 : index
      %get3A_574 = tpu.vector_load %get3A_572[%get3A_573] {strides = array<i32>} : memref<128xi32, #tpu.memory_space<vmem>>, vector<16xi32>,
      %get3A_575 = arith.constant 1 : i32
      %get3A_576 = arith.constant 0 : i32
      %get3A_577 = tpu.memref_slice %arg9[%get3A_575, %get3A_576] : memref<2x128xi32, #tpu.memory_space<vmem>> -> memref<1x128xi32, #tpu.memory_space<vmem>>
      %get3A_578 = tpu.memref_squeeze %get3A_577 : memref<1x128xi32, #tpu.memory_space<vmem>> -> memref<128xi32, #tpu.memory_space<vmem>>
      %get3A_579 = arith.constant 0 : index
      %get3A_580 = tpu.vector_load %get3A_578[%get3A_579] {strides = array<i32>} : memref<128xi32, #tpu.memory_space<vmem>>, vector<16xi32>,
      %ne3A_581 = arith.cmpi ne, %get3A_574, %get3A_580 : vector<16xi32>
      %unique3A_582, %unique3A_583 = tpu.scan_count mask(%ne3A_581 : vector<16xi1>) value(%get3A_580 : vector<16xi32>) : vector<16xi1>, vector<16xi32>
      %shift_right_arithmetic3A_584 = arith.constant 7 : i32
      %shift_right_arithmetic3A_585 = vector.broadcast %shift_right_arithmetic3A_584 : i32 to vector<16xi32>
      %shift_right_arithmetic3A_586 = arith.shrsi %get3A_580, %shift_right_arithmetic3A_585 : vector<16xi32>
      %and3A_587 = arith.constant 127 : i32
      %and3A_588 = vector.broadcast %and3A_587 : i32 to vector<16xi32>
      %and3A_589 = arith.andi %get3A_580, %and3A_588 : vector<16xi32>
      tpu.vector_store_idx %arg21[%shift_right_arithmetic3A_586, %and3A_589], %unique3A_583 masked %unique3A_582 {add = true} : memref<80x128xi32, #tpu.memory_space<vmem>>[vector<16xi32>, vector<16xi32>], vector<16xi32>, vector<16xi1>
      %get3A_590 = arith.constant 0 : i32
      %get3A_591 = arith.constant 0 : i32
      %get3A_592 = tpu.memref_slice %arg9[%get3A_590, %get3A_591] : memref<2x128xi32, #tpu.memory_space<vmem>> -> memref<1x128xi32, #tpu.memory_space<vmem>>
      %get3A_593 = tpu.memref_squeeze %get3A_592 : memref<1x128xi32, #tpu.memory_space<vmem>> -> memref<128xi32, #tpu.memory_space<vmem>>
      %get3A_594 = arith.constant 16 : index
      %get3A_595 = tpu.vector_load %get3A_593[%get3A_594] {strides = array<i32>} : memref<128xi32, #tpu.memory_space<vmem>>, vector<16xi32>,
      %get3A_596 = arith.constant 1 : i32
      %get3A_597 = arith.constant 0 : i32
      %get3A_598 = tpu.memref_slice %arg9[%get3A_596, %get3A_597] : memref<2x128xi32, #tpu.memory_space<vmem>> -> memref<1x128xi32, #tpu.memory_space<vmem>>
      %get3A_599 = tpu.memref_squeeze %get3A_598 : memref<1x128xi32, #tpu.memory_space<vmem>> -> memref<128xi32, #tpu.memory_space<vmem>>
      %get3A_600 = arith.constant 16 : index
      %get3A_601 = tpu.vector_load %get3A_599[%get3A_600] {strides = array<i32>} : memref<128xi32, #tpu.memory_space<vmem>>, vector<16xi32>,
      %ne3A_602 = arith.cmpi ne, %get3A_595, %get3A_601 : vector<16xi32>
      %unique3A_603, %unique3A_604 = tpu.scan_count mask(%ne3A_602 : vector<16xi1>) value(%get3A_601 : vector<16xi32>) : vector<16xi1>, vector<16xi32>
      %shift_right_arithmetic3A_605 = arith.constant 7 : i32
      %shift_right_arithmetic3A_606 = vector.broadcast %shift_right_arithmetic3A_605 : i32 to vector<16xi32>
      %shift_right_arithmetic3A_607 = arith.shrsi %get3A_601, %shift_right_arithmetic3A_606 : vector<16xi32>
      %and3A_608 = arith.constant 127 : i32
      %and3A_609 = vector.broadcast %and3A_608 : i32 to vector<16xi32>
      %and3A_610 = arith.andi %get3A_601, %and3A_609 : vector<16xi32>
      tpu.vector_store_idx %arg21[%shift_right_arithmetic3A_607, %and3A_610], %unique3A_604 masked %unique3A_603 {add = true} : memref<80x128xi32, #tpu.memory_space<vmem>>[vector<16xi32>, vector<16xi32>], vector<16xi32>, vector<16xi1>
      %get3A_611 = arith.constant 0 : i32
      %get3A_612 = arith.constant 0 : i32
      %get3A_613 = tpu.memref_slice %arg9[%get3A_611, %get3A_612] : memref<2x128xi32, #tpu.memory_space<vmem>> -> memref<1x128xi32, #tpu.memory_space<vmem>>
      %get3A_614 = tpu.memref_squeeze %get3A_613 : memref<1x128xi32, #tpu.memory_space<vmem>> -> memref<128xi32, #tpu.memory_space<vmem>>
      %get3A_615 = arith.constant 32 : index
      %get3A_616 = tpu.vector_load %get3A_614[%get3A_615] {strides = array<i32>} : memref<128xi32, #tpu.memory_space<vmem>>, vector<16xi32>,
      %get3A_617 = arith.constant 1 : i32
      %get3A_618 = arith.constant 0 : i32
      %get3A_619 = tpu.memref_slice %arg9[%get3A_617, %get3A_618] : memref<2x128xi32, #tpu.memory_space<vmem>> -> memref<1x128xi32, #tpu.memory_space<vmem>>
      %get3A_620 = tpu.memref_squeeze %get3A_619 : memref<1x128xi32, #tpu.memory_space<vmem>> -> memref<128xi32, #tpu.memory_space<vmem>>
      %get3A_621 = arith.constant 32 : index
      %get3A_622 = tpu.vector_load %get3A_620[%get3A_621] {strides = array<i32>} : memref<128xi32, #tpu.memory_space<vmem>>, vector<16xi32>,
      %ne3A_623 = arith.cmpi ne, %get3A_616, %get3A_622 : vector<16xi32>
      %unique3A_624, %unique3A_625 = tpu.scan_count mask(%ne3A_623 : vector<16xi1>) value(%get3A_622 : vector<16xi32>) : vector<16xi1>, vector<16xi32>
      %shift_right_arithmetic3A_626 = arith.constant 7 : i32
      %shift_right_arithmetic3A_627 = vector.broadcast %shift_right_arithmetic3A_626 : i32 to vector<16xi32>
      %shift_right_arithmetic3A_628 = arith.shrsi %get3A_622, %shift_right_arithmetic3A_627 : vector<16xi32>
      %and3A_629 = arith.constant 127 : i32
      %and3A_630 = vector.broadcast %and3A_629 : i32 to vector<16xi32>
      %and3A_631 = arith.andi %get3A_622, %and3A_630 : vector<16xi32>
      tpu.vector_store_idx %arg21[%shift_right_arithmetic3A_628, %and3A_631], %unique3A_625 masked %unique3A_624 {add = true} : memref<80x128xi32, #tpu.memory_space<vmem>>[vector<16xi32>, vector<16xi32>], vector<16xi32>, vector<16xi1>
      %get3A_632 = arith.constant 0 : i32
      %get3A_633 = arith.constant 0 : i32
      %get3A_634 = tpu.memref_slice %arg9[%get3A_632, %get3A_633] : memref<2x128xi32, #tpu.memory_space<vmem>> -> memref<1x128xi32, #tpu.memory_space<vmem>>
      %get3A_635 = tpu.memref_squeeze %get3A_634 : memref<1x128xi32, #tpu.memory_space<vmem>> -> memref<128xi32, #tpu.memory_space<vmem>>
      %get3A_636 = arith.constant 48 : index
      %get3A_637 = tpu.vector_load %get3A_635[%get3A_636] {strides = array<i32>} : memref<128xi32, #tpu.memory_space<vmem>>, vector<16xi32>,
      %get3A_638 = arith.constant 1 : i32
      %get3A_639 = arith.constant 0 : i32
      %get3A_640 = tpu.memref_slice %arg9[%get3A_638, %get3A_639] : memref<2x128xi32, #tpu.memory_space<vmem>> -> memref<1x128xi32, #tpu.memory_space<vmem>>
      %get3A_641 = tpu.memref_squeeze %get3A_640 : memref<1x128xi32, #tpu.memory_space<vmem>> -> memref<128xi32, #tpu.memory_space<vmem>>
      %get3A_642 = arith.constant 48 : index
      %get3A_643 = tpu.vector_load %get3A_641[%get3A_642] {strides = array<i32>} : memref<128xi32, #tpu.memory_space<vmem>>, vector<16xi32>,
      %ne3A_644 = arith.cmpi ne, %get3A_637, %get3A_643 : vector<16xi32>
      %unique3A_645, %unique3A_646 = tpu.scan_count mask(%ne3A_644 : vector<16xi1>) value(%get3A_643 : vector<16xi32>) : vector<16xi1>, vector<16xi32>
      %shift_right_arithmetic3A_647 = arith.constant 7 : i32
      %shift_right_arithmetic3A_648 = vector.broadcast %shift_right_arithmetic3A_647 : i32 to vector<16xi32>
      %shift_right_arithmetic3A_649 = arith.shrsi %get3A_643, %shift_right_arithmetic3A_648 : vector<16xi32>
      %and3A_650 = arith.constant 127 : i32
      %and3A_651 = vector.broadcast %and3A_650 : i32 to vector<16xi32>
      %and3A_652 = arith.andi %get3A_643, %and3A_651 : vector<16xi32>
      tpu.vector_store_idx %arg21[%shift_right_arithmetic3A_649, %and3A_652], %unique3A_646 masked %unique3A_645 {add = true} : memref<80x128xi32, #tpu.memory_space<vmem>>[vector<16xi32>, vector<16xi32>], vector<16xi32>, vector<16xi1>
      %get3A_653 = arith.constant 0 : i32
      %get3A_654 = arith.constant 0 : i32
      %get3A_655 = tpu.memref_slice %arg9[%get3A_653, %get3A_654] : memref<2x128xi32, #tpu.memory_space<vmem>> -> memref<1x128xi32, #tpu.memory_space<vmem>>
      %get3A_656 = tpu.memref_squeeze %get3A_655 : memref<1x128xi32, #tpu.memory_space<vmem>> -> memref<128xi32, #tpu.memory_space<vmem>>
      %get3A_657 = arith.constant 64 : index
      %get3A_658 = tpu.vector_load %get3A_656[%get3A_657] {strides = array<i32>} : memref<128xi32, #tpu.memory_space<vmem>>, vector<16xi32>,
      %get3A_659 = arith.constant 1 : i32
      %get3A_660 = arith.constant 0 : i32
      %get3A_661 = tpu.memref_slice %arg9[%get3A_659, %get3A_660] : memref<2x128xi32, #tpu.memory_space<vmem>> -> memref<1x128xi32, #tpu.memory_space<vmem>>
      %get3A_662 = tpu.memref_squeeze %get3A_661 : memref<1x128xi32, #tpu.memory_space<vmem>> -> memref<128xi32, #tpu.memory_space<vmem>>
      %get3A_663 = arith.constant 64 : index
      %get3A_664 = tpu.vector_load %get3A_662[%get3A_663] {strides = array<i32>} : memref<128xi32, #tpu.memory_space<vmem>>, vector<16xi32>,
      %ne3A_665 = arith.cmpi ne, %get3A_658, %get3A_664 : vector<16xi32>
      %unique3A_666, %unique3A_667 = tpu.scan_count mask(%ne3A_665 : vector<16xi1>) value(%get3A_664 : vector<16xi32>) : vector<16xi1>, vector<16xi32>
      %shift_right_arithmetic3A_668 = arith.constant 7 : i32
      %shift_right_arithmetic3A_669 = vector.broadcast %shift_right_arithmetic3A_668 : i32 to vector<16xi32>
      %shift_right_arithmetic3A_670 = arith.shrsi %get3A_664, %shift_right_arithmetic3A_669 : vector<16xi32>
      %and3A_671 = arith.constant 127 : i32
      %and3A_672 = vector.broadcast %and3A_671 : i32 to vector<16xi32>
      %and3A_673 = arith.andi %get3A_664, %and3A_672 : vector<16xi32>
      tpu.vector_store_idx %arg21[%shift_right_arithmetic3A_670, %and3A_673], %unique3A_667 masked %unique3A_666 {add = true} : memref<80x128xi32, #tpu.memory_space<vmem>>[vector<16xi32>, vector<16xi32>], vector<16xi32>, vector<16xi1>
      %get3A_674 = arith.constant 0 : i32
      %get3A_675 = arith.constant 0 : i32
      %get3A_676 = tpu.memref_slice %arg9[%get3A_674, %get3A_675] : memref<2x128xi32, #tpu.memory_space<vmem>> -> memref<1x128xi32, #tpu.memory_space<vmem>>
      %get3A_677 = tpu.memref_squeeze %get3A_676 : memref<1x128xi32, #tpu.memory_space<vmem>> -> memref<128xi32, #tpu.memory_space<vmem>>
      %get3A_678 = arith.constant 80 : index
      %get3A_679 = tpu.vector_load %get3A_677[%get3A_678] {strides = array<i32>} : memref<128xi32, #tpu.memory_space<vmem>>, vector<16xi32>,
      %get3A_680 = arith.constant 1 : i32
      %get3A_681 = arith.constant 0 : i32
      %get3A_682 = tpu.memref_slice %arg9[%get3A_680, %get3A_681] : memref<2x128xi32, #tpu.memory_space<vmem>> -> memref<1x128xi32, #tpu.memory_space<vmem>>
      %get3A_683 = tpu.memref_squeeze %get3A_682 : memref<1x128xi32, #tpu.memory_space<vmem>> -> memref<128xi32, #tpu.memory_space<vmem>>
      %get3A_684 = arith.constant 80 : index
      %get3A_685 = tpu.vector_load %get3A_683[%get3A_684] {strides = array<i32>} : memref<128xi32, #tpu.memory_space<vmem>>, vector<16xi32>,
      %ne3A_686 = arith.cmpi ne, %get3A_679, %get3A_685 : vector<16xi32>
      %unique3A_687, %unique3A_688 = tpu.scan_count mask(%ne3A_686 : vector<16xi1>) value(%get3A_685 : vector<16xi32>) : vector<16xi1>, vector<16xi32>
      %shift_right_arithmetic3A_689 = arith.constant 7 : i32
      %shift_right_arithmetic3A_690 = vector.broadcast %shift_right_arithmetic3A_689 : i32 to vector<16xi32>
      %shift_right_arithmetic3A_691 = arith.shrsi %get3A_685, %shift_right_arithmetic3A_690 : vector<16xi32>
      %and3A_692 = arith.constant 127 : i32
      %and3A_693 = vector.broadcast %and3A_692 : i32 to vector<16xi32>
      %and3A_694 = arith.andi %get3A_685, %and3A_693 : vector<16xi32>
      tpu.vector_store_idx %arg21[%shift_right_arithmetic3A_691, %and3A_694], %unique3A_688 masked %unique3A_687 {add = true} : memref<80x128xi32, #tpu.memory_space<vmem>>[vector<16xi32>, vector<16xi32>], vector<16xi32>, vector<16xi1>
      %get3A_695 = arith.constant 0 : i32
      %get3A_696 = arith.constant 0 : i32
      %get3A_697 = tpu.memref_slice %arg9[%get3A_695, %get3A_696] : memref<2x128xi32, #tpu.memory_space<vmem>> -> memref<1x128xi32, #tpu.memory_space<vmem>>
      %get3A_698 = tpu.memref_squeeze %get3A_697 : memref<1x128xi32, #tpu.memory_space<vmem>> -> memref<128xi32, #tpu.memory_space<vmem>>
      %get3A_699 = arith.constant 96 : index
      %get3A_700 = tpu.vector_load %get3A_698[%get3A_699] {strides = array<i32>} : memref<128xi32, #tpu.memory_space<vmem>>, vector<16xi32>,
      %get3A_701 = arith.constant 1 : i32
      %get3A_702 = arith.constant 0 : i32
      %get3A_703 = tpu.memref_slice %arg9[%get3A_701, %get3A_702] : memref<2x128xi32, #tpu.memory_space<vmem>> -> memref<1x128xi32, #tpu.memory_space<vmem>>
      %get3A_704 = tpu.memref_squeeze %get3A_703 : memref<1x128xi32, #tpu.memory_space<vmem>> -> memref<128xi32, #tpu.memory_space<vmem>>
      %get3A_705 = arith.constant 96 : index
      %get3A_706 = tpu.vector_load %get3A_704[%get3A_705] {strides = array<i32>} : memref<128xi32, #tpu.memory_space<vmem>>, vector<16xi32>,
      %ne3A_707 = arith.cmpi ne, %get3A_700, %get3A_706 : vector<16xi32>
      %unique3A_708, %unique3A_709 = tpu.scan_count mask(%ne3A_707 : vector<16xi1>) value(%get3A_706 : vector<16xi32>) : vector<16xi1>, vector<16xi32>
      %shift_right_arithmetic3A_710 = arith.constant 7 : i32
      %shift_right_arithmetic3A_711 = vector.broadcast %shift_right_arithmetic3A_710 : i32 to vector<16xi32>
      %shift_right_arithmetic3A_712 = arith.shrsi %get3A_706, %shift_right_arithmetic3A_711 : vector<16xi32>
      %and3A_713 = arith.constant 127 : i32
      %and3A_714 = vector.broadcast %and3A_713 : i32 to vector<16xi32>
      %and3A_715 = arith.andi %get3A_706, %and3A_714 : vector<16xi32>
      tpu.vector_store_idx %arg21[%shift_right_arithmetic3A_712, %and3A_715], %unique3A_709 masked %unique3A_708 {add = true} : memref<80x128xi32, #tpu.memory_space<vmem>>[vector<16xi32>, vector<16xi32>], vector<16xi32>, vector<16xi1>
      %get3A_716 = arith.constant 0 : i32
      %get3A_717 = arith.constant 0 : i32
      %get3A_718 = tpu.memref_slice %arg9[%get3A_716, %get3A_717] : memref<2x128xi32, #tpu.memory_space<vmem>> -> memref<1x128xi32, #tpu.memory_space<vmem>>
      %get3A_719 = tpu.memref_squeeze %get3A_718 : memref<1x128xi32, #tpu.memory_space<vmem>> -> memref<128xi32, #tpu.memory_space<vmem>>
      %get3A_720 = arith.constant 112 : index
      %get3A_721 = tpu.vector_load %get3A_719[%get3A_720] {strides = array<i32>} : memref<128xi32, #tpu.memory_space<vmem>>, vector<16xi32>,
      %get3A_722 = arith.constant 1 : i32
      %get3A_723 = arith.constant 0 : i32
      %get3A_724 = tpu.memref_slice %arg9[%get3A_722, %get3A_723] : memref<2x128xi32, #tpu.memory_space<vmem>> -> memref<1x128xi32, #tpu.memory_space<vmem>>
      %get3A_725 = tpu.memref_squeeze %get3A_724 : memref<1x128xi32, #tpu.memory_space<vmem>> -> memref<128xi32, #tpu.memory_space<vmem>>
      %get3A_726 = arith.constant 112 : index
      %get3A_727 = tpu.vector_load %get3A_725[%get3A_726] {strides = array<i32>} : memref<128xi32, #tpu.memory_space<vmem>>, vector<16xi32>,
      %ne3A_728 = arith.cmpi ne, %get3A_721, %get3A_727 : vector<16xi32>
      %unique3A_729, %unique3A_730 = tpu.scan_count mask(%ne3A_728 : vector<16xi1>) value(%get3A_727 : vector<16xi32>) : vector<16xi1>, vector<16xi32>
      %shift_right_arithmetic3A_731 = arith.constant 7 : i32
      %shift_right_arithmetic3A_732 = vector.broadcast %shift_right_arithmetic3A_731 : i32 to vector<16xi32>
      %shift_right_arithmetic3A_733 = arith.shrsi %get3A_727, %shift_right_arithmetic3A_732 : vector<16xi32>
      %and3A_734 = arith.constant 127 : i32
      %and3A_735 = vector.broadcast %and3A_734 : i32 to vector<16xi32>
      %and3A_736 = arith.andi %get3A_727, %and3A_735 : vector<16xi32>
      tpu.vector_store_idx %arg21[%shift_right_arithmetic3A_733, %and3A_736], %unique3A_730 masked %unique3A_729 {add = true} : memref<80x128xi32, #tpu.memory_space<vmem>>[vector<16xi32>, vector<16xi32>], vector<16xi32>, vector<16xi1>
      %dma_wait3A_737 = arith.constant 0 : i32
      %dma_wait3A_738 = arith.constant 0 : i32
      %dma_wait3A_739 = tpu.memref_slice %arg9[%dma_wait3A_737, %dma_wait3A_738] : memref<2x128xi32, #tpu.memory_space<vmem>> -> memref<1x128xi32, #tpu.memory_space<vmem>>
      %dma_wait3A_740 = tpu.memref_squeeze %dma_wait3A_739 : memref<1x128xi32, #tpu.memory_space<vmem>> -> memref<128xi32, #tpu.memory_space<vmem>>
      %dma_wait3A_741 = arith.constant 0 : i32
      %dma_wait3A_742 = arith.constant 0 : i32
      %dma_wait3A_743 = tpu.memref_slice %arg2[%dma_wait3A_741, %dma_wait3A_742] : memref<10000x128xf32, #tpu.memory_space<hbm>> -> memref<10000x128xf32, #tpu.memory_space<hbm>>
      tpu.wait_indirect_dma semaphore(%arg18 : memref<!tpu.dma_semaphore, #tpu.memory_space<semaphore_mem>>) src(%dma_wait3A_743 : memref<10000x128xf32, #tpu.memory_space<hbm>>) dst(%arg13 : memref<128x128xf32, #tpu.memory_space<vmem>>)
      %dma_start3A_744 = arith.constant 0 : i32
      %dma_start3A_745 = arith.constant 0 : i32
      %dma_start3A_746 = tpu.memref_slice %arg14[%dma_start3A_744, %dma_start3A_745] : memref<10240x128xf32, #tpu.memory_space<vmem_shared>> -> memref<10240x128xf32, #tpu.memory_space<vmem_shared>>
      tpu.enqueue_indirect_dma source(%arg13 : memref<128x128xf32, #tpu.memory_space<vmem>>) target(%dma_start3A_746 : memref<10240x128xf32, #tpu.memory_space<vmem_shared>>) offsets(%arg11 : memref<128xi32, #tpu.memory_space<vmem>>) semaphore(%arg20 : memref<!tpu.dma_semaphore, #tpu.memory_space<semaphore_mem>>) {add = true}
      %dma_wait3A_747 = arith.constant 0 : i32
      %dma_wait3A_748 = arith.constant 0 : i32
      %dma_wait3A_749 = tpu.memref_slice %arg14[%dma_wait3A_747, %dma_wait3A_748] : memref<10240x128xf32, #tpu.memory_space<vmem_shared>> -> memref<10240x128xf32, #tpu.memory_space<vmem_shared>>
      tpu.wait_indirect_dma semaphore(%arg19 : memref<!tpu.dma_semaphore, #tpu.memory_space<semaphore_mem>>) src(%arg12 : memref<128x128xf32, #tpu.memory_space<vmem>>) dst(%dma_wait3A_749 : memref<10240x128xf32, #tpu.memory_space<vmem_shared>>)
      %add3A_750 = arith.addi %mul3A_4, %add3A_568 : i32
      %add3A_751 = arith.constant 1 : i32
      %add3A_752 = arith.addi %add3A_750, %add3A_751 : i32
      %dma_wait3A_753 = arith.constant 0 : i32
      %dma_wait3A_754 = arith.constant 0 : i32
      %dma_wait3A_755 = tpu.memref_slice %arg3[%add3A_752, %dma_wait3A_753, %dma_wait3A_754] : memref<2562x2x128xi32, #tpu.memory_space<hbm>> -> memref<1x2x128xi32, #tpu.memory_space<hbm>>
      %dma_wait3A_756 = tpu.memref_squeeze %dma_wait3A_755 : memref<1x2x128xi32, #tpu.memory_space<hbm>> -> memref<2x128xi32, #tpu.memory_space<hbm>>
      %dma_wait3A_757 = arith.constant 0 : i32
      %dma_wait3A_758 = arith.constant 0 : i32
      %dma_wait3A_759 = tpu.memref_slice %arg3[%add3A_752, %dma_wait3A_757, %dma_wait3A_758] : memref<2562x2x128xi32, #tpu.memory_space<hbm>> -> memref<1x2x128xi32, #tpu.memory_space<hbm>>
      %dma_wait3A_760 = tpu.memref_squeeze %dma_wait3A_759 : memref<1x2x128xi32, #tpu.memory_space<hbm>> -> memref<2x128xi32, #tpu.memory_space<hbm>>
      tpu.wait_dma2 semaphore(%arg15 : memref<!tpu.dma_semaphore, #tpu.memory_space<semaphore_mem>>) src(%dma_wait3A_760 : memref<2x128xi32, #tpu.memory_space<hbm>>) dst(%arg8 : memref<2x128xi32, #tpu.memory_space<vmem>>)
      %get3A_761 = arith.constant 0 : i32
      %get3A_762 = arith.constant 0 : i32
      %get3A_763 = tpu.memref_slice %arg8[%get3A_761, %get3A_762] : memref<2x128xi32, #tpu.memory_space<vmem>> -> memref<1x128xi32, #tpu.memory_space<vmem>>
      %get3A_764 = tpu.memref_squeeze %get3A_763 : memref<1x128xi32, #tpu.memory_space<vmem>> -> memref<128xi32, #tpu.memory_space<vmem>>
      %get3A_765 = arith.constant 0 : index
      %get3A_766 = tpu.vector_load %get3A_764[%get3A_765] {strides = array<i32>} : memref<128xi32, #tpu.memory_space<vmem>>, vector<16xi32>,
      %get3A_767 = arith.constant 1 : i32
      %get3A_768 = arith.constant 0 : i32
      %get3A_769 = tpu.memref_slice %arg8[%get3A_767, %get3A_768] : memref<2x128xi32, #tpu.memory_space<vmem>> -> memref<1x128xi32, #tpu.memory_space<vmem>>
      %get3A_770 = tpu.memref_squeeze %get3A_769 : memref<1x128xi32, #tpu.memory_space<vmem>> -> memref<128xi32, #tpu.memory_space<vmem>>
      %get3A_771 = arith.constant 0 : index
      %get3A_772 = tpu.vector_load %get3A_770[%get3A_771] {strides = array<i32>} : memref<128xi32, #tpu.memory_space<vmem>>, vector<16xi32>,
      %eq3A_773 = arith.cmpi eq, %get3A_766, %get3A_772 : vector<16xi32>
      %add3A_774 = arith.constant 10000 : i32
      %add3A_775 = vector.broadcast %add3A_774 : i32 to vector<16xi32>
      %add3A_776 = arith.addi %add3A_775, %iota3A : vector<16xi32>
      %select_n3A_777 = arith.select %eq3A_773, %add3A_776, %get3A_772 : vector<16xi1>, vector<16xi32>
      %swap3A_778 = arith.constant 0 : index
      %swap3A_779 = tpu.vector_load %arg10[%swap3A_778] {strides = array<i32>} : memref<128xi32, #tpu.memory_space<vmem>>, vector<16xi32>,
      tpu.vector_store %arg10[%swap3A_778], %select_n3A_777 {strides = array<i32>} : memref<128xi32, #tpu.memory_space<vmem>>, vector<16xi32>,
      %get3A_780 = arith.constant 0 : i32
      %get3A_781 = arith.constant 0 : i32
      %get3A_782 = tpu.memref_slice %arg8[%get3A_780, %get3A_781] : memref<2x128xi32, #tpu.memory_space<vmem>> -> memref<1x128xi32, #tpu.memory_space<vmem>>
      %get3A_783 = tpu.memref_squeeze %get3A_782 : memref<1x128xi32, #tpu.memory_space<vmem>> -> memref<128xi32, #tpu.memory_space<vmem>>
      %get3A_784 = arith.constant 16 : index
      %get3A_785 = tpu.vector_load %get3A_783[%get3A_784] {strides = array<i32>} : memref<128xi32, #tpu.memory_space<vmem>>, vector<16xi32>,
      %get3A_786 = arith.constant 1 : i32
      %get3A_787 = arith.constant 0 : i32
      %get3A_788 = tpu.memref_slice %arg8[%get3A_786, %get3A_787] : memref<2x128xi32, #tpu.memory_space<vmem>> -> memref<1x128xi32, #tpu.memory_space<vmem>>
      %get3A_789 = tpu.memref_squeeze %get3A_788 : memref<1x128xi32, #tpu.memory_space<vmem>> -> memref<128xi32, #tpu.memory_space<vmem>>
      %get3A_790 = arith.constant 16 : index
      %get3A_791 = tpu.vector_load %get3A_789[%get3A_790] {strides = array<i32>} : memref<128xi32, #tpu.memory_space<vmem>>, vector<16xi32>,
      %eq3A_792 = arith.cmpi eq, %get3A_785, %get3A_791 : vector<16xi32>
      %add3A_793 = arith.constant 10000 : i32
      %add3A_794 = vector.broadcast %add3A_793 : i32 to vector<16xi32>
      %add3A_795 = arith.addi %add3A_794, %iota3A : vector<16xi32>
      %select_n3A_796 = arith.select %eq3A_792, %add3A_795, %get3A_791 : vector<16xi1>, vector<16xi32>
      %swap3A_797 = arith.constant 16 : index
      %swap3A_798 = tpu.vector_load %arg10[%swap3A_797] {strides = array<i32>} : memref<128xi32, #tpu.memory_space<vmem>>, vector<16xi32>,
      tpu.vector_store %arg10[%swap3A_797], %select_n3A_796 {strides = array<i32>} : memref<128xi32, #tpu.memory_space<vmem>>, vector<16xi32>,
      %get3A_799 = arith.constant 0 : i32
      %get3A_800 = arith.constant 0 : i32
      %get3A_801 = tpu.memref_slice %arg8[%get3A_799, %get3A_800] : memref<2x128xi32, #tpu.memory_space<vmem>> -> memref<1x128xi32, #tpu.memory_space<vmem>>
      %get3A_802 = tpu.memref_squeeze %get3A_801 : memref<1x128xi32, #tpu.memory_space<vmem>> -> memref<128xi32, #tpu.memory_space<vmem>>
      %get3A_803 = arith.constant 32 : index
      %get3A_804 = tpu.vector_load %get3A_802[%get3A_803] {strides = array<i32>} : memref<128xi32, #tpu.memory_space<vmem>>, vector<16xi32>,
      %get3A_805 = arith.constant 1 : i32
      %get3A_806 = arith.constant 0 : i32
      %get3A_807 = tpu.memref_slice %arg8[%get3A_805, %get3A_806] : memref<2x128xi32, #tpu.memory_space<vmem>> -> memref<1x128xi32, #tpu.memory_space<vmem>>
      %get3A_808 = tpu.memref_squeeze %get3A_807 : memref<1x128xi32, #tpu.memory_space<vmem>> -> memref<128xi32, #tpu.memory_space<vmem>>
      %get3A_809 = arith.constant 32 : index
      %get3A_810 = tpu.vector_load %get3A_808[%get3A_809] {strides = array<i32>} : memref<128xi32, #tpu.memory_space<vmem>>, vector<16xi32>,
      %eq3A_811 = arith.cmpi eq, %get3A_804, %get3A_810 : vector<16xi32>
      %add3A_812 = arith.constant 10000 : i32
      %add3A_813 = vector.broadcast %add3A_812 : i32 to vector<16xi32>
      %add3A_814 = arith.addi %add3A_813, %iota3A : vector<16xi32>
      %select_n3A_815 = arith.select %eq3A_811, %add3A_814, %get3A_810 : vector<16xi1>, vector<16xi32>
      %swap3A_816 = arith.constant 32 : index
      %swap3A_817 = tpu.vector_load %arg10[%swap3A_816] {strides = array<i32>} : memref<128xi32, #tpu.memory_space<vmem>>, vector<16xi32>,
      tpu.vector_store %arg10[%swap3A_816], %select_n3A_815 {strides = array<i32>} : memref<128xi32, #tpu.memory_space<vmem>>, vector<16xi32>,
      %get3A_818 = arith.constant 0 : i32
      %get3A_819 = arith.constant 0 : i32
      %get3A_820 = tpu.memref_slice %arg8[%get3A_818, %get3A_819] : memref<2x128xi32, #tpu.memory_space<vmem>> -> memref<1x128xi32, #tpu.memory_space<vmem>>
      %get3A_821 = tpu.memref_squeeze %get3A_820 : memref<1x128xi32, #tpu.memory_space<vmem>> -> memref<128xi32, #tpu.memory_space<vmem>>
      %get3A_822 = arith.constant 48 : index
      %get3A_823 = tpu.vector_load %get3A_821[%get3A_822] {strides = array<i32>} : memref<128xi32, #tpu.memory_space<vmem>>, vector<16xi32>,
      %get3A_824 = arith.constant 1 : i32
      %get3A_825 = arith.constant 0 : i32
      %get3A_826 = tpu.memref_slice %arg8[%get3A_824, %get3A_825] : memref<2x128xi32, #tpu.memory_space<vmem>> -> memref<1x128xi32, #tpu.memory_space<vmem>>
      %get3A_827 = tpu.memref_squeeze %get3A_826 : memref<1x128xi32, #tpu.memory_space<vmem>> -> memref<128xi32, #tpu.memory_space<vmem>>
      %get3A_828 = arith.constant 48 : index
      %get3A_829 = tpu.vector_load %get3A_827[%get3A_828] {strides = array<i32>} : memref<128xi32, #tpu.memory_space<vmem>>, vector<16xi32>,
      %eq3A_830 = arith.cmpi eq, %get3A_823, %get3A_829 : vector<16xi32>
      %add3A_831 = arith.constant 10000 : i32
      %add3A_832 = vector.broadcast %add3A_831 : i32 to vector<16xi32>
      %add3A_833 = arith.addi %add3A_832, %iota3A : vector<16xi32>
      %select_n3A_834 = arith.select %eq3A_830, %add3A_833, %get3A_829 : vector<16xi1>, vector<16xi32>
      %swap3A_835 = arith.constant 48 : index
      %swap3A_836 = tpu.vector_load %arg10[%swap3A_835] {strides = array<i32>} : memref<128xi32, #tpu.memory_space<vmem>>, vector<16xi32>,
      tpu.vector_store %arg10[%swap3A_835], %select_n3A_834 {strides = array<i32>} : memref<128xi32, #tpu.memory_space<vmem>>, vector<16xi32>,
      %get3A_837 = arith.constant 0 : i32
      %get3A_838 = arith.constant 0 : i32
      %get3A_839 = tpu.memref_slice %arg8[%get3A_837, %get3A_838] : memref<2x128xi32, #tpu.memory_space<vmem>> -> memref<1x128xi32, #tpu.memory_space<vmem>>
      %get3A_840 = tpu.memref_squeeze %get3A_839 : memref<1x128xi32, #tpu.memory_space<vmem>> -> memref<128xi32, #tpu.memory_space<vmem>>
      %get3A_841 = arith.constant 64 : index
      %get3A_842 = tpu.vector_load %get3A_840[%get3A_841] {strides = array<i32>} : memref<128xi32, #tpu.memory_space<vmem>>, vector<16xi32>,
      %get3A_843 = arith.constant 1 : i32
      %get3A_844 = arith.constant 0 : i32
      %get3A_845 = tpu.memref_slice %arg8[%get3A_843, %get3A_844] : memref<2x128xi32, #tpu.memory_space<vmem>> -> memref<1x128xi32, #tpu.memory_space<vmem>>
      %get3A_846 = tpu.memref_squeeze %get3A_845 : memref<1x128xi32, #tpu.memory_space<vmem>> -> memref<128xi32, #tpu.memory_space<vmem>>
      %get3A_847 = arith.constant 64 : index
      %get3A_848 = tpu.vector_load %get3A_846[%get3A_847] {strides = array<i32>} : memref<128xi32, #tpu.memory_space<vmem>>, vector<16xi32>,
      %eq3A_849 = arith.cmpi eq, %get3A_842, %get3A_848 : vector<16xi32>
      %add3A_850 = arith.constant 10000 : i32
      %add3A_851 = vector.broadcast %add3A_850 : i32 to vector<16xi32>
      %add3A_852 = arith.addi %add3A_851, %iota3A : vector<16xi32>
      %select_n3A_853 = arith.select %eq3A_849, %add3A_852, %get3A_848 : vector<16xi1>, vector<16xi32>
      %swap3A_854 = arith.constant 64 : index
      %swap3A_855 = tpu.vector_load %arg10[%swap3A_854] {strides = array<i32>} : memref<128xi32, #tpu.memory_space<vmem>>, vector<16xi32>,
      tpu.vector_store %arg10[%swap3A_854], %select_n3A_853 {strides = array<i32>} : memref<128xi32, #tpu.memory_space<vmem>>, vector<16xi32>,
      %get3A_856 = arith.constant 0 : i32
      %get3A_857 = arith.constant 0 : i32
      %get3A_858 = tpu.memref_slice %arg8[%get3A_856, %get3A_857] : memref<2x128xi32, #tpu.memory_space<vmem>> -> memref<1x128xi32, #tpu.memory_space<vmem>>
      %get3A_859 = tpu.memref_squeeze %get3A_858 : memref<1x128xi32, #tpu.memory_space<vmem>> -> memref<128xi32, #tpu.memory_space<vmem>>
      %get3A_860 = arith.constant 80 : index
      %get3A_861 = tpu.vector_load %get3A_859[%get3A_860] {strides = array<i32>} : memref<128xi32, #tpu.memory_space<vmem>>, vector<16xi32>,
      %get3A_862 = arith.constant 1 : i32
      %get3A_863 = arith.constant 0 : i32
      %get3A_864 = tpu.memref_slice %arg8[%get3A_862, %get3A_863] : memref<2x128xi32, #tpu.memory_space<vmem>> -> memref<1x128xi32, #tpu.memory_space<vmem>>
      %get3A_865 = tpu.memref_squeeze %get3A_864 : memref<1x128xi32, #tpu.memory_space<vmem>> -> memref<128xi32, #tpu.memory_space<vmem>>
      %get3A_866 = arith.constant 80 : index
      %get3A_867 = tpu.vector_load %get3A_865[%get3A_866] {strides = array<i32>} : memref<128xi32, #tpu.memory_space<vmem>>, vector<16xi32>,
      %eq3A_868 = arith.cmpi eq, %get3A_861, %get3A_867 : vector<16xi32>
      %add3A_869 = arith.constant 10000 : i32
      %add3A_870 = vector.broadcast %add3A_869 : i32 to vector<16xi32>
      %add3A_871 = arith.addi %add3A_870, %iota3A : vector<16xi32>
      %select_n3A_872 = arith.select %eq3A_868, %add3A_871, %get3A_867 : vector<16xi1>, vector<16xi32>
      %swap3A_873 = arith.constant 80 : index
      %swap3A_874 = tpu.vector_load %arg10[%swap3A_873] {strides = array<i32>} : memref<128xi32, #tpu.memory_space<vmem>>, vector<16xi32>,
      tpu.vector_store %arg10[%swap3A_873], %select_n3A_872 {strides = array<i32>} : memref<128xi32, #tpu.memory_space<vmem>>, vector<16xi32>,
      %get3A_875 = arith.constant 0 : i32
      %get3A_876 = arith.constant 0 : i32
      %get3A_877 = tpu.memref_slice %arg8[%get3A_875, %get3A_876] : memref<2x128xi32, #tpu.memory_space<vmem>> -> memref<1x128xi32, #tpu.memory_space<vmem>>
      %get3A_878 = tpu.memref_squeeze %get3A_877 : memref<1x128xi32, #tpu.memory_space<vmem>> -> memref<128xi32, #tpu.memory_space<vmem>>
      %get3A_879 = arith.constant 96 : index
      %get3A_880 = tpu.vector_load %get3A_878[%get3A_879] {strides = array<i32>} : memref<128xi32, #tpu.memory_space<vmem>>, vector<16xi32>,
      %get3A_881 = arith.constant 1 : i32
      %get3A_882 = arith.constant 0 : i32
      %get3A_883 = tpu.memref_slice %arg8[%get3A_881, %get3A_882] : memref<2x128xi32, #tpu.memory_space<vmem>> -> memref<1x128xi32, #tpu.memory_space<vmem>>
      %get3A_884 = tpu.memref_squeeze %get3A_883 : memref<1x128xi32, #tpu.memory_space<vmem>> -> memref<128xi32, #tpu.memory_space<vmem>>
      %get3A_885 = arith.constant 96 : index
      %get3A_886 = tpu.vector_load %get3A_884[%get3A_885] {strides = array<i32>} : memref<128xi32, #tpu.memory_space<vmem>>, vector<16xi32>,
      %eq3A_887 = arith.cmpi eq, %get3A_880, %get3A_886 : vector<16xi32>
      %add3A_888 = arith.constant 10000 : i32
      %add3A_889 = vector.broadcast %add3A_888 : i32 to vector<16xi32>
      %add3A_890 = arith.addi %add3A_889, %iota3A : vector<16xi32>
      %select_n3A_891 = arith.select %eq3A_887, %add3A_890, %get3A_886 : vector<16xi1>, vector<16xi32>
      %swap3A_892 = arith.constant 96 : index
      %swap3A_893 = tpu.vector_load %arg10[%swap3A_892] {strides = array<i32>} : memref<128xi32, #tpu.memory_space<vmem>>, vector<16xi32>,
      tpu.vector_store %arg10[%swap3A_892], %select_n3A_891 {strides = array<i32>} : memref<128xi32, #tpu.memory_space<vmem>>, vector<16xi32>,
      %get3A_894 = arith.constant 0 : i32
      %get3A_895 = arith.constant 0 : i32
      %get3A_896 = tpu.memref_slice %arg8[%get3A_894, %get3A_895] : memref<2x128xi32, #tpu.memory_space<vmem>> -> memref<1x128xi32, #tpu.memory_space<vmem>>
      %get3A_897 = tpu.memref_squeeze %get3A_896 : memref<1x128xi32, #tpu.memory_space<vmem>> -> memref<128xi32, #tpu.memory_space<vmem>>
      %get3A_898 = arith.constant 112 : index
      %get3A_899 = tpu.vector_load %get3A_897[%get3A_898] {strides = array<i32>} : memref<128xi32, #tpu.memory_space<vmem>>, vector<16xi32>,
      %get3A_900 = arith.constant 1 : i32
      %get3A_901 = arith.constant 0 : i32
      %get3A_902 = tpu.memref_slice %arg8[%get3A_900, %get3A_901] : memref<2x128xi32, #tpu.memory_space<vmem>> -> memref<1x128xi32, #tpu.memory_space<vmem>>
      %get3A_903 = tpu.memref_squeeze %get3A_902 : memref<1x128xi32, #tpu.memory_space<vmem>> -> memref<128xi32, #tpu.memory_space<vmem>>
      %get3A_904 = arith.constant 112 : index
      %get3A_905 = tpu.vector_load %get3A_903[%get3A_904] {strides = array<i32>} : memref<128xi32, #tpu.memory_space<vmem>>, vector<16xi32>,
      %eq3A_906 = arith.cmpi eq, %get3A_899, %get3A_905 : vector<16xi32>
      %add3A_907 = arith.constant 10000 : i32
      %add3A_908 = vector.broadcast %add3A_907 : i32 to vector<16xi32>
      %add3A_909 = arith.addi %add3A_908, %iota3A : vector<16xi32>
      %select_n3A_910 = arith.select %eq3A_906, %add3A_909, %get3A_905 : vector<16xi1>, vector<16xi32>
      %swap3A_911 = arith.constant 112 : index
      %swap3A_912 = tpu.vector_load %arg10[%swap3A_911] {strides = array<i32>} : memref<128xi32, #tpu.memory_space<vmem>>, vector<16xi32>,
      tpu.vector_store %arg10[%swap3A_911], %select_n3A_910 {strides = array<i32>} : memref<128xi32, #tpu.memory_space<vmem>>, vector<16xi32>,
      %dma_start3A_913 = arith.constant 0 : i32
      %dma_start3A_914 = arith.constant 0 : i32
      %dma_start3A_915 = tpu.memref_slice %arg8[%dma_start3A_913, %dma_start3A_914] : memref<2x128xi32, #tpu.memory_space<vmem>> -> memref<1x128xi32, #tpu.memory_space<vmem>>
      %dma_start3A_916 = tpu.memref_squeeze %dma_start3A_915 : memref<1x128xi32, #tpu.memory_space<vmem>> -> memref<128xi32, #tpu.memory_space<vmem>>
      %dma_start3A_917 = arith.constant 0 : i32
      %dma_start3A_918 = arith.constant 0 : i32
      %dma_start3A_919 = tpu.memref_slice %arg2[%dma_start3A_917, %dma_start3A_918] : memref<10000x128xf32, #tpu.memory_space<hbm>> -> memref<10000x128xf32, #tpu.memory_space<hbm>>
      tpu.enqueue_indirect_dma source(%dma_start3A_919 : memref<10000x128xf32, #tpu.memory_space<hbm>>) target(%arg12 : memref<128x128xf32, #tpu.memory_space<vmem>>) offsets(%dma_start3A_916 : memref<128xi32, #tpu.memory_space<vmem>>) semaphore(%arg17 : memref<!tpu.dma_semaphore, #tpu.memory_space<semaphore_mem>>)
      %add3A_920 = arith.addi %mul3A_4, %add3A_568 : i32
      %add3A_921 = arith.constant 2 : i32
      %add3A_922 = arith.addi %add3A_920, %add3A_921 : i32
      %dma_start3A_923 = arith.constant 0 : i32
      %dma_start3A_924 = arith.constant 0 : i32
      %dma_start3A_925 = tpu.memref_slice %arg3[%add3A_922, %dma_start3A_923, %dma_start3A_924] : memref<2562x2x128xi32, #tpu.memory_space<hbm>> -> memref<1x2x128xi32, #tpu.memory_space<hbm>>
      %dma_start3A_926 = tpu.memref_squeeze %dma_start3A_925 : memref<1x2x128xi32, #tpu.memory_space<hbm>> -> memref<2x128xi32, #tpu.memory_space<hbm>>
      %dma_start3A_927 = arith.constant 0 : i32
      %dma_start3A_928 = arith.constant 0 : i32
      %dma_start3A_929 = tpu.memref_slice %arg3[%add3A_922, %dma_start3A_927, %dma_start3A_928] : memref<2562x2x128xi32, #tpu.memory_space<hbm>> -> memref<1x2x128xi32, #tpu.memory_space<hbm>>
      %dma_start3A_930 = tpu.memref_squeeze %dma_start3A_929 : memref<1x2x128xi32, #tpu.memory_space<hbm>> -> memref<2x128xi32, #tpu.memory_space<hbm>>
      tpu.enqueue_dma source(%dma_start3A_930 : memref<2x128xi32, #tpu.memory_space<hbm>>) target(%arg9 : memref<2x128xi32, #tpu.memory_space<vmem>>) target_semaphore(%arg16 : memref<!tpu.dma_semaphore, #tpu.memory_space<semaphore_mem>>)
    }
    %scan3A_173 = arith.constant 40 : i32
    %dma_wait3A = arith.constant 0 : i32
    %dma_wait3A_174 = arith.constant 0 : i32
    %dma_wait3A_175 = tpu.memref_slice %arg14[%dma_wait3A, %dma_wait3A_174] : memref<10240x128xf32, #tpu.memory_space<vmem_shared>> -> memref<10240x128xf32, #tpu.memory_space<vmem_shared>>
    tpu.wait_indirect_dma semaphore(%arg20 : memref<!tpu.dma_semaphore, #tpu.memory_space<semaphore_mem>>) src(%arg13 : memref<128x128xf32, #tpu.memory_space<vmem>>) dst(%dma_wait3A_175 : memref<10240x128xf32, #tpu.memory_space<vmem_shared>>)
    %dma_wait3A_176 = arith.constant 0 : i32
    %dma_wait3A_177 = arith.constant 0 : i32
    %dma_wait3A_178 = tpu.memref_slice %arg8[%dma_wait3A_176, %dma_wait3A_177] : memref<2x128xi32, #tpu.memory_space<vmem>> -> memref<1x128xi32, #tpu.memory_space<vmem>>
    %dma_wait3A_179 = tpu.memref_squeeze %dma_wait3A_178 : memref<1x128xi32, #tpu.memory_space<vmem>> -> memref<128xi32, #tpu.memory_space<vmem>>
    %dma_wait3A_180 = arith.constant 0 : i32
    %dma_wait3A_181 = arith.constant 0 : i32
    %dma_wait3A_182 = tpu.memref_slice %arg2[%dma_wait3A_180, %dma_wait3A_181] : memref<10000x128xf32, #tpu.memory_space<hbm>> -> memref<10000x128xf32, #tpu.memory_space<hbm>>
    tpu.wait_indirect_dma semaphore(%arg17 : memref<!tpu.dma_semaphore, #tpu.memory_space<semaphore_mem>>) src(%dma_wait3A_182 : memref<10000x128xf32, #tpu.memory_space<hbm>>) dst(%arg12 : memref<128x128xf32, #tpu.memory_space<vmem>>)
    %add3A_183 = arith.constant 80 : i32
    %add3A_184 = arith.addi %mul3A_4, %add3A_183 : i32
    %add3A_185 = arith.constant 1 : i32
    %add3A_186 = arith.addi %add3A_184, %add3A_185 : i32
    %dma_wait3A_187 = arith.constant 0 : i32
    %dma_wait3A_188 = arith.constant 0 : i32
    %dma_wait3A_189 = tpu.memref_slice %arg3[%add3A_186, %dma_wait3A_187, %dma_wait3A_188] : memref<2562x2x128xi32, #tpu.memory_space<hbm>> -> memref<1x2x128xi32, #tpu.memory_space<hbm>>
    %dma_wait3A_190 = tpu.memref_squeeze %dma_wait3A_189 : memref<1x2x128xi32, #tpu.memory_space<hbm>> -> memref<2x128xi32, #tpu.memory_space<hbm>>
    %dma_wait3A_191 = arith.constant 0 : i32
    %dma_wait3A_192 = arith.constant 0 : i32
    %dma_wait3A_193 = tpu.memref_slice %arg3[%add3A_186, %dma_wait3A_191, %dma_wait3A_192] : memref<2562x2x128xi32, #tpu.memory_space<hbm>> -> memref<1x2x128xi32, #tpu.memory_space<hbm>>
    %dma_wait3A_194 = tpu.memref_squeeze %dma_wait3A_193 : memref<1x2x128xi32, #tpu.memory_space<hbm>> -> memref<2x128xi32, #tpu.memory_space<hbm>>
    tpu.wait_dma2 semaphore(%arg16 : memref<!tpu.dma_semaphore, #tpu.memory_space<semaphore_mem>>) src(%dma_wait3A_194 : memref<2x128xi32, #tpu.memory_space<hbm>>) dst(%arg9 : memref<2x128xi32, #tpu.memory_space<vmem>>)
    %barrier3A_195 = arith.constant 0 : index
    tpu.barrier barrier_id(%barrier3A_195)
    %mul3A_196 = arith.constant 640 : i32
    %mul3A_197 = arith.muli %arg1, %mul3A_196 : i32
    %mul3A_198 = arith.constant 640 : i32
    %mul3A_199 = arith.muli %arg1, %mul3A_198 : i32
    "tpu.region"() ({
      %run_scoped3A = tpu.sem_alloc : memref<!tpu.dma_semaphore, #tpu.memory_space<semaphore_mem>>
      %dma_start3A_203 = arith.constant 0 : i32
      %dma_start3A_204 = tpu.memref_slice %arg6[%arg0, %mul3A_199, %dma_start3A_203] : memref<2x10240x128xf32, #tpu.memory_space<hbm>> -> memref<1x640x128xf32, #tpu.memory_space<hbm>>
      %dma_start3A_205 = tpu.memref_squeeze %dma_start3A_204 : memref<1x640x128xf32, #tpu.memory_space<hbm>> -> memref<640x128xf32, #tpu.memory_space<hbm>>
      %dma_start3A_206 = arith.constant 0 : i32
      %dma_start3A_207 = tpu.memref_slice %arg14[%mul3A_197, %dma_start3A_206] : memref<10240x128xf32, #tpu.memory_space<vmem_shared>> -> memref<640x128xf32, #tpu.memory_space<vmem_shared>>
      tpu.enqueue_dma source(%dma_start3A_207 : memref<640x128xf32, #tpu.memory_space<vmem_shared>>) target(%dma_start3A_205 : memref<640x128xf32, #tpu.memory_space<hbm>>) target_semaphore(%run_scoped3A : memref<!tpu.dma_semaphore, #tpu.memory_space<semaphore_mem>>)
      %dma_wait3A_208 = arith.constant 0 : i32
      %dma_wait3A_209 = tpu.memref_slice %arg6[%arg0, %mul3A_199, %dma_wait3A_208] : memref<2x10240x128xf32, #tpu.memory_space<hbm>> -> memref<1x640x128xf32, #tpu.memory_space<hbm>>
      %dma_wait3A_210 = tpu.memref_squeeze %dma_wait3A_209 : memref<1x640x128xf32, #tpu.memory_space<hbm>> -> memref<640x128xf32, #tpu.memory_space<hbm>>
      %dma_wait3A_211 = arith.constant 0 : i32
      %dma_wait3A_212 = tpu.memref_slice %arg14[%mul3A_197, %dma_wait3A_211] : memref<10240x128xf32, #tpu.memory_space<vmem_shared>> -> memref<640x128xf32, #tpu.memory_space<vmem_shared>>
      tpu.wait_dma2 semaphore(%run_scoped3A : memref<!tpu.dma_semaphore, #tpu.memory_space<semaphore_mem>>) src(%dma_wait3A_212 : memref<640x128xf32, #tpu.memory_space<vmem_shared>>) dst(%dma_wait3A_210 : memref<640x128xf32, #tpu.memory_space<hbm>>)
      tpu.yield
    }) : () -> ()
    %mul3A_200 = arith.constant 16 : i32
    %mul3A_201 = arith.muli %arg0, %mul3A_200 : i32
    %add3A_202 = arith.addi %mul3A_201, %arg1 : i32
    "tpu.region"() ({
      %run_scoped3A = tpu.sem_alloc : memref<!tpu.dma_semaphore, #tpu.memory_space<semaphore_mem>>
      %dma_start3A_203 = arith.constant 0 : i32
      %dma_start3A_204 = arith.constant 0 : i32
      %dma_start3A_205 = tpu.memref_slice %arg7[%add3A_202, %dma_start3A_203, %dma_start3A_204] : memref<32x80x128xi32, #tpu.memory_space<hbm>> -> memref<1x80x128xi32, #tpu.memory_space<hbm>>
      %dma_start3A_206 = tpu.memref_squeeze %dma_start3A_205 : memref<1x80x128xi32, #tpu.memory_space<hbm>> -> memref<80x128xi32, #tpu.memory_space<hbm>>
      %dma_start3A_207 = arith.constant 0 : i32
      %dma_start3A_208 = arith.constant 0 : i32
      %dma_start3A_209 = tpu.memref_slice %arg7[%add3A_202, %dma_start3A_207, %dma_start3A_208] : memref<32x80x128xi32, #tpu.memory_space<hbm>> -> memref<1x80x128xi32, #tpu.memory_space<hbm>>
      %dma_start3A_210 = tpu.memref_squeeze %dma_start3A_209 : memref<1x80x128xi32, #tpu.memory_space<hbm>> -> memref<80x128xi32, #tpu.memory_space<hbm>>
      tpu.enqueue_dma source(%arg21 : memref<80x128xi32, #tpu.memory_space<vmem>>) target(%dma_start3A_210 : memref<80x128xi32, #tpu.memory_space<hbm>>) target_semaphore(%run_scoped3A : memref<!tpu.dma_semaphore, #tpu.memory_space<semaphore_mem>>)
      %dma_wait3A_211 = arith.constant 0 : i32
      %dma_wait3A_212 = arith.constant 0 : i32
      %dma_wait3A_213 = tpu.memref_slice %arg7[%add3A_202, %dma_wait3A_211, %dma_wait3A_212] : memref<32x80x128xi32, #tpu.memory_space<hbm>> -> memref<1x80x128xi32, #tpu.memory_space<hbm>>
      %dma_wait3A_214 = tpu.memref_squeeze %dma_wait3A_213 : memref<1x80x128xi32, #tpu.memory_space<hbm>> -> memref<80x128xi32, #tpu.memory_space<hbm>>
      %dma_wait3A_215 = arith.constant 0 : i32
      %dma_wait3A_216 = arith.constant 0 : i32
      %dma_wait3A_217 = tpu.memref_slice %arg7[%add3A_202, %dma_wait3A_215, %dma_wait3A_216] : memref<32x80x128xi32, #tpu.memory_space<hbm>> -> memref<1x80x128xi32, #tpu.memory_space<hbm>>
      %dma_wait3A_218 = tpu.memref_squeeze %dma_wait3A_217 : memref<1x80x128xi32, #tpu.memory_space<hbm>> -> memref<80x128xi32, #tpu.memory_space<hbm>>
      tpu.wait_dma2 semaphore(%run_scoped3A : memref<!tpu.dma_semaphore, #tpu.memory_space<semaphore_mem>>) src(%arg21 : memref<80x128xi32, #tpu.memory_space<vmem>>) dst(%dma_wait3A_218 : memref<80x128xi32, #tpu.memory_space<hbm>>)
      tpu.yield
    }) : () -> ()
    return
  }
}

module attributes {stable_mosaic.version = 14 : i64} {
  func.func @_tc1_body(%arg0: i32, %arg1: memref<1024x128xf32, #tpu.memory_space<vmem>>, %arg2: memref<2x1024x128xf32, #tpu.memory_space<vmem>>, %arg3: memref<32x8x128xi32, #tpu.memory_space<vmem>>, %arg4: memref<128x256xf32, #tpu.memory_space<vmem>>, %arg5: memref<1x256xf32, #tpu.memory_space<vmem>>, %arg6: memref<128x256xf32, #tpu.memory_space<vmem>>, %arg7: memref<256x128xf32, #tpu.memory_space<vmem>>, %arg8: memref<1024x256xf32, #tpu.memory_space<vmem>>, %arg9: memref<1024x128xf32, #tpu.memory_space<vmem>>) attributes {dimension_semantics = [#tpu.dimension_semantics<arbitrary>], iteration_bounds = array<i64: 10>, scalar_prefetch = 0 : i64, scratch_operands = 0 : i64, tpu.core_type = #tpu.core_type<tc>, window_params = [{transform_indices = @transform_0, window_bounds = array<i64: 1024, 128>}, {transform_indices = @transform_1, window_bounds = array<i64: 2, 1024, 128>}, {transform_indices = @transform_2, window_bounds = array<i64: 32, 8, 128>}, {pipeline_mode = #tpu.pipeline_mode<synchronous>, transform_indices = @transform_3, window_bounds = array<i64: 128, 256>}, {pipeline_mode = #tpu.pipeline_mode<synchronous>, transform_indices = @transform_4, window_bounds = array<i64: 1, 256>}, {pipeline_mode = #tpu.pipeline_mode<synchronous>, transform_indices = @transform_5, window_bounds = array<i64: 128, 256>}, {pipeline_mode = #tpu.pipeline_mode<synchronous>, transform_indices = @transform_6, window_bounds = array<i64: 256, 128>}, {transform_indices = @transform_7, window_bounds = array<i64: 1024, 256>}, {transform_indices = @transform_8, window_bounds = array<i64: 1024, 128>}]} {
    %get3A = arith.constant 0 : index
    %get3A_0 = arith.constant 0 : index
    %get3A_1 = vector.load %arg1[%get3A, %get3A_0] : memref<1024x128xf32, #tpu.memory_space<vmem>>, vector<1024x128xf32>
    %get3A_2 = arith.constant 0 : index
    %get3A_3 = arith.constant 0 : index
    %get3A_4 = arith.constant 0 : index
    %get3A_5 = vector.load %arg2[%get3A_2, %get3A_3, %get3A_4] : memref<2x1024x128xf32, #tpu.memory_space<vmem>>, vector<1x1024x128xf32>
    %get3A_6 = vector.shape_cast %get3A_5 : vector<1x1024x128xf32> to vector<1024x128xf32>
    %get3A_7 = arith.constant 1 : index
    %get3A_8 = arith.constant 0 : index
    %get3A_9 = arith.constant 0 : index
    %get3A_10 = vector.load %arg2[%get3A_7, %get3A_8, %get3A_9] : memref<2x1024x128xf32, #tpu.memory_space<vmem>>, vector<1x1024x128xf32>
    %get3A_11 = vector.shape_cast %get3A_10 : vector<1x1024x128xf32> to vector<1024x128xf32>
    %add3A = arith.addf %get3A_6, %get3A_11 : vector<1024x128xf32>
    %add3A_12 = arith.addf %add3A, %get3A_1 : vector<1024x128xf32>
    %get3A_13 = arith.constant 0 : index
    %get3A_14 = arith.constant 0 : index
    %get3A_15 = arith.constant 0 : index
    %get3A_16 = vector.load %arg3[%get3A_13, %get3A_14, %get3A_15] : memref<32x8x128xi32, #tpu.memory_space<vmem>>, vector<32x8x128xi32>
    %reduce_sum3A = arith.constant dense<0> : vector<8x128xi32>
    %reduce_sum3A_17 = vector.multi_reduction <add>, %get3A_16, %reduce_sum3A [0] : vector<32x8x128xi32> to vector<8x128xi32>
    %convert_element_type3A = arith.sitofp %reduce_sum3A_17 : vector<8x128xi32> to vector<8x128xf32>
    %add3A_18 = arith.constant 1.000000e+00 : f32
    %add3A_19 = vector.broadcast %add3A_18 : f32 to vector<8x128xf32>
    %add3A_20 = arith.addf %convert_element_type3A, %add3A_19 : vector<8x128xf32>
    %div3A = arith.constant 1.000000e+00 : f32
    %div3A_21 = vector.broadcast %div3A : f32 to vector<8x128xf32>
    %div3A_22 = arith.divf %div3A_21, %add3A_20 : vector<8x128xf32>
    %iota3A = tpu.iota {dimensions = array<i32: 0>} : vector<128x128xi32>
    %iota3A_23 = tpu.iota {dimensions = array<i32: 1>} : vector<128x128xi32>
    %eq3A = arith.cmpi eq, %iota3A, %iota3A_23 : vector<128x128xi32>
    %convert_element_type3A_24 = arith.extui %eq3A : vector<128x128xi1> to vector<128x128xi32>
    %convert_element_type3A_25 = arith.sitofp %convert_element_type3A_24 : vector<128x128xi32> to vector<128x128xf32>
    %broadcast_in_dim3A = arith.constant 1.000000e+00 : f32
    %broadcast_in_dim3A_26 = vector.broadcast %broadcast_in_dim3A : f32 to vector<128x128xf32>
    %slice3A = vector.extract_strided_slice %div3A_22 {offsets = [0, 0], sizes = [1, 128], strides = [1, 1]} : vector<8x128xf32> to vector<1x128xf32>
    %mul3A = vector.broadcast %slice3A : vector<1x128xf32> to vector<128x128xf32>
    %mul3A_27 = arith.mulf %convert_element_type3A_25, %mul3A : vector<128x128xf32>
    %dot_general3A = arith.constant dense<0.000000e+00> : vector<128x128xf32>
    %dot_general3A_28 = tpu.matmul %mul3A_27, %broadcast_in_dim3A_26, %dot_general3A {dimension_numbers = #tpu.dot_dimension_numbers<[1], [0], [0], [1], [0, 0, 1, 1], [], []>, transpose_lhs_hint = false} : vector<128x128xf32>, vector<128x128xf32>, vector<128x128xf32> -> vector<128x128xf32>
    %slice3A_29 = vector.extract_strided_slice %div3A_22 {offsets = [1, 0], sizes = [1, 128], strides = [1, 1]} : vector<8x128xf32> to vector<1x128xf32>
    %mul3A_30 = vector.broadcast %slice3A_29 : vector<1x128xf32> to vector<128x128xf32>
    %mul3A_31 = arith.mulf %convert_element_type3A_25, %mul3A_30 : vector<128x128xf32>
    %dot_general3A_32 = arith.constant dense<0.000000e+00> : vector<128x128xf32>
    %dot_general3A_33 = tpu.matmul %mul3A_31, %broadcast_in_dim3A_26, %dot_general3A_32 {dimension_numbers = #tpu.dot_dimension_numbers<[1], [0], [0], [1], [0, 0, 1, 1], [], []>, transpose_lhs_hint = false} : vector<128x128xf32>, vector<128x128xf32>, vector<128x128xf32> -> vector<128x128xf32>
    %slice3A_34 = vector.extract_strided_slice %div3A_22 {offsets = [2, 0], sizes = [1, 128], strides = [1, 1]} : vector<8x128xf32> to vector<1x128xf32>
    %mul3A_35 = vector.broadcast %slice3A_34 : vector<1x128xf32> to vector<128x128xf32>
    %mul3A_36 = arith.mulf %convert_element_type3A_25, %mul3A_35 : vector<128x128xf32>
    %dot_general3A_37 = arith.constant dense<0.000000e+00> : vector<128x128xf32>
    %dot_general3A_38 = tpu.matmul %mul3A_36, %broadcast_in_dim3A_26, %dot_general3A_37 {dimension_numbers = #tpu.dot_dimension_numbers<[1], [0], [0], [1], [0, 0, 1, 1], [], []>, transpose_lhs_hint = false} : vector<128x128xf32>, vector<128x128xf32>, vector<128x128xf32> -> vector<128x128xf32>
    %slice3A_39 = vector.extract_strided_slice %div3A_22 {offsets = [3, 0], sizes = [1, 128], strides = [1, 1]} : vector<8x128xf32> to vector<1x128xf32>
    %mul3A_40 = vector.broadcast %slice3A_39 : vector<1x128xf32> to vector<128x128xf32>
    %mul3A_41 = arith.mulf %convert_element_type3A_25, %mul3A_40 : vector<128x128xf32>
    %dot_general3A_42 = arith.constant dense<0.000000e+00> : vector<128x128xf32>
    %dot_general3A_43 = tpu.matmul %mul3A_41, %broadcast_in_dim3A_26, %dot_general3A_42 {dimension_numbers = #tpu.dot_dimension_numbers<[1], [0], [0], [1], [0, 0, 1, 1], [], []>, transpose_lhs_hint = false} : vector<128x128xf32>, vector<128x128xf32>, vector<128x128xf32> -> vector<128x128xf32>
    %slice3A_44 = vector.extract_strided_slice %div3A_22 {offsets = [4, 0], sizes = [1, 128], strides = [1, 1]} : vector<8x128xf32> to vector<1x128xf32>
    %mul3A_45 = vector.broadcast %slice3A_44 : vector<1x128xf32> to vector<128x128xf32>
    %mul3A_46 = arith.mulf %convert_element_type3A_25, %mul3A_45 : vector<128x128xf32>
    %dot_general3A_47 = arith.constant dense<0.000000e+00> : vector<128x128xf32>
    %dot_general3A_48 = tpu.matmul %mul3A_46, %broadcast_in_dim3A_26, %dot_general3A_47 {dimension_numbers = #tpu.dot_dimension_numbers<[1], [0], [0], [1], [0, 0, 1, 1], [], []>, transpose_lhs_hint = false} : vector<128x128xf32>, vector<128x128xf32>, vector<128x128xf32> -> vector<128x128xf32>
    %slice3A_49 = vector.extract_strided_slice %div3A_22 {offsets = [5, 0], sizes = [1, 128], strides = [1, 1]} : vector<8x128xf32> to vector<1x128xf32>
    %mul3A_50 = vector.broadcast %slice3A_49 : vector<1x128xf32> to vector<128x128xf32>
    %mul3A_51 = arith.mulf %convert_element_type3A_25, %mul3A_50 : vector<128x128xf32>
    %dot_general3A_52 = arith.constant dense<0.000000e+00> : vector<128x128xf32>
    %dot_general3A_53 = tpu.matmul %mul3A_51, %broadcast_in_dim3A_26, %dot_general3A_52 {dimension_numbers = #tpu.dot_dimension_numbers<[1], [0], [0], [1], [0, 0, 1, 1], [], []>, transpose_lhs_hint = false} : vector<128x128xf32>, vector<128x128xf32>, vector<128x128xf32> -> vector<128x128xf32>
    %slice3A_54 = vector.extract_strided_slice %div3A_22 {offsets = [6, 0], sizes = [1, 128], strides = [1, 1]} : vector<8x128xf32> to vector<1x128xf32>
    %mul3A_55 = vector.broadcast %slice3A_54 : vector<1x128xf32> to vector<128x128xf32>
    %mul3A_56 = arith.mulf %convert_element_type3A_25, %mul3A_55 : vector<128x128xf32>
    %dot_general3A_57 = arith.constant dense<0.000000e+00> : vector<128x128xf32>
    %dot_general3A_58 = tpu.matmul %mul3A_56, %broadcast_in_dim3A_26, %dot_general3A_57 {dimension_numbers = #tpu.dot_dimension_numbers<[1], [0], [0], [1], [0, 0, 1, 1], [], []>, transpose_lhs_hint = false} : vector<128x128xf32>, vector<128x128xf32>, vector<128x128xf32> -> vector<128x128xf32>
    %slice3A_59 = vector.extract_strided_slice %div3A_22 {offsets = [7, 0], sizes = [1, 128], strides = [1, 1]} : vector<8x128xf32> to vector<1x128xf32>
    %mul3A_60 = vector.broadcast %slice3A_59 : vector<1x128xf32> to vector<128x128xf32>
    %mul3A_61 = arith.mulf %convert_element_type3A_25, %mul3A_60 : vector<128x128xf32>
    %dot_general3A_62 = arith.constant dense<0.000000e+00> : vector<128x128xf32>
    %dot_general3A_63 = tpu.matmul %mul3A_61, %broadcast_in_dim3A_26, %dot_general3A_62 {dimension_numbers = #tpu.dot_dimension_numbers<[1], [0], [0], [1], [0, 0, 1, 1], [], []>, transpose_lhs_hint = false} : vector<128x128xf32>, vector<128x128xf32>, vector<128x128xf32> -> vector<128x128xf32>
    %concatenate3A = tpu.concatenate %dot_general3A_28, %dot_general3A_33, %dot_general3A_38, %dot_general3A_43, %dot_general3A_48, %dot_general3A_53, %dot_general3A_58, %dot_general3A_63 in 0 : vector<128x128xf32>, vector<128x128xf32>, vector<128x128xf32>, vector<128x128xf32>, vector<128x128xf32>, vector<128x128xf32>, vector<128x128xf32>, vector<128x128xf32> -> vector<1024x128xf32>
    %mul3A_64 = arith.mulf %add3A_12, %concatenate3A : vector<1024x128xf32>
    %get3A_65 = arith.constant 0 : index
    %get3A_66 = arith.constant 0 : index
    %get3A_67 = vector.load %arg4[%get3A_65, %get3A_66] : memref<128x256xf32, #tpu.memory_space<vmem>>, vector<128x256xf32>
    %dot_general3A_68 = arith.constant dense<0.000000e+00> : vector<1024x256xf32>
    %dot_general3A_69 = tpu.matmul %mul3A_64, %get3A_67, %dot_general3A_68 {dimension_numbers = #tpu.dot_dimension_numbers<[1], [0], [0], [1], [0, 0, 1, 1], [], []>, transpose_lhs_hint = false} : vector<1024x128xf32>, vector<128x256xf32>, vector<1024x256xf32> -> vector<1024x256xf32>
    %get3A_70 = arith.constant 0 : index
    %get3A_71 = arith.constant 0 : index
    %get3A_72 = vector.load %arg5[%get3A_70, %get3A_71] : memref<1x256xf32, #tpu.memory_space<vmem>>, vector<1x256xf32>
    %add3A_73 = vector.broadcast %get3A_72 : vector<1x256xf32> to vector<1024x256xf32>
    %add3A_74 = arith.addf %dot_general3A_69, %add3A_73 : vector<1024x256xf32>
    %get3A_75 = arith.constant 0 : index
    %get3A_76 = arith.constant 0 : index
    %get3A_77 = vector.load %arg6[%get3A_75, %get3A_76] : memref<128x256xf32, #tpu.memory_space<vmem>>, vector<128x256xf32>
    %dot_general3A_78 = arith.constant dense<0.000000e+00> : vector<1024x256xf32>
    %dot_general3A_79 = tpu.matmul %get3A_1, %get3A_77, %dot_general3A_78 {dimension_numbers = #tpu.dot_dimension_numbers<[1], [0], [0], [1], [0, 0, 1, 1], [], []>, transpose_lhs_hint = false} : vector<1024x128xf32>, vector<128x256xf32>, vector<1024x256xf32> -> vector<1024x256xf32>
    %add3A_80 = arith.addf %add3A_74, %dot_general3A_79 : vector<1024x256xf32>
    %ge3A = arith.constant 0.000000e+00 : f32
    %ge3A_81 = vector.broadcast %ge3A : f32 to vector<1024x256xf32>
    %ge3A_82 = arith.cmpf oge, %add3A_80, %ge3A_81 : vector<1024x256xf32>
    %mul3A_83 = arith.constant 0.00999999977 : f32
    %mul3A_84 = vector.broadcast %mul3A_83 : f32 to vector<1024x256xf32>
    %mul3A_85 = arith.mulf %mul3A_84, %add3A_80 : vector<1024x256xf32>
    %select_n3A = arith.select %ge3A_82, %add3A_80, %mul3A_85 : vector<1024x256xi1>, vector<1024x256xf32>
    %swap3A = arith.constant 0 : index
    %swap3A_86 = arith.constant 0 : index
    %swap3A_87 = vector.load %arg8[%swap3A, %swap3A_86] : memref<1024x256xf32, #tpu.memory_space<vmem>>, vector<1024x256xf32>
    tpu.vector_store %arg8[%swap3A, %swap3A_86], %select_n3A {strides = array<i32>} : memref<1024x256xf32, #tpu.memory_space<vmem>>, vector<1024x256xf32>,
    %get3A_88 = arith.constant 0 : index
    %get3A_89 = arith.constant 0 : index
    %get3A_90 = vector.load %arg7[%get3A_88, %get3A_89] : memref<256x128xf32, #tpu.memory_space<vmem>>, vector<256x128xf32>
    %dot_general3A_91 = arith.constant dense<0.000000e+00> : vector<1024x128xf32>
    %dot_general3A_92 = tpu.matmul %select_n3A, %get3A_90, %dot_general3A_91 {dimension_numbers = #tpu.dot_dimension_numbers<[1], [0], [0], [1], [0, 0, 1, 1], [], []>, transpose_lhs_hint = false} : vector<1024x256xf32>, vector<256x128xf32>, vector<1024x128xf32> -> vector<1024x128xf32>
    %swap3A_93 = arith.constant 0 : index
    %swap3A_94 = arith.constant 0 : index
    %swap3A_95 = vector.load %arg9[%swap3A_93, %swap3A_94] : memref<1024x128xf32, #tpu.memory_space<vmem>>, vector<1024x128xf32>
    tpu.vector_store %arg9[%swap3A_93, %swap3A_94], %dot_general3A_92 {strides = array<i32>} : memref<1024x128xf32, #tpu.memory_space<vmem>>, vector<1024x128xf32>,
    return
  }
  func.func @transform_0(%arg0: i32) -> (i32, i32) {
    %c0_i32 = arith.constant 0 : i32
    %c0_i32_0 = arith.constant 0 : i32
    return %arg0, %c0_i32 : i32, i32
  }
  func.func @transform_1(%arg0: i32) -> (i32, i32, i32) {
    %c0_i32 = arith.constant 0 : i32
    %c0_i32_0 = arith.constant 0 : i32
    %c0_i32_1 = arith.constant 0 : i32
    return %c0_i32, %arg0, %c0_i32_0 : i32, i32, i32
  }
  func.func @transform_2(%arg0: i32) -> (i32, i32, i32) {
    %c0_i32 = arith.constant 0 : i32
    %c0_i32_0 = arith.constant 0 : i32
    %c0_i32_1 = arith.constant 0 : i32
    return %c0_i32, %arg0, %c0_i32_0 : i32, i32, i32
  }
  func.func @transform_3(%arg0: i32) -> (i32, i32) {
    %c0_i32 = arith.constant 0 : i32
    %c0_i32_0 = arith.constant 0 : i32
    %c0_i32_1 = arith.constant 0 : i32
    return %c0_i32, %c0_i32_0 : i32, i32
  }
  func.func @transform_4(%arg0: i32) -> (i32, i32) {
    %c0_i32 = arith.constant 0 : i32
    %c0_i32_0 = arith.constant 0 : i32
    %c0_i32_1 = arith.constant 0 : i32
    return %c0_i32, %c0_i32_0 : i32, i32
  }
  func.func @transform_5(%arg0: i32) -> (i32, i32) {
    %c0_i32 = arith.constant 0 : i32
    %c0_i32_0 = arith.constant 0 : i32
    %c0_i32_1 = arith.constant 0 : i32
    return %c0_i32, %c0_i32_0 : i32, i32
  }
  func.func @transform_6(%arg0: i32) -> (i32, i32) {
    %c0_i32 = arith.constant 0 : i32
    %c0_i32_0 = arith.constant 0 : i32
    %c0_i32_1 = arith.constant 0 : i32
    return %c0_i32, %c0_i32_0 : i32, i32
  }
  func.func @transform_7(%arg0: i32) -> (i32, i32) {
    %c0_i32 = arith.constant 0 : i32
    %c0_i32_0 = arith.constant 0 : i32
    return %arg0, %c0_i32 : i32, i32
  }
  func.func @transform_8(%arg0: i32) -> (i32, i32) {
    %c0_i32 = arith.constant 0 : i32
    %c0_i32_0 = arith.constant 0 : i32
    return %arg0, %c0_i32 : i32, i32
  }
}

module attributes {stable_mosaic.version = 14 : i64} {
  func.func @_tc2_body(%arg0: i32, %arg1: memref<1024x128xf32, #tpu.memory_space<vmem>>, %arg2: memref<2x1024x128xf32, #tpu.memory_space<vmem>>, %arg3: memref<32x8x128xi32, #tpu.memory_space<vmem>>, %arg4: memref<1024x256xf32, #tpu.memory_space<vmem>>, %arg5: memref<256x128xf32, #tpu.memory_space<vmem>>, %arg6: memref<1x128xf32, #tpu.memory_space<vmem>>, %arg7: memref<128x256xf32, #tpu.memory_space<vmem>>, %arg8: memref<1x256xf32, #tpu.memory_space<vmem>>, %arg9: memref<256x128xf32, #tpu.memory_space<vmem>>, %arg10: memref<1x128xf32, #tpu.memory_space<vmem>>, %arg11: memref<128x64xf32, #tpu.memory_space<vmem>>, %arg12: memref<1x64xf32, #tpu.memory_space<vmem>>, %arg13: memref<1024x64xf32, #tpu.memory_space<vmem>>) attributes {dimension_semantics = [#tpu.dimension_semantics<arbitrary>], iteration_bounds = array<i64: 10>, scalar_prefetch = 0 : i64, scratch_operands = 0 : i64, tpu.core_type = #tpu.core_type<tc>, window_params = [{transform_indices = @transform_0, window_bounds = array<i64: 1024, 128>}, {transform_indices = @transform_1, window_bounds = array<i64: 2, 1024, 128>}, {transform_indices = @transform_2, window_bounds = array<i64: 32, 8, 128>}, {transform_indices = @transform_3, window_bounds = array<i64: 1024, 256>}, {pipeline_mode = #tpu.pipeline_mode<synchronous>, transform_indices = @transform_4, window_bounds = array<i64: 256, 128>}, {pipeline_mode = #tpu.pipeline_mode<synchronous>, transform_indices = @transform_5, window_bounds = array<i64: 1, 128>}, {pipeline_mode = #tpu.pipeline_mode<synchronous>, transform_indices = @transform_6, window_bounds = array<i64: 128, 256>}, {pipeline_mode = #tpu.pipeline_mode<synchronous>, transform_indices = @transform_7, window_bounds = array<i64: 1, 256>}, {pipeline_mode = #tpu.pipeline_mode<synchronous>, transform_indices = @transform_8, window_bounds = array<i64: 256, 128>}, {pipeline_mode = #tpu.pipeline_mode<synchronous>, transform_indices = @transform_9, window_bounds = array<i64: 1, 128>}, {pipeline_mode = #tpu.pipeline_mode<synchronous>, transform_indices = @transform_10, window_bounds = array<i64: 128, 64>}, {pipeline_mode = #tpu.pipeline_mode<synchronous>, transform_indices = @transform_11, window_bounds = array<i64: 1, 64>}, {transform_indices = @transform_12, window_bounds = array<i64: 1024, 64>}]} {
    %get3A = arith.constant 0 : index
    %get3A_0 = arith.constant 0 : index
    %get3A_1 = vector.load %arg1[%get3A, %get3A_0] : memref<1024x128xf32, #tpu.memory_space<vmem>>, vector<1024x128xf32>
    %get3A_2 = arith.constant 0 : index
    %get3A_3 = arith.constant 0 : index
    %get3A_4 = arith.constant 0 : index
    %get3A_5 = vector.load %arg2[%get3A_2, %get3A_3, %get3A_4] : memref<2x1024x128xf32, #tpu.memory_space<vmem>>, vector<1x1024x128xf32>
    %get3A_6 = vector.shape_cast %get3A_5 : vector<1x1024x128xf32> to vector<1024x128xf32>
    %get3A_7 = arith.constant 1 : index
    %get3A_8 = arith.constant 0 : index
    %get3A_9 = arith.constant 0 : index
    %get3A_10 = vector.load %arg2[%get3A_7, %get3A_8, %get3A_9] : memref<2x1024x128xf32, #tpu.memory_space<vmem>>, vector<1x1024x128xf32>
    %get3A_11 = vector.shape_cast %get3A_10 : vector<1x1024x128xf32> to vector<1024x128xf32>
    %add3A = arith.addf %get3A_6, %get3A_11 : vector<1024x128xf32>
    %add3A_12 = arith.addf %add3A, %get3A_1 : vector<1024x128xf32>
    %get3A_13 = arith.constant 0 : index
    %get3A_14 = arith.constant 0 : index
    %get3A_15 = arith.constant 0 : index
    %get3A_16 = vector.load %arg3[%get3A_13, %get3A_14, %get3A_15] : memref<32x8x128xi32, #tpu.memory_space<vmem>>, vector<32x8x128xi32>
    %reduce_sum3A = arith.constant dense<0> : vector<8x128xi32>
    %reduce_sum3A_17 = vector.multi_reduction <add>, %get3A_16, %reduce_sum3A [0] : vector<32x8x128xi32> to vector<8x128xi32>
    %convert_element_type3A = arith.sitofp %reduce_sum3A_17 : vector<8x128xi32> to vector<8x128xf32>
    %add3A_18 = arith.constant 1.000000e+00 : f32
    %add3A_19 = vector.broadcast %add3A_18 : f32 to vector<8x128xf32>
    %add3A_20 = arith.addf %convert_element_type3A, %add3A_19 : vector<8x128xf32>
    %div3A = arith.constant 1.000000e+00 : f32
    %div3A_21 = vector.broadcast %div3A : f32 to vector<8x128xf32>
    %div3A_22 = arith.divf %div3A_21, %add3A_20 : vector<8x128xf32>
    %iota3A = tpu.iota {dimensions = array<i32: 0>} : vector<128x128xi32>
    %iota3A_23 = tpu.iota {dimensions = array<i32: 1>} : vector<128x128xi32>
    %eq3A = arith.cmpi eq, %iota3A, %iota3A_23 : vector<128x128xi32>
    %convert_element_type3A_24 = arith.extui %eq3A : vector<128x128xi1> to vector<128x128xi32>
    %convert_element_type3A_25 = arith.sitofp %convert_element_type3A_24 : vector<128x128xi32> to vector<128x128xf32>
    %broadcast_in_dim3A = arith.constant 1.000000e+00 : f32
    %broadcast_in_dim3A_26 = vector.broadcast %broadcast_in_dim3A : f32 to vector<128x128xf32>
    %slice3A = vector.extract_strided_slice %div3A_22 {offsets = [0, 0], sizes = [1, 128], strides = [1, 1]} : vector<8x128xf32> to vector<1x128xf32>
    %mul3A = vector.broadcast %slice3A : vector<1x128xf32> to vector<128x128xf32>
    %mul3A_27 = arith.mulf %convert_element_type3A_25, %mul3A : vector<128x128xf32>
    %dot_general3A = arith.constant dense<0.000000e+00> : vector<128x128xf32>
    %dot_general3A_28 = tpu.matmul %mul3A_27, %broadcast_in_dim3A_26, %dot_general3A {dimension_numbers = #tpu.dot_dimension_numbers<[1], [0], [0], [1], [0, 0, 1, 1], [], []>, transpose_lhs_hint = false} : vector<128x128xf32>, vector<128x128xf32>, vector<128x128xf32> -> vector<128x128xf32>
    %slice3A_29 = vector.extract_strided_slice %div3A_22 {offsets = [1, 0], sizes = [1, 128], strides = [1, 1]} : vector<8x128xf32> to vector<1x128xf32>
    %mul3A_30 = vector.broadcast %slice3A_29 : vector<1x128xf32> to vector<128x128xf32>
    %mul3A_31 = arith.mulf %convert_element_type3A_25, %mul3A_30 : vector<128x128xf32>
    %dot_general3A_32 = arith.constant dense<0.000000e+00> : vector<128x128xf32>
    %dot_general3A_33 = tpu.matmul %mul3A_31, %broadcast_in_dim3A_26, %dot_general3A_32 {dimension_numbers = #tpu.dot_dimension_numbers<[1], [0], [0], [1], [0, 0, 1, 1], [], []>, transpose_lhs_hint = false} : vector<128x128xf32>, vector<128x128xf32>, vector<128x128xf32> -> vector<128x128xf32>
    %slice3A_34 = vector.extract_strided_slice %div3A_22 {offsets = [2, 0], sizes = [1, 128], strides = [1, 1]} : vector<8x128xf32> to vector<1x128xf32>
    %mul3A_35 = vector.broadcast %slice3A_34 : vector<1x128xf32> to vector<128x128xf32>
    %mul3A_36 = arith.mulf %convert_element_type3A_25, %mul3A_35 : vector<128x128xf32>
    %dot_general3A_37 = arith.constant dense<0.000000e+00> : vector<128x128xf32>
    %dot_general3A_38 = tpu.matmul %mul3A_36, %broadcast_in_dim3A_26, %dot_general3A_37 {dimension_numbers = #tpu.dot_dimension_numbers<[1], [0], [0], [1], [0, 0, 1, 1], [], []>, transpose_lhs_hint = false} : vector<128x128xf32>, vector<128x128xf32>, vector<128x128xf32> -> vector<128x128xf32>
    %slice3A_39 = vector.extract_strided_slice %div3A_22 {offsets = [3, 0], sizes = [1, 128], strides = [1, 1]} : vector<8x128xf32> to vector<1x128xf32>
    %mul3A_40 = vector.broadcast %slice3A_39 : vector<1x128xf32> to vector<128x128xf32>
    %mul3A_41 = arith.mulf %convert_element_type3A_25, %mul3A_40 : vector<128x128xf32>
    %dot_general3A_42 = arith.constant dense<0.000000e+00> : vector<128x128xf32>
    %dot_general3A_43 = tpu.matmul %mul3A_41, %broadcast_in_dim3A_26, %dot_general3A_42 {dimension_numbers = #tpu.dot_dimension_numbers<[1], [0], [0], [1], [0, 0, 1, 1], [], []>, transpose_lhs_hint = false} : vector<128x128xf32>, vector<128x128xf32>, vector<128x128xf32> -> vector<128x128xf32>
    %slice3A_44 = vector.extract_strided_slice %div3A_22 {offsets = [4, 0], sizes = [1, 128], strides = [1, 1]} : vector<8x128xf32> to vector<1x128xf32>
    %mul3A_45 = vector.broadcast %slice3A_44 : vector<1x128xf32> to vector<128x128xf32>
    %mul3A_46 = arith.mulf %convert_element_type3A_25, %mul3A_45 : vector<128x128xf32>
    %dot_general3A_47 = arith.constant dense<0.000000e+00> : vector<128x128xf32>
    %dot_general3A_48 = tpu.matmul %mul3A_46, %broadcast_in_dim3A_26, %dot_general3A_47 {dimension_numbers = #tpu.dot_dimension_numbers<[1], [0], [0], [1], [0, 0, 1, 1], [], []>, transpose_lhs_hint = false} : vector<128x128xf32>, vector<128x128xf32>, vector<128x128xf32> -> vector<128x128xf32>
    %slice3A_49 = vector.extract_strided_slice %div3A_22 {offsets = [5, 0], sizes = [1, 128], strides = [1, 1]} : vector<8x128xf32> to vector<1x128xf32>
    %mul3A_50 = vector.broadcast %slice3A_49 : vector<1x128xf32> to vector<128x128xf32>
    %mul3A_51 = arith.mulf %convert_element_type3A_25, %mul3A_50 : vector<128x128xf32>
    %dot_general3A_52 = arith.constant dense<0.000000e+00> : vector<128x128xf32>
    %dot_general3A_53 = tpu.matmul %mul3A_51, %broadcast_in_dim3A_26, %dot_general3A_52 {dimension_numbers = #tpu.dot_dimension_numbers<[1], [0], [0], [1], [0, 0, 1, 1], [], []>, transpose_lhs_hint = false} : vector<128x128xf32>, vector<128x128xf32>, vector<128x128xf32> -> vector<128x128xf32>
    %slice3A_54 = vector.extract_strided_slice %div3A_22 {offsets = [6, 0], sizes = [1, 128], strides = [1, 1]} : vector<8x128xf32> to vector<1x128xf32>
    %mul3A_55 = vector.broadcast %slice3A_54 : vector<1x128xf32> to vector<128x128xf32>
    %mul3A_56 = arith.mulf %convert_element_type3A_25, %mul3A_55 : vector<128x128xf32>
    %dot_general3A_57 = arith.constant dense<0.000000e+00> : vector<128x128xf32>
    %dot_general3A_58 = tpu.matmul %mul3A_56, %broadcast_in_dim3A_26, %dot_general3A_57 {dimension_numbers = #tpu.dot_dimension_numbers<[1], [0], [0], [1], [0, 0, 1, 1], [], []>, transpose_lhs_hint = false} : vector<128x128xf32>, vector<128x128xf32>, vector<128x128xf32> -> vector<128x128xf32>
    %slice3A_59 = vector.extract_strided_slice %div3A_22 {offsets = [7, 0], sizes = [1, 128], strides = [1, 1]} : vector<8x128xf32> to vector<1x128xf32>
    %mul3A_60 = vector.broadcast %slice3A_59 : vector<1x128xf32> to vector<128x128xf32>
    %mul3A_61 = arith.mulf %convert_element_type3A_25, %mul3A_60 : vector<128x128xf32>
    %dot_general3A_62 = arith.constant dense<0.000000e+00> : vector<128x128xf32>
    %dot_general3A_63 = tpu.matmul %mul3A_61, %broadcast_in_dim3A_26, %dot_general3A_62 {dimension_numbers = #tpu.dot_dimension_numbers<[1], [0], [0], [1], [0, 0, 1, 1], [], []>, transpose_lhs_hint = false} : vector<128x128xf32>, vector<128x128xf32>, vector<128x128xf32> -> vector<128x128xf32>
    %concatenate3A = tpu.concatenate %dot_general3A_28, %dot_general3A_33, %dot_general3A_38, %dot_general3A_43, %dot_general3A_48, %dot_general3A_53, %dot_general3A_58, %dot_general3A_63 in 0 : vector<128x128xf32>, vector<128x128xf32>, vector<128x128xf32>, vector<128x128xf32>, vector<128x128xf32>, vector<128x128xf32>, vector<128x128xf32>, vector<128x128xf32> -> vector<1024x128xf32>
    %mul3A_64 = arith.mulf %add3A_12, %concatenate3A : vector<1024x128xf32>
    %get3A_65 = arith.constant 0 : index
    %get3A_66 = arith.constant 0 : index
    %get3A_67 = vector.load %arg6[%get3A_65, %get3A_66] : memref<1x128xf32, #tpu.memory_space<vmem>>, vector<1x128xf32>
    %add3A_68 = vector.broadcast %get3A_67 : vector<1x128xf32> to vector<1024x128xf32>
    %add3A_69 = arith.addf %mul3A_64, %add3A_68 : vector<1024x128xf32>
    %get3A_70 = arith.constant 0 : index
    %get3A_71 = arith.constant 0 : index
    %get3A_72 = vector.load %arg4[%get3A_70, %get3A_71] : memref<1024x256xf32, #tpu.memory_space<vmem>>, vector<1024x256xf32>
    %get3A_73 = arith.constant 0 : index
    %get3A_74 = arith.constant 0 : index
    %get3A_75 = vector.load %arg5[%get3A_73, %get3A_74] : memref<256x128xf32, #tpu.memory_space<vmem>>, vector<256x128xf32>
    %dot_general3A_76 = arith.constant dense<0.000000e+00> : vector<1024x128xf32>
    %dot_general3A_77 = tpu.matmul %get3A_72, %get3A_75, %dot_general3A_76 {dimension_numbers = #tpu.dot_dimension_numbers<[1], [0], [0], [1], [0, 0, 1, 1], [], []>, transpose_lhs_hint = false} : vector<1024x256xf32>, vector<256x128xf32>, vector<1024x128xf32> -> vector<1024x128xf32>
    %add3A_78 = arith.addf %add3A_69, %dot_general3A_77 : vector<1024x128xf32>
    %ge3A = arith.constant 0.000000e+00 : f32
    %ge3A_79 = vector.broadcast %ge3A : f32 to vector<1024x128xf32>
    %ge3A_80 = arith.cmpf oge, %add3A_78, %ge3A_79 : vector<1024x128xf32>
    %mul3A_81 = arith.constant 0.00999999977 : f32
    %mul3A_82 = vector.broadcast %mul3A_81 : f32 to vector<1024x128xf32>
    %mul3A_83 = arith.mulf %mul3A_82, %add3A_78 : vector<1024x128xf32>
    %select_n3A = arith.select %ge3A_80, %add3A_78, %mul3A_83 : vector<1024x128xi1>, vector<1024x128xf32>
    %get3A_84 = arith.constant 0 : index
    %get3A_85 = arith.constant 0 : index
    %get3A_86 = vector.load %arg7[%get3A_84, %get3A_85] : memref<128x256xf32, #tpu.memory_space<vmem>>, vector<128x256xf32>
    %dot_general3A_87 = arith.constant dense<0.000000e+00> : vector<1024x256xf32>
    %dot_general3A_88 = tpu.matmul %select_n3A, %get3A_86, %dot_general3A_87 {dimension_numbers = #tpu.dot_dimension_numbers<[1], [0], [0], [1], [0, 0, 1, 1], [], []>, transpose_lhs_hint = false} : vector<1024x128xf32>, vector<128x256xf32>, vector<1024x256xf32> -> vector<1024x256xf32>
    %get3A_89 = arith.constant 0 : index
    %get3A_90 = arith.constant 0 : index
    %get3A_91 = vector.load %arg8[%get3A_89, %get3A_90] : memref<1x256xf32, #tpu.memory_space<vmem>>, vector<1x256xf32>
    %add3A_92 = vector.broadcast %get3A_91 : vector<1x256xf32> to vector<1024x256xf32>
    %add3A_93 = arith.addf %dot_general3A_88, %add3A_92 : vector<1024x256xf32>
    %ge3A_94 = arith.constant 0.000000e+00 : f32
    %ge3A_95 = vector.broadcast %ge3A_94 : f32 to vector<1024x256xf32>
    %ge3A_96 = arith.cmpf oge, %add3A_93, %ge3A_95 : vector<1024x256xf32>
    %mul3A_97 = arith.constant 0.00999999977 : f32
    %mul3A_98 = vector.broadcast %mul3A_97 : f32 to vector<1024x256xf32>
    %mul3A_99 = arith.mulf %mul3A_98, %add3A_93 : vector<1024x256xf32>
    %select_n3A_100 = arith.select %ge3A_96, %add3A_93, %mul3A_99 : vector<1024x256xi1>, vector<1024x256xf32>
    %get3A_101 = arith.constant 0 : index
    %get3A_102 = arith.constant 0 : index
    %get3A_103 = vector.load %arg9[%get3A_101, %get3A_102] : memref<256x128xf32, #tpu.memory_space<vmem>>, vector<256x128xf32>
    %dot_general3A_104 = arith.constant dense<0.000000e+00> : vector<1024x128xf32>
    %dot_general3A_105 = tpu.matmul %select_n3A_100, %get3A_103, %dot_general3A_104 {dimension_numbers = #tpu.dot_dimension_numbers<[1], [0], [0], [1], [0, 0, 1, 1], [], []>, transpose_lhs_hint = false} : vector<1024x256xf32>, vector<256x128xf32>, vector<1024x128xf32> -> vector<1024x128xf32>
    %get3A_106 = arith.constant 0 : index
    %get3A_107 = arith.constant 0 : index
    %get3A_108 = vector.load %arg10[%get3A_106, %get3A_107] : memref<1x128xf32, #tpu.memory_space<vmem>>, vector<1x128xf32>
    %add3A_109 = vector.broadcast %get3A_108 : vector<1x128xf32> to vector<1024x128xf32>
    %add3A_110 = arith.addf %dot_general3A_105, %add3A_109 : vector<1024x128xf32>
    %ge3A_111 = arith.constant 0.000000e+00 : f32
    %ge3A_112 = vector.broadcast %ge3A_111 : f32 to vector<1024x128xf32>
    %ge3A_113 = arith.cmpf oge, %add3A_110, %ge3A_112 : vector<1024x128xf32>
    %mul3A_114 = arith.constant 0.00999999977 : f32
    %mul3A_115 = vector.broadcast %mul3A_114 : f32 to vector<1024x128xf32>
    %mul3A_116 = arith.mulf %mul3A_115, %add3A_110 : vector<1024x128xf32>
    %select_n3A_117 = arith.select %ge3A_113, %add3A_110, %mul3A_116 : vector<1024x128xi1>, vector<1024x128xf32>
    %get3A_118 = arith.constant 0 : index
    %get3A_119 = arith.constant 0 : index
    %get3A_120 = vector.load %arg11[%get3A_118, %get3A_119] : memref<128x64xf32, #tpu.memory_space<vmem>>, vector<128x64xf32>
    %dot_general3A_121 = arith.constant dense<0.000000e+00> : vector<1024x64xf32>
    %dot_general3A_122 = tpu.matmul %select_n3A_117, %get3A_120, %dot_general3A_121 {dimension_numbers = #tpu.dot_dimension_numbers<[1], [0], [0], [1], [0, 0, 1, 1], [], []>, transpose_lhs_hint = false} : vector<1024x128xf32>, vector<128x64xf32>, vector<1024x64xf32> -> vector<1024x64xf32>
    %get3A_123 = arith.constant 0 : index
    %get3A_124 = arith.constant 0 : index
    %get3A_125 = vector.load %arg12[%get3A_123, %get3A_124] : memref<1x64xf32, #tpu.memory_space<vmem>>, vector<1x64xf32>
    %add3A_126 = vector.broadcast %get3A_125 : vector<1x64xf32> to vector<1024x64xf32>
    %add3A_127 = arith.addf %dot_general3A_122, %add3A_126 : vector<1024x64xf32>
    %swap3A = arith.constant 0 : index
    %swap3A_128 = arith.constant 0 : index
    %swap3A_129 = vector.load %arg13[%swap3A, %swap3A_128] : memref<1024x64xf32, #tpu.memory_space<vmem>>, vector<1024x64xf32>
    tpu.vector_store %arg13[%swap3A, %swap3A_128], %add3A_127 {strides = array<i32>} : memref<1024x64xf32, #tpu.memory_space<vmem>>, vector<1024x64xf32>,
    return
  }
  func.func @transform_0(%arg0: i32) -> (i32, i32) {
    %c0_i32 = arith.constant 0 : i32
    %c0_i32_0 = arith.constant 0 : i32
    return %arg0, %c0_i32 : i32, i32
  }
  func.func @transform_1(%arg0: i32) -> (i32, i32, i32) {
    %c0_i32 = arith.constant 0 : i32
    %c0_i32_0 = arith.constant 0 : i32
    %c0_i32_1 = arith.constant 0 : i32
    return %c0_i32, %arg0, %c0_i32_0 : i32, i32, i32
  }
  func.func @transform_2(%arg0: i32) -> (i32, i32, i32) {
    %c0_i32 = arith.constant 0 : i32
    %c0_i32_0 = arith.constant 0 : i32
    %c0_i32_1 = arith.constant 0 : i32
    return %c0_i32, %arg0, %c0_i32_0 : i32, i32, i32
  }
  func.func @transform_3(%arg0: i32) -> (i32, i32) {
    %c0_i32 = arith.constant 0 : i32
    %c0_i32_0 = arith.constant 0 : i32
    return %arg0, %c0_i32 : i32, i32
  }
  func.func @transform_4(%arg0: i32) -> (i32, i32) {
    %c0_i32 = arith.constant 0 : i32
    %c0_i32_0 = arith.constant 0 : i32
    %c0_i32_1 = arith.constant 0 : i32
    return %c0_i32, %c0_i32_0 : i32, i32
  }
  func.func @transform_5(%arg0: i32) -> (i32, i32) {
    %c0_i32 = arith.constant 0 : i32
    %c0_i32_0 = arith.constant 0 : i32
    %c0_i32_1 = arith.constant 0 : i32
    return %c0_i32, %c0_i32_0 : i32, i32
  }
  func.func @transform_6(%arg0: i32) -> (i32, i32) {
    %c0_i32 = arith.constant 0 : i32
    %c0_i32_0 = arith.constant 0 : i32
    %c0_i32_1 = arith.constant 0 : i32
    return %c0_i32, %c0_i32_0 : i32, i32
  }
  func.func @transform_7(%arg0: i32) -> (i32, i32) {
    %c0_i32 = arith.constant 0 : i32
    %c0_i32_0 = arith.constant 0 : i32
    %c0_i32_1 = arith.constant 0 : i32
    return %c0_i32, %c0_i32_0 : i32, i32
  }
  func.func @transform_8(%arg0: i32) -> (i32, i32) {
    %c0_i32 = arith.constant 0 : i32
    %c0_i32_0 = arith.constant 0 : i32
    %c0_i32_1 = arith.constant 0 : i32
    return %c0_i32, %c0_i32_0 : i32, i32
  }
  func.func @transform_9(%arg0: i32) -> (i32, i32) {
    %c0_i32 = arith.constant 0 : i32
    %c0_i32_0 = arith.constant 0 : i32
    %c0_i32_1 = arith.constant 0 : i32
    return %c0_i32, %c0_i32_0 : i32, i32
  }
  func.func @transform_10(%arg0: i32) -> (i32, i32) {
    %c0_i32 = arith.constant 0 : i32
    %c0_i32_0 = arith.constant 0 : i32
    %c0_i32_1 = arith.constant 0 : i32
    return %c0_i32, %c0_i32_0 : i32, i32
  }
  func.func @transform_11(%arg0: i32) -> (i32, i32) {
    %c0_i32 = arith.constant 0 : i32
    %c0_i32_0 = arith.constant 0 : i32
    %c0_i32_1 = arith.constant 0 : i32
    return %c0_i32, %c0_i32_0 : i32, i32
  }
  func.func @transform_12(%arg0: i32) -> (i32, i32) {
    %c0_i32 = arith.constant 0 : i32
    %c0_i32_0 = arith.constant 0 : i32
    return %arg0, %c0_i32 : i32, i32
  }
}

</mosaic_0001>

<sc_bundles>
// kernel: kernel.6.cloned.1.call-start
scs
__scs_entry_jumppad:
0x0: {  	(pc) =	sbr.rel $0x88, $3  }
0x1: {  	(tag) =	ssettag $0x0;
	lr =	simm.s32 $0x1  }
0x2: {  	[smem:$0x3F93] =	sst lr;
	_ =	strace $0xD0000000  }
0x3: {  	_ = 	snop  }
0x4: {  	_ = 	snop  }
0x5: {  	_ = 	snop  }
0x6: {  	_ = 	snop  }
0x7: {  	_ = 	snop  }
__scs_overlays_trampoline_lowered:
0x8: {  	[smem:$0x3FA2] =	sst s0  }
0x9: {  	[smem:$0x3FA3] =	sst s1  }
0xa: {  	[smem:$0x3FA4] =	sst s2  }
0xb: {  	[smem:$0x3FA5] =	sst s3  }
0xc: {  	[smem:$0x3FA6] =	sst s4  }
0xd: {  	[smem:$0x3FA7] =	sst s5  }
0xe: {  	[smem:$0x3FA8] =	sst s6  }
0xf: {  	[smem:$0x3FA9] =	sst s7  }
0x10: {  	[smem:$0x3FAA] =	sst s8  }
0x11: {  	[smem:$0x3FAB] =	sst s9;
	s0 =	simm.s32 @!p0 $0x0  }
0x12: {  	s1 =	sld [smem:$0x3F91];
	s0 =	simm.s32 @p0 $0x1  }
0x13: {  	[smem:$0x3FAC] =	sst s0;
	s0 =	simm.s32 @!p1 $0x0  }
0x14: {  	s2 =	sld [smem:$0x3F90];
	s0 =	simm.s32 @p1 $0x1  }
0x15: {  	[smem:$0x3FAD] =	sst s0;
	s0 =	simm.s32 @!p2 $0x0  }
0x16: {  	s3 =	sld [smem:$0x3FDB];
	s0 =	simm.s32 @p2 $0x1  }
0x17: {  	s4 =	simm.s32 $0x1BF5;
	[smem:$0x3FAF] =	sst s0  }
0x18: {  	s0 =	sld [smem:$0x3F92];
	_ =	swait.ge [sflag:s4], $0x0  }
0x19: {  	s7 =	sld [smem:$0x3F93]  }
0x1a: {  	s8 =	sadd.s32 $0xFFFFE003, lr  }
0x1b: {  	s9 =	sadd.s32 $0xFFFFFEF7, lr;
	s5 =	simm.s32 $0xFFFFFFFF;
	p2 =	slt.u32 s8, $0xFFFFF086  }
0x1c: {  	p1 =	slt.u32 s9, $0xF7A;
	s5 =	simm.s32 @!p2 $0x0  }
0x1d: {  	s5 =	simm.s32 @p1 $0x1;
	p0 =	seq.s32 s7, s2  }
0x1e: {  	s7 =	smul.u32 @!p0 $0xF7A, s2;
	p2 =	seq.s32 @!p0 s5, $0x0  }
0x1f: {  	s9 =	smul.u32 $0xF7A, s1;
	s8 =	simm.s32 @!p0 $0x1BF5;
	p2 =	por !p2, p0  }
0x20: {  	[sflag:s8] =	ssyncset.s32 @!p0 $0xFFFFF086;
	s6 =	sadd.s32 @!p0 s3, s7;
	s7 =	simm.s32 @!p0 $0x108  }
0x21: {  	s3 =	sadd.s32 s3, s9;
	s6 =	sadd.s32 @!p0 $0x88, s6;
	s7 =	simm.s32 @p2 $0x1082  }
0x22: {  	[simem:s7], [sflag:s8] =	dma.local @!p0 [hbm:s6], $0xF7A  }
0x23: {  	s9 =	sor.u32 $0xD0000000, s2;
	s6 =	simm.s32 $0x108;
	_ =	swait.ge @!p0 [sflag:s8], $0x0  }
0x24: {  	s3 =	sadd.s32 $0x88, s3;
	s6 =	simm.s32 @!p1 $0x1082;
	[sflag:s4] =	ssyncset.s32 $0xFFFFF086  }
0x25: {  	[simem:s6], [sflag:s4] =	dma.local [hbm:s3], $0xF7A  }
0x26: {  	[smem:$0x3F93] =	sst s1;
	(tag) =	ssettag s2;
	_ =	strace s9  }
0x27: {  	s1 =	sld [smem:$0x3FA3]  }
0x28: {  	s2 =	sld [smem:$0x3FA4]  }
0x29: {  	s4 =	sld [smem:$0x3FA6]  }
0x2a: {  	p0 =	seq.s32 s5, $0x0;
	s5 =	sld [smem:$0x3FA7]  }
0x2b: {  	s6 =	sld [smem:$0x3FA8]  }
0x2c: {  	s7 =	sld [smem:$0x3FA9]  }
0x2d: {  	s3 =	simm.s32 $0x108;
	s8 =	sld [smem:$0x3FAA]  }
0x2e: {  	s3 =	simm.s32 @!p0 $0x1082;
	s9 =	sld [smem:$0x3FAB]  }
0x2f: {  	lr =	sadd.s32 s0, s3;
	s0 =	sld [smem:$0x3FA2]  }
0x30: {  	s3 =	sld [smem:$0x3FA5]  }
0x31: {  	[smem:$0x3FAE] =	sst s10  }
0x32: {  	s10 =	sld [smem:$0x3FAC];
	_ =	sdelay $0x3  }
0x33: {  	p0 =	seq.s32 s10, $0x1;
	s10 =	sld [smem:$0x3FAE];
	_ =	sdelay $0x3  }
0x34: {  	[smem:$0x3FAE] =	sst s10  }
0x35: {  	s10 =	sld [smem:$0x3FAD];
	_ =	sdelay $0x3  }
0x36: {  	p1 =	seq.s32 s10, $0x1;
	s10 =	sld [smem:$0x3FAE];
	_ =	sdelay $0x3  }
0x37: {  	[smem:$0x3FAE] =	sst s10  }
0x38: {  	s10 =	sld [smem:$0x3FAF]  }
0x39: {  	_ = 	snop;
	(pc) =	sbr.ind lr, $3  }
0x3a: {  	_ = 	snop  }
0x3b: {  	_ = 	snop  }
0x3c: {  	p2 =	seq.s32 s10, $0x1;
	s10 =	sld [smem:$0x3FAE]  }
0x3d: {  	_ =	shalt  }
0x3e: {  	_ =	shalt  }
0x3f: {  	_ =	shalt  }
0x40: {  	_ =	shalt  }
0x41: {  	_ =	shalt  }
0x42: {  	_ =	shalt  }
0x43: {  	_ =	shalt  }
0x44: {  	_ =	shalt  }
0x45: {  	_ =	shalt  }
0x46: {  	_ =	shalt  }
0x47: {  	_ =	shalt  }
0x48: {  	_ =	shalt  }
0x49: {  	_ =	shalt  }
0x4a: {  	_ =	shalt  }
0x4b: {  	_ =	shalt  }
0x4c: {  	_ =	shalt  }
0x4d: {  	_ =	shalt  }
0x4e: {  	_ =	shalt  }
0x4f: {  	_ =	shalt  }
0x50: {  	_ =	shalt  }
0x51: {  	_ =	shalt  }
0x52: {  	_ =	shalt  }
0x53: {  	_ =	shalt  }
0x54: {  	_ =	shalt  }
0x55: {  	_ =	shalt  }
0x56: {  	_ =	shalt  }
0x57: {  	_ =	shalt  }
0x58: {  	_ =	shalt  }
0x59: {  	_ =	shalt  }
0x5a: {  	_ =	shalt  }
0x5b: {  	_ =	shalt  }
0x5c: {  	_ =	shalt  }
0x5d: {  	_ =	shalt  }
0x5e: {  	_ =	shalt  }
0x5f: {  	_ =	shalt  }
0x60: {  	_ =	shalt  }
0x61: {  	_ =	shalt  }
0x62: {  	_ =	shalt  }
0x63: {  	_ =	shalt  }
0x64: {  	_ =	shalt  }
0x65: {  	_ =	shalt  }
0x66: {  	_ =	shalt  }
0x67: {  	_ =	shalt  }
0x68: {  	_ =	shalt  }
0x69: {  	_ =	shalt  }
0x6a: {  	_ =	shalt  }
0x6b: {  	_ =	shalt  }
0x6c: {  	_ =	shalt  }
0x6d: {  	_ =	shalt  }
0x6e: {  	_ =	shalt  }
0x6f: {  	_ =	shalt  }
0x70: {  	_ =	shalt  }
0x71: {  	_ =	shalt  }
0x72: {  	_ =	shalt  }
0x73: {  	_ =	shalt  }
0x74: {  	_ =	shalt  }
0x75: {  	_ =	shalt  }
0x76: {  	_ =	shalt  }
0x77: {  	_ =	shalt  }
0x78: {  	_ =	shalt  }
0x79: {  	_ =	shalt  }
0x7a: {  	_ =	shalt  }
0x7b: {  	_ =	shalt  }
0x7c: {  	_ =	shalt  }
0x7d: {  	_ =	shalt  }
0x7e: {  	_ =	shalt  }
0x7f: {  	_ =	shalt  }
0x80: {  	_ =	shalt  }
0x81: {  	_ =	shalt  }
0x82: {  	_ =	shalt  }
0x83: {  	_ =	shalt  }
0x84: {  	_ =	shalt  }
0x85: {  	_ =	shalt  }
0x86: {  	_ =	shalt  }
0x87: {  	_ =	shalt  }
.Lfunc_end0:
.L_simem_size_0:
called_computation_lowered:
.L_overlay_start_0:
0x88: {  	s2 =	sld [smem:$0x3FD9]  }
0x89: {  	s3 =	sld [smem:$0x3FFE];
	_ =	sdelay $0x1  }
0x8a: {  	s1 =	srdreg.scid  }
0x8b: {  	s0 =	sand.u32 $0x1, s1  }
0x8c: {  	s17 =	sshll.u32 s0, $0xA;
	s2 =	sadd.s32 s3, s2  }
0x8d: {  	s2 =	sadd.s32 s2, s17  }
0x8e: {  	[smem:$0x3FBA] =	sst s2  }
0x8f: {  	_ = 	snop  }
0x90: {  	s2 =	sld [smem:$0x3FC9]  }
0x91: {  	s18 =	sld [smem:$0x3FD0];
	(tm) =	ssettm $0x1  }
0x92: {  	s4 =	sld [smem:$0x3FFB];
	_ =	sdelay $0x3  }
0x93: {  	_ =	strace s4  }
0x94: {  	s4 =	sld [smem:$0x3FFC];
	_ =	sdelay $0x3  }
0x95: {  	_ =	strace s4  }
0x96: {  	s4 =	sld [smem:$0x3FFD];
	_ =	sdelay $0x3  }
0x97: {  	_ =	strace s4  }
0x98: {  	_ =	strace $0x8FFFFFFF  }
0x99: {  	s19 =	sld [smem:$0x3FDB];
	_ =	sdelay $0x1  }
0x9a: {  	s5 =	simm.s32 $_scs_section_size  }
0x9b: {  	s6 =	simm.s32 $_size__tile_overlayer_lowered;
	s7 =	simm.s32 $_tile_overlayer_lowered  }
0x9c: {  	s22 =	simm.s32 $0x1BFF;
	s21 =	sshll.u32 s7, $0x1;
	s4 =	sadd.s32 s5, s19  }
0x9d: {  	s8 =	simm.s32 $0x0;
	s20 =	sshll.u32 s6, $0x1;
	s6 =	sadd.s32 s21, s4  }
0x9e: {  	[timem:s8], [sflag:s22] =	dma.local [hbm:s6], s20  }
0x9f: {  	_ =	swait.ge [sflag:s22], s20  }
0xa0: {  	s5 =	ssub.s32 $0x0, s20;
	[sflag:s22] =	ssyncset.done $0x0  }
0xa1: {  	[sflag:s22] =	ssyncadd.s32 s5;
	_ =	sdelay $0x1  }
0xa2: {  	s23 =	simm.s32 $0x1B8B  }
0xa3: {  	_ =	swait.ge [sflag:s23], $0x1  }
0xa4: {  	[sflag:s23] =	ssyncset.done $0x0  }
0xa5: {  	s25 =	simm.s32 $0x1B8E;
	s24 =	sld [smem:$0x3FFE];
	[sflag:s23] =	ssyncadd.s32 $0xFFFFFFFF  }
0xa6: {  	s26 =	simm.s32 $execute0_lowered;
	[smem:$0x3FD2] =	sst s25  }
0xa7: {  	s6 =	sshll.u32 s26, $0x1;
	_ =	strace $0x80000046;
	[dreg:$0x1] =	wrdreg $0xFFFFFFFF  }
0xa8: {  	s28 =	simm.s32 $_size_execute0_lowered;
	s4 =	sadd.s32 s4, s6;
	[dreg:$0x0] =	wrdreg $0x0  }
0xa9: {  	s6 =	sshll.u32 s28, $0x1;
	[dreg:$0x2] =	wrdreg s4  }
0xaa: {  	[dreg:$0x3] =	wrdreg s6  }
0xab: {  	[dreg:$0x4] =	wrdreg $0xC0  }
0xac: {  	_ =	task [dreg:s8], $0x5FFFF  }
0xad: {  	[dreg:$0x1] =	wrdreg $0xFFFFFFFF  }
0xae: {  	[dreg:$0x0] =	wrdreg $0x60  }
0xaf: {  	[dreg:$0x2] =	wrdreg s2  }
0xb0: {  	[dreg:$0x3] =	wrdreg s24  }
0xb1: {  	[dreg:$0x4] =	wrdreg s18  }
0xb2: {  	[dreg:$0x5] =	wrdreg $0x83000  }
0xb3: {  	[dreg:$0x6] =	wrdreg $0x9  }
0xb4: {  	_ =	task.clear_ibuf [dreg:s8], $0x7FFFF;
	_ =	strace $0x90000046  }
0xb5: {  	s29 =	simm.s32 $0x9;
	_ =	strace $0x80000048  }
0xb6: {  	_ =	swait.ge [sflag:s29], $0x1  }
0xb7: {  	[sflag:s29] =	ssyncadd.s32 $0xFFFFFFFF  }
0xb8: {  	_ =	strace $0x90000048  }
0xb9: {  	_ =	sfence  }
0xba: {  	s30 =	sld [smem:$0x0];
	_ =	sdelay $0x2  }
0xbb: {  	s31 =	sshll.u32 s1, $0xD;
	s1 =	sshrl.u32 s1, $0x2  }
0xbc: {  	s3 =	sand.u32 $0x4000, s31;
	s1 =	sadd.s32 s1, s30  }
0xbd: {  	s0 =	sor.u32 s3, s0;
	s1 =	sshll.u32 s1, $0x11  }
0xbe: {  	s0 =	sor.u32 s1, s0  }
0xbf: {  	s0 =	sadd.s32 $0x8F2B, s0  }
0xc0: {  	[sflag:s0] =	ssyncadd.remote.s32 $0x1  }
0xc1: {  	_ =	sfence.sel $0xFFFF  }
0xc2: {  	[dreg:$0x0] =	wrdreg $0xFFFFFFFF;
	(pc) =	sbr.abs _section_cstart, $3  }
0xc3: {  	[dreg:$0x1] =	wrdreg $0xFFFFFFFF  }
0xc4: {  	_ =	task.clear_ibuf [dreg:s8], $0x2FFFF;
	_ =	strace $0x9FFFFFFF  }
0xc5: {  	(tm) =	ssettm $0x7FFFFFFF  }
tec
execute0_lowered:
.L_overlay_start_1:
0x0: {  	(tag) =	ssettag $0x1  }
0x1: {  	s1 =	rddreg [dreg:$0x0]  }
0x2: {  	s0 =	rddreg [dreg:$0x1]  }
0x3: {  	s11 =	rddreg [dreg:$0x2]  }
0x4: {  	s2 =	rddreg [dreg:$0x3]  }
0x5: {  	s3 =	srdreg.scid;
	s4 =	simm.s32 $0x0;
	s22 =	stileid.u32  }
0x6: {  	s18 =	simm.s32 $0x300;
	s19 =	simm.s32 $0x100;
	s20 =	simm.s32 $0x3  }
0x7: {  	s21 =	simm.s32 $0x200;
	s28 =	simm.s32 $0x1;
	s29 =	simm.s32 $0x6  }
0x8: {  	s30 =	simm.s32 $0x0;
	s8 =	sand.u32 $0x1, s3;
	s9 =	smul.u32 $0x14000, s22  }
0x9: {  	[smem:$0x7FF] =	sst s4;
	s12 =	sadd.s32 $0x3A00, s0;
	s23 =	smul.u32 $0x50000, s22  }
0xa: {  	s5 =	sadd.s32 $0x18200, s0;
	s6 =	sadd.s32 $0x17C00, s0;
	s17 =	smul.u32 $0xA00, s22  }
0xb: {  	s25 =	sshll.u32 s22, $0x6;
	s7 =	smul.u32 $0x140000, s8;
	_ =	strace $0x80000047  }
0xc: {  	s10 =	sshll.u32 s8, $0x4;
	s24 =	ssub.s32 $0x2, s8;
	s26 =	smul.u32 $0xA000, s8  }
0xd: {  	s8 =	sor.u32 $0x1C07, s25;
	s25 =	simm.s32 $0x280;
	s10 =	sor.u32 s22, s10  }
0xe: {  	s13 =	sshrl.u32 s24, $0x1;
	s22 =	simm.s32 $0x2;
	s7 =	sadd.s32 s9, s7  }
0xf: {  	s9 =	sshrl.u32 s23, $0x2;
	s14 =	smul.u32 $0xA00, s10;
	s13 =	ssub.s32 s24, s13  }
0x10: {  	s16 =	smul.u32 $0x500, s10;
	s31 =	sadd.s32 s26, s12;
	s23 =	simm.s32 $0x4300  }
0x11: {  	s24 =	simm.s32 $0x4;
	s26 =	simm.s32 $0x5;
	s7 =	sshrl.u32 s7, $0x3  }
0x12: {  	s15 =	sadd.s32 s9, s2;
	s0 =	sadd.s32 s7, s0;
	s7 =	sadd.s32 s12, s14  }
0x13: {  	s11 =	sadd.s32 s11, s16;
	s12 =	smax.u32 s13, $0x1;
	s13 =	sadd.s32 s17, s31  }
0x14: {  	v0 =	vlaneseq.u32;
	s14 =	sshrl.u32 s15, $0x3;
	s15 =	simm.s32 $0x7;
	s16 =	simm.s32 $0x1C300  }
0x15: {  	v0 =	vor.u32 $0x2710, v0;
	s17 =	simm.s32 $0x80;
	s9 =	sadd.s32 $0x20, s7;
	s10 =	sadd.s32 $0x1AA00, s0  }
.LBB2_1:
0x16: {  	[spmem:s14], [sflag:s8] =	dma.local [hbm:s5], $0x2800  }
0x17: {  	_ =	swait.ge [sflag:s15], $0x2800  }
0x18: {  	[sflag:s15] =	ssyncset.done $0x0  }
0x19: {  	[sflag:s15] =	ssyncadd.s32 $0xFFFFD800  }
0x1a: {  	[tilespmem:s16], [sflag:$0x7] =	stream.linear.gather [hbm4b:s6+s4], $0x2800, $0x38;
	[tilespmem:$0x1EB00] =	vst v63  }
0x1b: {  	_ =	swait.ge [sflag:s15], $0x2800  }
0x1c: {  	[sflag:s15] =	ssyncset.done $0x0  }
0x1d: {  	[sflag:s15] =	ssyncadd.s32 $0xFFFFD800  }
0x1e: {  	[bflag:$0x0] =	sbarrier.arrive $0xFFFF  }
0x1f: {  	[tilespmem:s4], [sflag:$0x7] =	stream.linear.gather [hbm4b:s7+s4], $0x100, $0x38;
	[tilespmem:$0x1EB00] =	vst v63  }
0x20: {  	_ =	swait.ge [sflag:s15], $0x100  }
0x21: {  	[sflag:s15] =	ssyncset.done $0x0  }
0x22: {  	[sflag:s15] =	ssyncadd.s32 $0xFFFFFF00  }
0x23: {  	v1 =	vld [tilespmem:$0x0]  }
0x24: {  	v2 =	vld [tilespmem:$0x80]  }
0x25: {  	v3 =	vld [tilespmem:$0x10]  }
0x26: {  	v4 =	vld [tilespmem:$0x90]  }
0x27: {  	v5 =	vld [tilespmem:$0x20]  }
0x28: {  	v6 =	vld [tilespmem:$0xA0]  }
0x29: {  	v7 =	vld [tilespmem:$0x30]  }
0x2a: {  	v8 =	vld [tilespmem:$0xB0]  }
0x2b: {  	v9 =	vld [tilespmem:$0x40]  }
0x2c: {  	v10 =	vld [tilespmem:$0xC0]  }
0x2d: {  	v11 =	vld [tilespmem:$0x50]  }
0x2e: {  	v12 =	vld [tilespmem:$0xD0]  }
0x2f: {  	v13 =	vld [tilespmem:$0x60]  }
0x30: {  	v63 =	vld [tilespmem:$0xF0];
	vm0 =	veq.s32 v1, v2  }
0x31: {  	v1 =	vld [tilespmem:$0xE0];
	vm9 =	veq.s32 v3, v4;
	v2 =	vsel vm0, v0, v2  }
0x32: {  	v3 =	vld [tilespmem:$0x70];
	vm10 =	veq.s32 v5, v6;
	[tilespmem:$0x200] =	vst v2;
	v2 =	vsel vm9, v0, v4  }
0x33: {  	vm11 =	veq.s32 v7, v8;
	[tilespmem:$0x210] =	vst v2;
	v2 =	vsel vm10, v0, v6  }
0x34: {  	vm12 =	veq.s32 v9, v10;
	[tilespmem:$0x220] =	vst v2;
	v2 =	vsel vm11, v0, v8  }
0x35: {  	vm13 =	veq.s32 v11, v12;
	[tilespmem:$0x230] =	vst v2;
	v2 =	vsel vm12, v0, v10  }
0x36: {  	vm14 =	veq.s32 v13, v1;
	[tilespmem:$0x240] =	vst v2;
	v2 =	vsel vm13, v0, v12  }
0x37: {  	vm15 =	veq.s32 v3, v63;
	v1 =	vsel vm14, v0, v1;
	[tilespmem:$0x250] =	vst v2  }
0x38: {  	[tilespmem:$0x260] =	vst v1;
	v1 =	vsel vm15, v0, v63  }
0x39: {  	[tilespmem:$0x270] =	vst v1  }
0x3a: {  	[tilespmem:s18], [sflag:$0x3] =	stream.indirect.gather [hbm4b:s1+s17], $0x80, s4, s17, $0xb8;
	[tilespmem:$0x1EB00] =	vst v63  }
0x3b: {  	s31 =	simm.s32 $0xFFFFF600  }
0x3c: {  	[tilespmem:s19], [sflag:$0x2] =	stream.linear.gather [hbm4b:s9+s4], $0x100, $0x38;
	[tilespmem:$0x1EB00] =	vst v63  }
.LBB2_2:
0x3d: {  	v1 =	vld [tilespmem:$0x0]  }
0x3e: {  	v2 =	vld [tilespmem:$0x80];
	_ =	sdelay $0x4  }
0x3f: {  	vm0 =	vne.s32 v1, v2  }
0x40: {  	(xrf1) =	vunique.msk.u32 vm0, v2;
	_ =	sdelay $0xd  }
0x41: {  	_, v1, vm0 =	vpop (xrf1);
	_ =	sdelay $0x5  }
0x42: {  	[tilespmem:v2+s16+$0x0] =	vst.idx.add.s32.msk vm0, v1  }
0x43: {  	v1 =	vld [tilespmem:$0x10]  }
0x44: {  	v2 =	vld [tilespmem:$0x90];
	_ =	sdelay $0x4  }
0x45: {  	vm9 =	vne.s32 v1, v2  }
0x46: {  	(xrf1) =	vunique.msk.u32 vm9, v2;
	_ =	sdelay $0xd  }
0x47: {  	_, v1, vm0 =	vpop (xrf1);
	_ =	sdelay $0x5  }
0x48: {  	[tilespmem:v2+s16+$0x0] =	vst.idx.add.s32.msk vm0, v1  }
0x49: {  	v1 =	vld [tilespmem:$0x20]  }
0x4a: {  	v2 =	vld [tilespmem:$0xA0];
	_ =	sdelay $0x4  }
0x4b: {  	vm10 =	vne.s32 v1, v2  }
0x4c: {  	(xrf1) =	vunique.msk.u32 vm10, v2;
	_ =	sdelay $0xd  }
0x4d: {  	_, v1, vm0 =	vpop (xrf1);
	_ =	sdelay $0x5  }
0x4e: {  	[tilespmem:v2+s16+$0x0] =	vst.idx.add.s32.msk vm0, v1  }
0x4f: {  	v1 =	vld [tilespmem:$0x30]  }
0x50: {  	v2 =	vld [tilespmem:$0xB0];
	_ =	sdelay $0x4  }
0x51: {  	vm11 =	vne.s32 v1, v2  }
0x52: {  	(xrf1) =	vunique.msk.u32 vm11, v2;
	_ =	sdelay $0xd  }
0x53: {  	_, v1, vm0 =	vpop (xrf1);
	_ =	sdelay $0x5  }
0x54: {  	[tilespmem:v2+s16+$0x0] =	vst.idx.add.s32.msk vm0, v1  }
0x55: {  	v1 =	vld [tilespmem:$0x40]  }
0x56: {  	v2 =	vld [tilespmem:$0xC0];
	_ =	sdelay $0x4  }
0x57: {  	vm12 =	vne.s32 v1, v2  }
0x58: {  	(xrf1) =	vunique.msk.u32 vm12, v2;
	_ =	sdelay $0xd  }
0x59: {  	_, v1, vm0 =	vpop (xrf1);
	_ =	sdelay $0x5  }
0x5a: {  	[tilespmem:v2+s16+$0x0] =	vst.idx.add.s32.msk vm0, v1  }
0x5b: {  	v1 =	vld [tilespmem:$0x50]  }
0x5c: {  	v2 =	vld [tilespmem:$0xD0];
	_ =	sdelay $0x4  }
0x5d: {  	vm13 =	vne.s32 v1, v2  }
0x5e: {  	(xrf1) =	vunique.msk.u32 vm13, v2;
	_ =	sdelay $0xd  }
0x5f: {  	_, v1, vm0 =	vpop (xrf1);
	_ =	sdelay $0x5  }
0x60: {  	[tilespmem:v2+s16+$0x0] =	vst.idx.add.s32.msk vm0, v1  }
0x61: {  	v1 =	vld [tilespmem:$0x60]  }
0x62: {  	v2 =	vld [tilespmem:$0xE0];
	_ =	sdelay $0x4  }
0x63: {  	vm14 =	vne.s32 v1, v2  }
0x64: {  	(xrf1) =	vunique.msk.u32 vm14, v2;
	_ =	sdelay $0xd  }
0x65: {  	_, v1, vm0 =	vpop (xrf1);
	_ =	sdelay $0x5  }
0x66: {  	[tilespmem:v2+s16+$0x0] =	vst.idx.add.s32.msk vm0, v1  }
0x67: {  	v1 =	vld [tilespmem:$0x70]  }
0x68: {  	v2 =	vld [tilespmem:$0xF0];
	_ =	sdelay $0x4  }
0x69: {  	vm15 =	vne.s32 v1, v2  }
0x6a: {  	(xrf1) =	vunique.msk.u32 vm15, v2;
	_ =	sdelay $0xd  }
0x6b: {  	_, v1, vm0 =	vpop (xrf1);
	_ =	sdelay $0x5  }
0x6c: {  	[tilespmem:v2+s16+$0x0] =	vst.idx.add.s32.msk vm0, v1  }
0x6d: {  	_ =	swait.ge [sflag:s20], $0x4000  }
0x6e: {  	p0 =	seq.s32 s31, $0xFFFFF600;
	[sflag:s20] =	ssyncset.done $0x0  }
0x6f: {  	s0 =	simm.s32 @!p0 $0x6;
	[sflag:s20] =	ssyncadd.s32 $0xFFFFC000  }
0x70: {  	[spmem:s2] =	stream.indirect.scatter.add.f32 [tilespmem:s18], [sflag:$0x5], $0x80, s21, s17, $0xb8;
	[tilespmem:$0x1EB00] =	vst v63  }
0x71: {  	_ =	swait.ge @!p0 [sflag:s0], $0x4000  }
0x72: {  	[sflag:s0] =	ssyncset.done @!p0 $0x0  }
0x73: {  	[sflag:s0] =	ssyncadd.s32 @!p0 $0xFFFFC000  }
0x74: {  	_ =	swait.ge [sflag:s22], $0x100  }
0x75: {  	[sflag:s22] =	ssyncset.done $0x0  }
0x76: {  	[sflag:s22] =	ssyncadd.s32 $0xFFFFFF00  }
0x77: {  	v1 =	vld [tilespmem:$0x100]  }
0x78: {  	v2 =	vld [tilespmem:$0x180]  }
0x79: {  	v3 =	vld [tilespmem:$0x110]  }
0x7a: {  	v4 =	vld [tilespmem:$0x190]  }
0x7b: {  	v5 =	vld [tilespmem:$0x120]  }
0x7c: {  	v6 =	vld [tilespmem:$0x1A0]  }
0x7d: {  	v7 =	vld [tilespmem:$0x130]  }
0x7e: {  	v8 =	vld [tilespmem:$0x1B0]  }
0x7f: {  	v9 =	vld [tilespmem:$0x140]  }
0x80: {  	v10 =	vld [tilespmem:$0x1C0]  }
0x81: {  	v11 =	vld [tilespmem:$0x150]  }
0x82: {  	v12 =	vld [tilespmem:$0x1D0]  }
0x83: {  	v13 =	vld [tilespmem:$0x160]  }
0x84: {  	v52 =	vld [tilespmem:$0x1F0];
	vm4 =	veq.s32 v1, v2  }
0x85: {  	v1 =	vld [tilespmem:$0x1E0];
	vm5 =	veq.s32 v3, v4;
	v2 =	vsel vm4, v0, v2  }
0x86: {  	v3 =	vld [tilespmem:$0x170];
	vm6 =	veq.s32 v5, v6;
	[tilespmem:$0x280] =	vst v2;
	v2 =	vsel vm5, v0, v4  }
0x87: {  	vm7 =	veq.s32 v7, v8;
	[tilespmem:$0x290] =	vst v2;
	v2 =	vsel vm6, v0, v6  }
0x88: {  	vm8 =	veq.s32 v9, v10;
	[tilespmem:$0x2A0] =	vst v2;
	v2 =	vsel vm7, v0, v8  }
0x89: {  	vm9 =	veq.s32 v11, v12;
	[tilespmem:$0x2B0] =	vst v2;
	v2 =	vsel vm8, v0, v10  }
0x8a: {  	vm10 =	veq.s32 v13, v1;
	[tilespmem:$0x2C0] =	vst v2;
	v2 =	vsel vm9, v0, v12  }
0x8b: {  	vm11 =	veq.s32 v3, v52;
	v1 =	vsel vm10, v0, v1;
	[tilespmem:$0x2D0] =	vst v2  }
0x8c: {  	[tilespmem:$0x2E0] =	vst v1;
	v1 =	vsel vm11, v0, v52  }
0x8d: {  	s0 =	sadd.s32 s31, s13;
	[tilespmem:$0x2F0] =	vst v1  }
0x8e: {  	[tilespmem:s23], [sflag:$0x4] =	stream.indirect.gather [hbm4b:s1+s17], $0x80, s19, s17, $0xb8;
	[tilespmem:$0x1EB00] =	vst v63  }
0x8f: {  	s3 =	sadd.s32 $0xA40, s0  }
0x90: {  	[tilespmem:s4], [sflag:$0x1] =	stream.linear.gather [hbm4b:s3+s4], $0x100, $0x38;
	[tilespmem:$0x1EB00] =	vst v63  }
0x91: {  	v1 =	vld [tilespmem:$0x100]  }
0x92: {  	v2 =	vld [tilespmem:$0x180];
	_ =	sdelay $0x4  }
0x93: {  	vm12 =	vne.s32 v1, v2  }
0x94: {  	(xrf1) =	vunique.msk.u32 vm12, v2;
	_ =	sdelay $0xd  }
0x95: {  	_, v1, vm0 =	vpop (xrf1);
	_ =	sdelay $0x5  }
0x96: {  	[tilespmem:v2+s16+$0x0] =	vst.idx.add.s32.msk vm0, v1  }
0x97: {  	v1 =	vld [tilespmem:$0x110]  }
0x98: {  	v2 =	vld [tilespmem:$0x190];
	_ =	sdelay $0x4  }
0x99: {  	vm13 =	vne.s32 v1, v2  }
0x9a: {  	(xrf1) =	vunique.msk.u32 vm13, v2;
	_ =	sdelay $0xd  }
0x9b: {  	_, v1, vm0 =	vpop (xrf1);
	_ =	sdelay $0x5  }
0x9c: {  	[tilespmem:v2+s16+$0x0] =	vst.idx.add.s32.msk vm0, v1  }
0x9d: {  	v1 =	vld [tilespmem:$0x120]  }
0x9e: {  	v2 =	vld [tilespmem:$0x1A0];
	_ =	sdelay $0x4  }
0x9f: {  	vm14 =	vne.s32 v1, v2  }
0xa0: {  	(xrf1) =	vunique.msk.u32 vm14, v2;
	_ =	sdelay $0xd  }
0xa1: {  	_, v1, vm0 =	vpop (xrf1);
	_ =	sdelay $0x5  }
0xa2: {  	[tilespmem:v2+s16+$0x0] =	vst.idx.add.s32.msk vm0, v1  }
0xa3: {  	v1 =	vld [tilespmem:$0x130]  }
0xa4: {  	v2 =	vld [tilespmem:$0x1B0];
	_ =	sdelay $0x4  }
0xa5: {  	vm15 =	vne.s32 v1, v2  }
0xa6: {  	(xrf1) =	vunique.msk.u32 vm15, v2;
	_ =	sdelay $0xd  }
0xa7: {  	_, v1, vm0 =	vpop (xrf1);
	_ =	sdelay $0x5  }
0xa8: {  	[tilespmem:v2+s16+$0x0] =	vst.idx.add.s32.msk vm0, v1  }
0xa9: {  	v1 =	vld [tilespmem:$0x140]  }
0xaa: {  	v2 =	vld [tilespmem:$0x1C0];
	_ =	sdelay $0x4  }
0xab: {  	vm4 =	vne.s32 v1, v2  }
0xac: {  	(xrf1) =	vunique.msk.u32 vm4, v2;
	_ =	sdelay $0xd  }
0xad: {  	_, v1, vm0 =	vpop (xrf1);
	_ =	sdelay $0x5  }
0xae: {  	[tilespmem:v2+s16+$0x0] =	vst.idx.add.s32.msk vm0, v1  }
0xaf: {  	v1 =	vld [tilespmem:$0x150]  }
0xb0: {  	v2 =	vld [tilespmem:$0x1D0];
	_ =	sdelay $0x4  }
0xb1: {  	vm5 =	vne.s32 v1, v2  }
0xb2: {  	(xrf1) =	vunique.msk.u32 vm5, v2;
	_ =	sdelay $0xd  }
0xb3: {  	_, v1, vm0 =	vpop (xrf1);
	_ =	sdelay $0x5  }
0xb4: {  	[tilespmem:v2+s16+$0x0] =	vst.idx.add.s32.msk vm0, v1  }
0xb5: {  	v1 =	vld [tilespmem:$0x160]  }
0xb6: {  	v2 =	vld [tilespmem:$0x1E0];
	_ =	sdelay $0x4  }
0xb7: {  	vm6 =	vne.s32 v1, v2  }
0xb8: {  	(xrf1) =	vunique.msk.u32 vm6, v2;
	_ =	sdelay $0xd  }
0xb9: {  	_, v1, vm0 =	vpop (xrf1);
	_ =	sdelay $0x5  }
0xba: {  	[tilespmem:v2+s16+$0x0] =	vst.idx.add.s32.msk vm0, v1  }
0xbb: {  	v1 =	vld [tilespmem:$0x170]  }
0xbc: {  	v2 =	vld [tilespmem:$0x1F0];
	_ =	sdelay $0x4  }
0xbd: {  	vm7 =	vne.s32 v1, v2  }
0xbe: {  	(xrf1) =	vunique.msk.u32 vm7, v2;
	_ =	sdelay $0xd  }
0xbf: {  	_, v1, vm0 =	vpop (xrf1);
	_ =	sdelay $0x5  }
0xc0: {  	[tilespmem:v2+s16+$0x0] =	vst.idx.add.s32.msk vm0, v1  }
0xc1: {  	_ =	swait.ge [sflag:s24], $0x4000  }
0xc2: {  	[sflag:s24] =	ssyncset.done $0x0  }
0xc3: {  	[sflag:s24] =	ssyncadd.s32 $0xFFFFC000  }
0xc4: {  	[spmem:s2] =	stream.indirect.scatter.add.f32 [tilespmem:s23], [sflag:$0x6], $0x80, s25, s17, $0xb8;
	[tilespmem:$0x1EB00] =	vst v63  }
0xc5: {  	_ =	swait.ge [sflag:s26], $0x4000  }
0xc6: {  	[sflag:s26] =	ssyncset.done $0x0  }
0xc7: {  	[sflag:s26] =	ssyncadd.s32 $0xFFFFC000  }
0xc8: {  	_ =	swait.ge [sflag:s28], $0x100  }
0xc9: {  	[sflag:s28] =	ssyncset.done $0x0  }
0xca: {  	[sflag:s28] =	ssyncadd.s32 $0xFFFFFF00  }
0xcb: {  	v1 =	vld [tilespmem:$0x0]  }
0xcc: {  	v2 =	vld [tilespmem:$0x80]  }
0xcd: {  	v3 =	vld [tilespmem:$0x10]  }
0xce: {  	v53 =	vld [tilespmem:$0x90]  }
0xcf: {  	v54 =	vld [tilespmem:$0x20]  }
0xd0: {  	v55 =	vld [tilespmem:$0xA0]  }
0xd1: {  	v56 =	vld [tilespmem:$0x30]  }
0xd2: {  	v57 =	vld [tilespmem:$0xB0]  }
0xd3: {  	v58 =	vld [tilespmem:$0x40]  }
0xd4: {  	v59 =	vld [tilespmem:$0xC0]  }
0xd5: {  	v60 =	vld [tilespmem:$0x50]  }
0xd6: {  	v61 =	vld [tilespmem:$0xD0]  }
0xd7: {  	v62 =	vld [tilespmem:$0x60]  }
0xd8: {  	v63 =	vld [tilespmem:$0xF0];
	vm8 =	veq.s32 v1, v2  }
0xd9: {  	v1 =	vld [tilespmem:$0xE0];
	vm9 =	veq.s32 v3, v53;
	v2 =	vsel vm8, v0, v2  }
0xda: {  	v3 =	vld [tilespmem:$0x70];
	vm10 =	veq.s32 v54, v55;
	[tilespmem:$0x200] =	vst v2;
	v2 =	vsel vm9, v0, v53  }
0xdb: {  	vm11 =	veq.s32 v56, v57;
	[tilespmem:$0x210] =	vst v2;
	v2 =	vsel vm10, v0, v55  }
0xdc: {  	vm12 =	veq.s32 v58, v59;
	[tilespmem:$0x220] =	vst v2;
	v2 =	vsel vm11, v0, v57  }
0xdd: {  	vm13 =	veq.s32 v60, v61;
	[tilespmem:$0x230] =	vst v2;
	v2 =	vsel vm12, v0, v59  }
0xde: {  	s31 =	sadd.s32 $0x40, s31;
	vm14 =	veq.s32 v62, v1;
	[tilespmem:$0x240] =	vst v2;
	v2 =	vsel vm13, v0, v61  }
0xdf: {  	p0 =	sne.s32 s31, $0x0;
	vm15 =	veq.s32 v3, v63;
	v1 =	vsel vm14, v0, v1;
	[tilespmem:$0x250] =	vst v2  }
.Ltmp0:
0xe0: {  	[tilespmem:$0x260] =	vst v1;
	v1 =	vsel vm15, v0, v63;
	(pc) =	sbr.rel @p0 .LBB2_2-.Ltmp0, $4  }
0xe1: {  	[tilespmem:$0x270] =	vst v1  }
0xe2: {  	[tilespmem:s18], [sflag:$0x3] =	stream.indirect.gather [hbm4b:s1+s17], $0x80, s4, s17, $0xb8;
	[tilespmem:$0x1EB00] =	vst v63  }
0xe3: {  	s0 =	sadd.s32 $0xA60, s0  }
0xe4: {  	[tilespmem:s19], [sflag:$0x2] =	stream.linear.gather [hbm4b:s0+s4], $0x100, $0x38;
	[tilespmem:$0x1EB00] =	vst v63  }
0xe5: {  	_ =	swait.ge [sflag:s29], $0x4000  }
0xe6: {  	[sflag:s29] =	ssyncset.done $0x0  }
0xe7: {  	[sflag:s29] =	ssyncadd.s32 $0xFFFFC000  }
0xe8: {  	_ =	swait.ge [sflag:s20], $0x4000  }
0xe9: {  	[sflag:s20] =	ssyncset.done $0x0  }
0xea: {  	[sflag:s20] =	ssyncadd.s32 $0xFFFFC000  }
0xeb: {  	_ =	swait.ge [sflag:s22], $0x100  }
0xec: {  	[sflag:s22] =	ssyncset.done $0x0  }
0xed: {  	[sflag:s22] =	ssyncadd.s32 $0xFFFFFF00  }
0xee: {  	[bflag:$0x0] =	sbarrier.arrive $0xFFFF  }
0xef: {  	[hbm:s10], [sflag:s8] =	dma.local [spmem:s14], $0x2800  }
0xf0: {  	s30 =	sadd.s32 $0x1, s30;
	_ =	swait.ge [sflag:s15], $0x2800  }
0xf1: {  	p0 =	sne.s32 s30, s12;
	[sflag:s15] =	ssyncset.done $0x0  }
.Ltmp1:
0xf2: {  	[sflag:s15] =	ssyncadd.s32 $0xFFFFD800;
	(pc) =	sbr.rel @p0 .LBB2_1-.Ltmp1, $4  }
0xf3: {  	[hbm4b:s11+s4] =	stream.linear.scatter [tilespmem:s16], [sflag:$0x7], $0x2800, $0x38;
	[tilespmem:$0x1EB00] =	vst v63  }
0xf4: {  	_ =	swait.ge [sflag:s15], $0x2800  }
0xf5: {  	[sflag:s15] =	ssyncset.done $0x0  }
0xf6: {  	[sflag:s15] =	ssyncadd.s32 $0xFFFFD800  }
0xf7: {  	_ =	sfence.sel $0x180000  }
0xf8: {  	[bflag:$0x0] =	sbarrier.arrive $0xFFFF  }
0xf9: {  	_ =	strace $0x90000047  }
0xfa: {  	s0 =	stileid.u32;
	[bflag:$0x2] =	sbarrier.arrive $0xFFFF  }
0xfb: {  	p0 =	sne.s32 s0, $0x0;
	s0 =	rddreg [dreg:$0x4]  }
0xfc: {  	s0 =	sadd.s32 @!p0 $0x100000, s0  }
0xfd: {  	[sflag:s0] =	ssyncadd.tile.s32 @!p0 $0x1;
	_ =	shalt  }
.Lfunc_end2:
_tile_overlayer_lowered:
.L_overlay_start_2:
0xfe: {  	(tag) =	ssettag $0x2  }
0xff: {  	s0 =	rddreg [dreg:$0x0];
	s2 =	stileid.u32  }
0x100: {  	s1 =	rddreg [dreg:$0x1];
	p0 =	sne.s32 s2, $0x0  }
0x101: {  	s3 =	rddreg [dreg:$0x2];
	[bflag:$0x3] =	sbarrier.arrive $0xFFFF;
	s2 =	simm.s32 @!p0 $0x1C07  }
0x102: {  	[timem:s3], [sflag:s2] =	dma.local @!p0 [hbm:s0], s1  }
0x103: {  	s0 =	simm.s32 @!p0 $0x7  }
0x104: {  	_ =	swait.ge @!p0 [sflag:s0], s1  }
0x105: {  	s1 =	ssub.s32 @!p0 $0x0, s1;
	[sflag:s0] =	ssyncset.done @!p0 $0x0  }
0x106: {  	[sflag:s0] =	ssyncadd.s32 @!p0 s1  }
0x107: {  	[bflag:$0x3] =	sbarrier.arrive $0xFFFF  }
0x108: {  	_ =	shalt  }

// kernel: kernel.9.cloned.1.call-start
scs
__scs_entry_jumppad:
0x0: {  	(pc) =	sbr.rel $0x88, $3  }
0x1: {  	(tag) =	ssettag $0x0;
	lr =	simm.s32 $0x1  }
0x2: {  	[smem:$0x3F93] =	sst lr;
	_ =	strace $0xD0000000  }
0x3: {  	_ = 	snop  }
0x4: {  	_ = 	snop  }
0x5: {  	_ = 	snop  }
0x6: {  	_ = 	snop  }
0x7: {  	_ = 	snop  }
__scs_overlays_trampoline_lowered:
0x8: {  	[smem:$0x3FA2] =	sst s0  }
0x9: {  	[smem:$0x3FA3] =	sst s1  }
0xa: {  	[smem:$0x3FA4] =	sst s2  }
0xb: {  	[smem:$0x3FA5] =	sst s3  }
0xc: {  	[smem:$0x3FA6] =	sst s4  }
0xd: {  	[smem:$0x3FA7] =	sst s5  }
0xe: {  	[smem:$0x3FA8] =	sst s6  }
0xf: {  	[smem:$0x3FA9] =	sst s7  }
0x10: {  	[smem:$0x3FAA] =	sst s8  }
0x11: {  	[smem:$0x3FAB] =	sst s9;
	s0 =	simm.s32 @!p0 $0x0  }
0x12: {  	s1 =	sld [smem:$0x3F91];
	s0 =	simm.s32 @p0 $0x1  }
0x13: {  	[smem:$0x3FAC] =	sst s0;
	s0 =	simm.s32 @!p1 $0x0  }
0x14: {  	s2 =	sld [smem:$0x3F90];
	s0 =	simm.s32 @p1 $0x1  }
0x15: {  	[smem:$0x3FAD] =	sst s0;
	s0 =	simm.s32 @!p2 $0x0  }
0x16: {  	s3 =	sld [smem:$0x3FDB];
	s0 =	simm.s32 @p2 $0x1  }
0x17: {  	s4 =	simm.s32 $0x1BF5;
	[smem:$0x3FAF] =	sst s0  }
0x18: {  	s0 =	sld [smem:$0x3F92];
	_ =	swait.ge [sflag:s4], $0x0  }
0x19: {  	s7 =	sld [smem:$0x3F93]  }
0x1a: {  	s8 =	sadd.s32 $0xFFFFE003, lr  }
0x1b: {  	s9 =	sadd.s32 $0xFFFFFEF7, lr;
	s5 =	simm.s32 $0xFFFFFFFF;
	p2 =	slt.u32 s8, $0xFFFFF086  }
0x1c: {  	p1 =	slt.u32 s9, $0xF7A;
	s5 =	simm.s32 @!p2 $0x0  }
0x1d: {  	s5 =	simm.s32 @p1 $0x1;
	p0 =	seq.s32 s7, s2  }
0x1e: {  	s7 =	smul.u32 @!p0 $0xF7A, s2;
	p2 =	seq.s32 @!p0 s5, $0x0  }
0x1f: {  	s9 =	smul.u32 $0xF7A, s1;
	s8 =	simm.s32 @!p0 $0x1BF5;
	p2 =	por !p2, p0  }
0x20: {  	[sflag:s8] =	ssyncset.s32 @!p0 $0xFFFFF086;
	s6 =	sadd.s32 @!p0 s3, s7;
	s7 =	simm.s32 @!p0 $0x108  }
0x21: {  	s3 =	sadd.s32 s3, s9;
	s6 =	sadd.s32 @!p0 $0x88, s6;
	s7 =	simm.s32 @p2 $0x1082  }
0x22: {  	[simem:s7], [sflag:s8] =	dma.local @!p0 [hbm:s6], $0xF7A  }
0x23: {  	s9 =	sor.u32 $0xD0000000, s2;
	s6 =	simm.s32 $0x108;
	_ =	swait.ge @!p0 [sflag:s8], $0x0  }
0x24: {  	s3 =	sadd.s32 $0x88, s3;
	s6 =	simm.s32 @!p1 $0x1082;
	[sflag:s4] =	ssyncset.s32 $0xFFFFF086  }
0x25: {  	[simem:s6], [sflag:s4] =	dma.local [hbm:s3], $0xF7A  }
0x26: {  	[smem:$0x3F93] =	sst s1;
	(tag) =	ssettag s2;
	_ =	strace s9  }
0x27: {  	s1 =	sld [smem:$0x3FA3]  }
0x28: {  	s2 =	sld [smem:$0x3FA4]  }
0x29: {  	s4 =	sld [smem:$0x3FA6]  }
0x2a: {  	p0 =	seq.s32 s5, $0x0;
	s5 =	sld [smem:$0x3FA7]  }
0x2b: {  	s6 =	sld [smem:$0x3FA8]  }
0x2c: {  	s7 =	sld [smem:$0x3FA9]  }
0x2d: {  	s3 =	simm.s32 $0x108;
	s8 =	sld [smem:$0x3FAA]  }
0x2e: {  	s3 =	simm.s32 @!p0 $0x1082;
	s9 =	sld [smem:$0x3FAB]  }
0x2f: {  	lr =	sadd.s32 s0, s3;
	s0 =	sld [smem:$0x3FA2]  }
0x30: {  	s3 =	sld [smem:$0x3FA5]  }
0x31: {  	[smem:$0x3FAE] =	sst s10  }
0x32: {  	s10 =	sld [smem:$0x3FAC];
	_ =	sdelay $0x3  }
0x33: {  	p0 =	seq.s32 s10, $0x1;
	s10 =	sld [smem:$0x3FAE];
	_ =	sdelay $0x3  }
0x34: {  	[smem:$0x3FAE] =	sst s10  }
0x35: {  	s10 =	sld [smem:$0x3FAD];
	_ =	sdelay $0x3  }
0x36: {  	p1 =	seq.s32 s10, $0x1;
	s10 =	sld [smem:$0x3FAE];
	_ =	sdelay $0x3  }
0x37: {  	[smem:$0x3FAE] =	sst s10  }
0x38: {  	s10 =	sld [smem:$0x3FAF]  }
0x39: {  	_ = 	snop;
	(pc) =	sbr.ind lr, $3  }
0x3a: {  	_ = 	snop  }
0x3b: {  	_ = 	snop  }
0x3c: {  	p2 =	seq.s32 s10, $0x1;
	s10 =	sld [smem:$0x3FAE]  }
0x3d: {  	_ =	shalt  }
0x3e: {  	_ =	shalt  }
0x3f: {  	_ =	shalt  }
0x40: {  	_ =	shalt  }
0x41: {  	_ =	shalt  }
0x42: {  	_ =	shalt  }
0x43: {  	_ =	shalt  }
0x44: {  	_ =	shalt  }
0x45: {  	_ =	shalt  }
0x46: {  	_ =	shalt  }
0x47: {  	_ =	shalt  }
0x48: {  	_ =	shalt  }
0x49: {  	_ =	shalt  }
0x4a: {  	_ =	shalt  }
0x4b: {  	_ =	shalt  }
0x4c: {  	_ =	shalt  }
0x4d: {  	_ =	shalt  }
0x4e: {  	_ =	shalt  }
0x4f: {  	_ =	shalt  }
0x50: {  	_ =	shalt  }
0x51: {  	_ =	shalt  }
0x52: {  	_ =	shalt  }
0x53: {  	_ =	shalt  }
0x54: {  	_ =	shalt  }
0x55: {  	_ =	shalt  }
0x56: {  	_ =	shalt  }
0x57: {  	_ =	shalt  }
0x58: {  	_ =	shalt  }
0x59: {  	_ =	shalt  }
0x5a: {  	_ =	shalt  }
0x5b: {  	_ =	shalt  }
0x5c: {  	_ =	shalt  }
0x5d: {  	_ =	shalt  }
0x5e: {  	_ =	shalt  }
0x5f: {  	_ =	shalt  }
0x60: {  	_ =	shalt  }
0x61: {  	_ =	shalt  }
0x62: {  	_ =	shalt  }
0x63: {  	_ =	shalt  }
0x64: {  	_ =	shalt  }
0x65: {  	_ =	shalt  }
0x66: {  	_ =	shalt  }
0x67: {  	_ =	shalt  }
0x68: {  	_ =	shalt  }
0x69: {  	_ =	shalt  }
0x6a: {  	_ =	shalt  }
0x6b: {  	_ =	shalt  }
0x6c: {  	_ =	shalt  }
0x6d: {  	_ =	shalt  }
0x6e: {  	_ =	shalt  }
0x6f: {  	_ =	shalt  }
0x70: {  	_ =	shalt  }
0x71: {  	_ =	shalt  }
0x72: {  	_ =	shalt  }
0x73: {  	_ =	shalt  }
0x74: {  	_ =	shalt  }
0x75: {  	_ =	shalt  }
0x76: {  	_ =	shalt  }
0x77: {  	_ =	shalt  }
0x78: {  	_ =	shalt  }
0x79: {  	_ =	shalt  }
0x7a: {  	_ =	shalt  }
0x7b: {  	_ =	shalt  }
0x7c: {  	_ =	shalt  }
0x7d: {  	_ =	shalt  }
0x7e: {  	_ =	shalt  }
0x7f: {  	_ =	shalt  }
0x80: {  	_ =	shalt  }
0x81: {  	_ =	shalt  }
0x82: {  	_ =	shalt  }
0x83: {  	_ =	shalt  }
0x84: {  	_ =	shalt  }
0x85: {  	_ =	shalt  }
0x86: {  	_ =	shalt  }
0x87: {  	_ =	shalt  }
.Lfunc_end0:
.L_simem_size_0:
called_computation.1_lowered:
.L_overlay_start_0:
0x88: {  	s2 =	sld [smem:$0x3FD9]  }
0x89: {  	s3 =	sld [smem:$0x3FFE];
	_ =	sdelay $0x1  }
0x8a: {  	s1 =	srdreg.scid  }
0x8b: {  	s0 =	sand.u32 $0x1, s1  }
0x8c: {  	s16 =	sshll.u32 s0, $0xA;
	s2 =	sadd.s32 s3, s2  }
0x8d: {  	s2 =	sadd.s32 s2, s16  }
0x8e: {  	[smem:$0x3FBA] =	sst s2  }
0x8f: {  	_ = 	snop  }
0x90: {  	(tm) =	ssettm $0x1  }
0x91: {  	s17 =	sld [smem:$0x3FFB];
	_ =	sdelay $0x3  }
0x92: {  	_ =	strace s17  }
0x93: {  	s2 =	sld [smem:$0x3FFC];
	_ =	sdelay $0x3  }
0x94: {  	_ =	strace s2  }
0x95: {  	s2 =	sld [smem:$0x3FFD];
	_ =	sdelay $0x3  }
0x96: {  	_ =	strace s2  }
0x97: {  	_ =	strace $0x8FFFFFFF  }
0x98: {  	s18 =	sld [smem:$0x3FDB];
	_ =	sdelay $0x1  }
0x99: {  	s19 =	simm.s32 $_scs_section_size  }
0x9a: {  	s4 =	simm.s32 $_size__tile_overlayer_lowered;
	s5 =	simm.s32 $_tile_overlayer_lowered  }
0x9b: {  	s22 =	simm.s32 $0x1BFF;
	s21 =	sshll.u32 s5, $0x1;
	s2 =	sadd.s32 s19, s18  }
0x9c: {  	s6 =	simm.s32 $0x0;
	s20 =	sshll.u32 s4, $0x1;
	s4 =	sadd.s32 s21, s2  }
0x9d: {  	[timem:s6], [sflag:s22] =	dma.local [hbm:s4], s20  }
0x9e: {  	_ =	swait.ge [sflag:s22], s20  }
0x9f: {  	s3 =	ssub.s32 $0x0, s20;
	[sflag:s22] =	ssyncset.done $0x0  }
0xa0: {  	[sflag:s22] =	ssyncadd.s32 s3;
	_ =	sdelay $0x1  }
0xa1: {  	s23 =	simm.s32 $0x1B8B  }
0xa2: {  	_ =	swait.ge [sflag:s23], $0x1  }
0xa3: {  	[sflag:s23] =	ssyncset.done $0x0  }
0xa4: {  	s25 =	simm.s32 $0x1B8E;
	s24 =	sld [smem:$0x3FFE];
	[sflag:s23] =	ssyncadd.s32 $0xFFFFFFFF  }
0xa5: {  	s26 =	simm.s32 $execute0_lowered;
	[smem:$0x3FD2] =	sst s25  }
0xa6: {  	s4 =	sshll.u32 s26, $0x1;
	_ =	strace $0x80000049;
	[dreg:$0x1] =	wrdreg $0xFFFFFFFF  }
0xa7: {  	s28 =	simm.s32 $_size_execute0_lowered;
	s2 =	sadd.s32 s2, s4;
	[dreg:$0x0] =	wrdreg $0x0  }
0xa8: {  	s4 =	sshll.u32 s28, $0x1;
	[dreg:$0x2] =	wrdreg s2  }
0xa9: {  	[dreg:$0x3] =	wrdreg s4  }
0xaa: {  	[dreg:$0x4] =	wrdreg $0xC0  }
0xab: {  	_ =	task [dreg:s6], $0x5FFFF  }
0xac: {  	[dreg:$0x1] =	wrdreg $0xFFFFFFFF  }
0xad: {  	[dreg:$0x0] =	wrdreg $0x60  }
0xae: {  	[dreg:$0x2] =	wrdreg s24  }
0xaf: {  	[dreg:$0x3] =	wrdreg $0x83000  }
0xb0: {  	[dreg:$0x4] =	wrdreg $0x9  }
0xb1: {  	_ =	task.clear_ibuf [dreg:s6], $0x5FFFF;
	_ =	strace $0x90000049  }
0xb2: {  	s29 =	simm.s32 $0x9;
	_ =	strace $0x8000004B  }
0xb3: {  	_ =	swait.ge [sflag:s29], $0x1  }
0xb4: {  	[sflag:s29] =	ssyncadd.s32 $0xFFFFFFFF  }
0xb5: {  	_ =	strace $0x9000004B  }
0xb6: {  	_ =	sfence  }
0xb7: {  	s30 =	sld [smem:$0x0];
	_ =	sdelay $0x2  }
0xb8: {  	s31 =	sshll.u32 s1, $0xD;
	s1 =	sshrl.u32 s1, $0x2  }
0xb9: {  	s3 =	sand.u32 $0x4000, s31;
	s1 =	sadd.s32 s1, s30  }
0xba: {  	s0 =	sor.u32 s3, s0;
	s1 =	sshll.u32 s1, $0x11  }
0xbb: {  	s0 =	sor.u32 s1, s0  }
0xbc: {  	s0 =	sadd.s32 $0x8F2B, s0  }
0xbd: {  	[sflag:s0] =	ssyncadd.remote.s32 $0x1  }
0xbe: {  	_ =	sfence.sel $0xFFFF  }
0xbf: {  	[dreg:$0x0] =	wrdreg $0xFFFFFFFF;
	(pc) =	sbr.abs _section_cstart, $3  }
0xc0: {  	[dreg:$0x1] =	wrdreg $0xFFFFFFFF  }
0xc1: {  	_ =	task.clear_ibuf [dreg:s6], $0x2FFFF;
	_ =	strace $0x9FFFFFFF  }
0xc2: {  	(tm) =	ssettm $0x7FFFFFFF  }
0xc3: {  	_ =	shalt  }
tec
execute0_lowered:
.L_overlay_start_1:
0x0: {  	(tag) =	ssettag $0x1  }
0x1: {  	s6 =	rddreg [dreg:$0x0]  }
0x2: {  	s1 =	rddreg [dreg:$0x1];
	s2 =	srdreg.scid  }
0x3: {  	s0 =	rddreg [dreg:$0x2];
	s3 =	simm.s32 $0x0;
	s16 =	simm.s32 $0x100  }
0x4: {  	s17 =	simm.s32 $0x3;
	s18 =	simm.s32 $0x200;
	s19 =	simm.s32 $0x2  }
0x5: {  	s20 =	simm.s32 $0x4300;
	s21 =	simm.s32 $0x4;
	s22 =	simm.s32 $0x280  }
0x6: {  	s23 =	simm.s32 $0x5;
	s7 =	sand.u32 $0x1, s2;
	s2 =	stileid.u32  }
0x7: {  	s24 =	simm.s32 $0x1;
	[smem:$0x7FF] =	sst s3;
	s8 =	smul.u32 $0x140000, s7  }
0x8: {  	s4 =	sadd.s32 $0x1AA00, s6;
	s10 =	sadd.s32 $0x3A00, s6;
	s9 =	smul.u32 $0x14000, s2  }
0x9: {  	s5 =	sadd.s32 $0x18200, s6;
	_ =	strace $0x8000004A;
	s25 =	smul.u32 $0x50000, s2  }
0xa: {  	s11 =	sshll.u32 s7, $0x4;
	s26 =	ssub.s32 $0x2, s7;
	s30 =	smul.u32 $0xA000, s7  }
0xb: {  	s31 =	sshll.u32 s2, $0x6;
	s14 =	smul.u32 $0xA00, s2;
	s28 =	sor.u32 s2, s11  }
0xc: {  	s29 =	sshrl.u32 s26, $0x1;
	s7 =	sor.u32 $0x1C07, s31;
	s8 =	sadd.s32 s9, s8  }
0xd: {  	s9 =	sshrl.u32 s25, $0x2;
	s11 =	ssub.s32 s26, s29;
	s15 =	sadd.s32 s30, s10  }
0xe: {  	s25 =	simm.s32 $0x6;
	s26 =	simm.s32 $0x0;
	s8 =	sshrl.u32 s8, $0x3  }
0xf: {  	s13 =	sadd.s32 s9, s1;
	s12 =	sadd.s32 s8, s6;
	s8 =	smul.u32 $0xA00, s28  }
0x10: {  	s9 =	sadd.s32 $0x92A00, s12;
	s12 =	sshrl.u32 s13, $0x3;
	s13 =	simm.s32 $0x7  }
0x11: {  	v0 =	vlaneseq.u32;
	s6 =	sadd.s32 s10, s8;
	s10 =	smax.u32 s11, $0x1;
	s11 =	sadd.s32 s14, s15  }
0x12: {  	v0 =	vor.u32 $0x2710, v0;
	s14 =	simm.s32 $0x80;
	s15 =	simm.s32 $0x300;
	s8 =	sadd.s32 $0x20, s6  }
.LBB2_1:
0x13: {  	[spmem:s12], [sflag:s7] =	dma.local [hbm:s5], $0x2800  }
0x14: {  	_ =	swait.ge [sflag:s13], $0x2800  }
0x15: {  	[sflag:s13] =	ssyncset.done $0x0  }
0x16: {  	[sflag:s13] =	ssyncadd.s32 $0xFFFFD800  }
0x17: {  	[bflag:$0x0] =	sbarrier.arrive $0xFFFF  }
0x18: {  	[tilespmem:s3], [sflag:$0x7] =	stream.linear.gather [hbm4b:s6+s3], $0x100, $0x38;
	[tilespmem:$0x1C300] =	vst v63  }
0x19: {  	_ =	swait.ge [sflag:s13], $0x100  }
0x1a: {  	[sflag:s13] =	ssyncset.done $0x0  }
0x1b: {  	[sflag:s13] =	ssyncadd.s32 $0xFFFFFF00  }
0x1c: {  	v1 =	vld [tilespmem:$0x0]  }
0x1d: {  	v2 =	vld [tilespmem:$0x80]  }
0x1e: {  	v3 =	vld [tilespmem:$0x10]  }
0x1f: {  	v4 =	vld [tilespmem:$0x90]  }
0x20: {  	v5 =	vld [tilespmem:$0x20]  }
0x21: {  	v6 =	vld [tilespmem:$0xA0]  }
0x22: {  	v7 =	vld [tilespmem:$0x30]  }
0x23: {  	v8 =	vld [tilespmem:$0xB0]  }
0x24: {  	v9 =	vld [tilespmem:$0x40]  }
0x25: {  	v10 =	vld [tilespmem:$0xC0]  }
0x26: {  	v11 =	vld [tilespmem:$0x50]  }
0x27: {  	v12 =	vld [tilespmem:$0xD0]  }
0x28: {  	v13 =	vld [tilespmem:$0x60]  }
0x29: {  	vm0 =	veq.s32 v1, v2;
	v1 =	vld [tilespmem:$0xE0]  }
0x2a: {  	vm9 =	veq.s32 v3, v4;
	v3 =	vld [tilespmem:$0x70];
	v2 =	vsel vm0, v0, v2  }
0x2b: {  	vm10 =	veq.s32 v5, v6;
	[tilespmem:$0x200] =	vst v2;
	v2 =	vsel vm9, v0, v4;
	v4 =	vld [tilespmem:$0xF0]  }
0x2c: {  	vm11 =	veq.s32 v7, v8;
	[tilespmem:$0x210] =	vst v2;
	v2 =	vsel vm10, v0, v6  }
0x2d: {  	vm12 =	veq.s32 v9, v10;
	[tilespmem:$0x220] =	vst v2;
	v2 =	vsel vm11, v0, v8  }
0x2e: {  	vm13 =	veq.s32 v11, v12;
	[tilespmem:$0x230] =	vst v2;
	v2 =	vsel vm12, v0, v10  }
0x2f: {  	vm14 =	veq.s32 v13, v1;
	[tilespmem:$0x240] =	vst v2;
	v2 =	vsel vm13, v0, v12  }
0x30: {  	v1 =	vsel vm14, v0, v1;
	[tilespmem:$0x250] =	vst v2;
	vm15 =	veq.s32 v3, v4  }
0x31: {  	[tilespmem:$0x260] =	vst v1;
	v1 =	vsel vm15, v0, v4  }
0x32: {  	[tilespmem:$0x270] =	vst v1  }
0x33: {  	[tilespmem:s15], [sflag:$0x3] =	stream.indirect.gather [hbm4b:s4+s14], $0x80, s3, s14, $0xb8;
	[tilespmem:$0x1C300] =	vst v63  }
0x34: {  	_ = 	snop  }
0x35: {  	[tilespmem:s16], [sflag:$0x2] =	stream.linear.gather [hbm4b:s8+s3], $0x100, $0x38;
	[tilespmem:$0x1C300] =	vst v63  }
0x36: {  	_ =	swait.ge [sflag:s17], $0x4000  }
0x37: {  	p0 =	por $0x1, $0x1;
	[sflag:s17] =	ssyncset.done $0x0  }
0x38: {  	s28 =	simm.s32 @!p0 $0x6;
	[sflag:s17] =	ssyncadd.s32 $0xFFFFC000  }
0x39: {  	[spmem:s1] =	stream.indirect.scatter.add.f32 [tilespmem:s15], [sflag:$0x5], $0x80, s18, s14, $0xb8;
	[tilespmem:$0x1C300] =	vst v63  }
0x3a: {  	_ =	swait.ge @!p0 [sflag:s28], $0x4000  }
0x3b: {  	[sflag:s28] =	ssyncset.done @!p0 $0x0  }
0x3c: {  	[sflag:s28] =	ssyncadd.s32 @!p0 $0xFFFFC000  }
0x3d: {  	_ =	swait.ge [sflag:s19], $0x100  }
0x3e: {  	[sflag:s19] =	ssyncset.done $0x0  }
0x3f: {  	[sflag:s19] =	ssyncadd.s32 $0xFFFFFF00  }
0x40: {  	v4 =	vld [tilespmem:$0x150]  }
0x41: {  	v2 =	vld [tilespmem:$0x1B0]  }
0x42: {  	v3 =	vld [tilespmem:$0x1C0]  }
0x43: {  	v1 =	vld [tilespmem:$0x1E0]  }
0x44: {  	v7 =	vld [tilespmem:$0x120]  }
0x45: {  	v6 =	vld [tilespmem:$0x1A0]  }
0x46: {  	s29 =	simm.s32 $0xFFFFF640;
	s28 =	simm.s32 $0xFFFFF600;
	v5 =	vld [tilespmem:$0x1D0]  }
.LBB2_2:
0x47: {  	v8 =	vld [tilespmem:$0x170];
	s31 =	smov.u32 s29;
	s29 =	sadd.s32 $0x40, s29  }
0x48: {  	p0 =	sne.s32 s29, $0x0;
	v9 =	vld [tilespmem:$0x140]  }
0x49: {  	v10 =	vld [tilespmem:$0x1F0]  }
0x4a: {  	vm0 =	veq.s32 v7, v6;
	v7 =	vld [tilespmem:$0x130]  }
0x4b: {  	v6 =	vsel vm0, v0, v6;
	vm0 =	veq.s32 v4, v5;
	v4 =	vld [tilespmem:$0x160]  }
0x4c: {  	v11 =	vld [tilespmem:$0x190];
	[tilespmem:$0x2A0] =	vst v6;
	v5 =	vsel vm0, v0, v5  }
0x4d: {  	v6 =	vld [tilespmem:$0x100];
	vm0 =	veq.s32 v9, v3;
	[tilespmem:$0x2D0] =	vst v5  }
0x4e: {  	v5 =	vld [tilespmem:$0x110];
	v3 =	vsel vm0, v0, v3;
	vm0 =	veq.s32 v8, v10  }
0x4f: {  	v8 =	vld [tilespmem:$0x180];
	vm1 =	veq.s32 v7, v2;
	[tilespmem:$0x2C0] =	vst v3;
	v3 =	vsel vm0, v0, v10  }
0x50: {  	v2 =	vsel vm1, v0, v2;
	vm0 =	veq.s32 v4, v1;
	[tilespmem:$0x2F0] =	vst v3  }
0x51: {  	[tilespmem:$0x2B0] =	vst v2;
	v1 =	vsel vm0, v0, v1  }
0x52: {  	[tilespmem:$0x2E0] =	vst v1  }
0x53: {  	vm0 =	veq.s32 v5, v11  }
0x54: {  	vm1 =	veq.s32 v6, v8;
	v1 =	vsel vm0, v0, v11  }
0x55: {  	v2 =	vsel vm1, v0, v8;
	[tilespmem:$0x290] =	vst v1  }
0x56: {  	s30 =	sadd.s32 s28, s11;
	s28 =	smov.u32 s31;
	[tilespmem:$0x280] =	vst v2  }
0x57: {  	[tilespmem:s20], [sflag:$0x4] =	stream.indirect.gather [hbm4b:s4+s14], $0x80, s16, s14, $0xb8;
	[tilespmem:$0x1C300] =	vst v63  }
0x58: {  	s31 =	sadd.s32 $0xA40, s30  }
0x59: {  	[tilespmem:s3], [sflag:$0x1] =	stream.linear.gather [hbm4b:s31+s3], $0x100, $0x38;
	[tilespmem:$0x1C300] =	vst v63  }
0x5a: {  	_ =	swait.ge [sflag:s21], $0x4000  }
0x5b: {  	[sflag:s21] =	ssyncset.done $0x0  }
0x5c: {  	[sflag:s21] =	ssyncadd.s32 $0xFFFFC000  }
0x5d: {  	[spmem:s1] =	stream.indirect.scatter.add.f32 [tilespmem:s20], [sflag:$0x6], $0x80, s22, s14, $0xb8;
	[tilespmem:$0x1C300] =	vst v63  }
0x5e: {  	_ =	swait.ge [sflag:s23], $0x4000  }
0x5f: {  	[sflag:s23] =	ssyncset.done $0x0  }
0x60: {  	[sflag:s23] =	ssyncadd.s32 $0xFFFFC000  }
0x61: {  	_ =	swait.ge [sflag:s24], $0x100  }
0x62: {  	[sflag:s24] =	ssyncset.done $0x0  }
0x63: {  	[sflag:s24] =	ssyncadd.s32 $0xFFFFFF00  }
0x64: {  	v1 =	vld [tilespmem:$0x0]  }
0x65: {  	v2 =	vld [tilespmem:$0x80]  }
0x66: {  	v3 =	vld [tilespmem:$0x10]  }
0x67: {  	v4 =	vld [tilespmem:$0x90]  }
0x68: {  	v5 =	vld [tilespmem:$0x20]  }
0x69: {  	v6 =	vld [tilespmem:$0xA0]  }
0x6a: {  	vm0 =	veq.s32 v1, v2;
	v1 =	vld [tilespmem:$0x30]  }
0x6b: {  	v2 =	vsel vm0, v0, v2;
	v7 =	vld [tilespmem:$0xB0]  }
0x6c: {  	[tilespmem:$0x200] =	vst v2;
	vm0 =	veq.s32 v3, v4;
	v2 =	vld [tilespmem:$0x40]  }
0x6d: {  	v3 =	vsel vm0, v0, v4;
	v4 =	vld [tilespmem:$0x50]  }
0x6e: {  	[tilespmem:$0x210] =	vst v3;
	vm0 =	veq.s32 v5, v6;
	v3 =	vld [tilespmem:$0xD0]  }
0x6f: {  	v5 =	vsel vm0, v0, v6;
	v6 =	vld [tilespmem:$0x60]  }
0x70: {  	[tilespmem:$0x220] =	vst v5;
	vm0 =	veq.s32 v1, v7;
	v1 =	vld [tilespmem:$0xC0]  }
0x71: {  	v5 =	vsel vm0, v0, v7;
	v7 =	vld [tilespmem:$0xE0]  }
0x72: {  	[tilespmem:$0x230] =	vst v5;
	v5 =	vld [tilespmem:$0xF0]  }
0x73: {  	vm0 =	veq.s32 v4, v3;
	v4 =	vld [tilespmem:$0x70]  }
0x74: {  	v3 =	vsel vm0, v0, v3  }
0x75: {  	vm0 =	veq.s32 v2, v1;
	[tilespmem:$0x250] =	vst v3  }
0x76: {  	v1 =	vsel vm0, v0, v1;
	vm0 =	veq.s32 v6, v7  }
0x77: {  	[tilespmem:$0x240] =	vst v1;
	v1 =	vsel vm0, v0, v7  }
0x78: {  	[tilespmem:$0x260] =	vst v1;
	vm0 =	veq.s32 v4, v5  }
0x79: {  	v1 =	vsel vm0, v0, v5  }
0x7a: {  	[tilespmem:$0x270] =	vst v1  }
0x7b: {  	[tilespmem:s15], [sflag:$0x3] =	stream.indirect.gather [hbm4b:s4+s14], $0x80, s3, s14, $0xb8;
	[tilespmem:$0x1C300] =	vst v63  }
0x7c: {  	s30 =	sadd.s32 $0xA60, s30  }
0x7d: {  	[tilespmem:s16], [sflag:$0x2] =	stream.linear.gather [hbm4b:s30+s3], $0x100, $0x38;
	[tilespmem:$0x1C300] =	vst v63  }
0x7e: {  	_ =	swait.ge [sflag:s17], $0x4000  }
0x7f: {  	[sflag:s17] =	ssyncset.done $0x0  }
0x80: {  	p1 =	seq.s32 s28, $0xFFFFF600;
	[sflag:s17] =	ssyncadd.s32 $0xFFFFC000  }
0x81: {  	[spmem:s1] =	stream.indirect.scatter.add.f32 [tilespmem:s15], [sflag:$0x5], $0x80, s18, s14, $0xb8;
	[tilespmem:$0x1C300] =	vst v63  }
0x82: {  	s30 =	simm.s32 @!p1 $0x6  }
0x83: {  	_ =	swait.ge @!p1 [sflag:s30], $0x4000  }
0x84: {  	[sflag:s30] =	ssyncset.done @!p1 $0x0  }
0x85: {  	[sflag:s30] =	ssyncadd.s32 @!p1 $0xFFFFC000  }
0x86: {  	_ =	swait.ge [sflag:s19], $0x100  }
0x87: {  	[sflag:s19] =	ssyncset.done $0x0  }
0x88: {  	[sflag:s19] =	ssyncadd.s32 $0xFFFFFF00  }
0x89: {  	v4 =	vld [tilespmem:$0x150]  }
0x8a: {  	v2 =	vld [tilespmem:$0x1B0]  }
.Ltmp0:
0x8b: {  	v3 =	vld [tilespmem:$0x1C0];
	(pc) =	sbr.rel @p0 .LBB2_2-.Ltmp0, $4  }
0x8c: {  	v1 =	vld [tilespmem:$0x1E0]  }
0x8d: {  	v7 =	vld [tilespmem:$0x120]  }
0x8e: {  	v6 =	vld [tilespmem:$0x1A0]  }
0x8f: {  	v5 =	vld [tilespmem:$0x1D0]  }
0x90: {  	v8 =	vld [tilespmem:$0x170]  }
0x91: {  	v9 =	vld [tilespmem:$0x140]  }
0x92: {  	v10 =	vld [tilespmem:$0x1F0]  }
0x93: {  	v11 =	vld [tilespmem:$0x130]  }
0x94: {  	v12 =	vld [tilespmem:$0x160]  }
0x95: {  	v13 =	vld [tilespmem:$0x190]  }
0x96: {  	v50 =	vld [tilespmem:$0x100];
	vm0 =	veq.s32 v7, v6  }
0x97: {  	v51 =	vld [tilespmem:$0x110];
	v6 =	vsel vm0, v0, v6;
	vm14 =	veq.s32 v4, v5  }
0x98: {  	v52 =	vld [tilespmem:$0x180];
	[tilespmem:$0x2A0] =	vst v6;
	v5 =	vsel vm14, v0, v5;
	vm15 =	veq.s32 v9, v3  }
0x99: {  	vm1 =	veq.s32 v11, v2;
	[tilespmem:$0x2D0] =	vst v5;
	v3 =	vsel vm15, v0, v3  }
0x9a: {  	vm5 =	veq.s32 v12, v1;
	v2 =	vsel vm1, v0, v2;
	[tilespmem:$0x2C0] =	vst v3  }
0x9b: {  	vm4 =	veq.s32 v8, v10;
	v1 =	vsel vm5, v0, v1;
	[tilespmem:$0x2B0] =	vst v2  }
0x9c: {  	vm6 =	veq.s32 v51, v13;
	v3 =	vsel vm4, v0, v10;
	[tilespmem:$0x2E0] =	vst v1  }
0x9d: {  	vm7 =	veq.s32 v50, v52;
	v1 =	vsel vm6, v0, v13;
	[tilespmem:$0x2F0] =	vst v3  }
0x9e: {  	v2 =	vsel vm7, v0, v52;
	[tilespmem:$0x290] =	vst v1  }
0x9f: {  	s28 =	sadd.s32 s28, s11;
	[tilespmem:$0x280] =	vst v2  }
0xa0: {  	[tilespmem:s20], [sflag:$0x4] =	stream.indirect.gather [hbm4b:s4+s14], $0x80, s16, s14, $0xb8;
	[tilespmem:$0x1C300] =	vst v63  }
0xa1: {  	s29 =	sadd.s32 $0xA40, s28  }
0xa2: {  	[tilespmem:s3], [sflag:$0x1] =	stream.linear.gather [hbm4b:s29+s3], $0x100, $0x38;
	[tilespmem:$0x1C300] =	vst v63  }
0xa3: {  	_ =	swait.ge [sflag:s21], $0x4000  }
0xa4: {  	[sflag:s21] =	ssyncset.done $0x0  }
0xa5: {  	[sflag:s21] =	ssyncadd.s32 $0xFFFFC000  }
0xa6: {  	[spmem:s1] =	stream.indirect.scatter.add.f32 [tilespmem:s20], [sflag:$0x6], $0x80, s22, s14, $0xb8;
	[tilespmem:$0x1C300] =	vst v63  }
0xa7: {  	_ =	swait.ge [sflag:s23], $0x4000  }
0xa8: {  	[sflag:s23] =	ssyncset.done $0x0  }
0xa9: {  	[sflag:s23] =	ssyncadd.s32 $0xFFFFC000  }
0xaa: {  	_ =	swait.ge [sflag:s24], $0x100  }
0xab: {  	[sflag:s24] =	ssyncset.done $0x0  }
0xac: {  	[sflag:s24] =	ssyncadd.s32 $0xFFFFFF00  }
0xad: {  	v1 =	vld [tilespmem:$0x0]  }
0xae: {  	v2 =	vld [tilespmem:$0x80]  }
0xaf: {  	v3 =	vld [tilespmem:$0x10]  }
0xb0: {  	v53 =	vld [tilespmem:$0x90]  }
0xb1: {  	v54 =	vld [tilespmem:$0x20]  }
0xb2: {  	v55 =	vld [tilespmem:$0xA0]  }
0xb3: {  	v56 =	vld [tilespmem:$0x30]  }
0xb4: {  	v57 =	vld [tilespmem:$0xB0]  }
0xb5: {  	v58 =	vld [tilespmem:$0x40]  }
0xb6: {  	v59 =	vld [tilespmem:$0x50]  }
0xb7: {  	v60 =	vld [tilespmem:$0xD0]  }
0xb8: {  	v61 =	vld [tilespmem:$0x60]  }
0xb9: {  	v62 =	vld [tilespmem:$0xC0]  }
0xba: {  	v63 =	vld [tilespmem:$0x70];
	vm8 =	veq.s32 v1, v2  }
0xbb: {  	v1 =	vld [tilespmem:$0xE0];
	vm9 =	veq.s32 v3, v53;
	v2 =	vsel vm8, v0, v2  }
0xbc: {  	v3 =	vld [tilespmem:$0xF0];
	vm10 =	veq.s32 v54, v55;
	[tilespmem:$0x200] =	vst v2;
	v2 =	vsel vm9, v0, v53  }
0xbd: {  	vm11 =	veq.s32 v56, v57;
	[tilespmem:$0x210] =	vst v2;
	v2 =	vsel vm10, v0, v55  }
0xbe: {  	vm12 =	veq.s32 v59, v60;
	[tilespmem:$0x220] =	vst v2;
	v2 =	vsel vm11, v0, v57  }
0xbf: {  	vm13 =	veq.s32 v58, v62;
	[tilespmem:$0x230] =	vst v2;
	v2 =	vsel vm12, v0, v60  }
0xc0: {  	vm14 =	veq.s32 v61, v1;
	[tilespmem:$0x250] =	vst v2;
	v2 =	vsel vm13, v0, v62  }
0xc1: {  	vm15 =	veq.s32 v63, v3;
	v1 =	vsel vm14, v0, v1;
	[tilespmem:$0x240] =	vst v2  }
0xc2: {  	[tilespmem:$0x260] =	vst v1;
	v1 =	vsel vm15, v0, v3  }
0xc3: {  	[tilespmem:$0x270] =	vst v1  }
0xc4: {  	[tilespmem:s15], [sflag:$0x3] =	stream.indirect.gather [hbm4b:s4+s14], $0x80, s3, s14, $0xb8;
	[tilespmem:$0x1C300] =	vst v63  }
0xc5: {  	s28 =	sadd.s32 $0xA60, s28  }
0xc6: {  	[tilespmem:s16], [sflag:$0x2] =	stream.linear.gather [hbm4b:s28+s3], $0x100, $0x38;
	[tilespmem:$0x1C300] =	vst v63  }
0xc7: {  	_ =	swait.ge [sflag:s25], $0x4000  }
0xc8: {  	[sflag:s25] =	ssyncset.done $0x0  }
0xc9: {  	[sflag:s25] =	ssyncadd.s32 $0xFFFFC000  }
0xca: {  	_ =	swait.ge [sflag:s17], $0x4000  }
0xcb: {  	[sflag:s17] =	ssyncset.done $0x0  }
0xcc: {  	[sflag:s17] =	ssyncadd.s32 $0xFFFFC000  }
0xcd: {  	_ =	swait.ge [sflag:s19], $0x100  }
0xce: {  	s26 =	sadd.s32 $0x1, s26;
	[sflag:s19] =	ssyncset.done $0x0  }
0xcf: {  	p0 =	sne.s32 s26, s10;
	[sflag:s19] =	ssyncadd.s32 $0xFFFFFF00  }
.Ltmp1:
0xd0: {  	[bflag:$0x0] =	sbarrier.arrive $0xFFFF;
	(pc) =	sbr.rel @p0 .LBB2_1-.Ltmp1, $4  }
0xd1: {  	[hbm:s9], [sflag:s7] =	dma.local [spmem:s12], $0x2800  }
0xd2: {  	_ =	swait.ge [sflag:s13], $0x2800  }
0xd3: {  	[sflag:s13] =	ssyncset.done $0x0  }
0xd4: {  	[sflag:s13] =	ssyncadd.s32 $0xFFFFD800  }
0xd5: {  	_ =	sfence.sel $0x180000  }
0xd6: {  	[bflag:$0x0] =	sbarrier.arrive $0xFFFF  }
0xd7: {  	p0 =	sne.s32 s2, $0x0;
	_ =	strace $0x9000004A  }
0xd8: {  	s0 =	sadd.s32 @!p0 $0x100000, s0;
	[bflag:$0x2] =	sbarrier.arrive $0xFFFF  }
0xd9: {  	[sflag:s0] =	ssyncadd.tile.s32 @!p0 $0x1;
	_ =	shalt  }
.Lfunc_end2:
_tile_overlayer_lowered:
.L_overlay_start_2:
0xda: {  	(tag) =	ssettag $0x2  }
0xdb: {  	s0 =	rddreg [dreg:$0x0];
	s2 =	stileid.u32  }
0xdc: {  	s1 =	rddreg [dreg:$0x1];
	p0 =	sne.s32 s2, $0x0  }
0xdd: {  	s3 =	rddreg [dreg:$0x2];
	[bflag:$0x3] =	sbarrier.arrive $0xFFFF;
	s2 =	simm.s32 @!p0 $0x1C07  }
0xde: {  	[timem:s3], [sflag:s2] =	dma.local @!p0 [hbm:s0], s1  }
0xdf: {  	s0 =	simm.s32 @!p0 $0x7  }
0xe0: {  	_ =	swait.ge @!p0 [sflag:s0], s1  }
0xe1: {  	s1 =	ssub.s32 @!p0 $0x0, s1;
	[sflag:s0] =	ssyncset.done @!p0 $0x0  }
0xe2: {  	[sflag:s0] =	ssyncadd.s32 @!p0 s1  }
0xe3: {  	[bflag:$0x3] =	sbarrier.arrive $0xFFFF  }
0xe4: {  	_ =	shalt  }

</sc_bundles>
